<compile_context>
chip_gen: v7x
topology: tpu7x:2x2x1
jax: 0.10.2.dev20260603
libtpu: 0.0.44.dev20260713+nightly
codegen_flags: <defaults>
</compile_context>

<pallas_src>
import functools

import jax
import jax.numpy as jnp
from jax import lax
from jax.experimental import pallas as pl
from jax.experimental.pallas import tpu as pltpu
from jax.experimental.pallas import tpu_sc as plsc

_K = 64
_NR = 2
_GW = _NR * _K
_B = 16384
_NW = 32
_L = 16
_EPS = 1e-40
_LN2 = 0.6931471805599453

_SC_ROWS = 1024
_TC_ROWS = _B - _SC_ROWS
_RPW = _SC_ROWS // _NW
_GROUPS = _RPW // _L
_TC_BLK = 3840


def _soft_log(x):
    bits = lax.bitcast_convert_type(x, jnp.int32)
    e = (bits >> 23) - 127
    m = lax.bitcast_convert_type(
        (bits & 0x007FFFFF) | 0x3F800000, jnp.float32)
    big = m > 1.4142135
    m = jnp.where(big, m * 0.5, m)
    ef = e.astype(jnp.float32)
    ef = jnp.where(big, ef + 1.0, ef)
    r = (m - 1.0) / (m + 1.0)
    r2 = r * r
    p = 2.0 * r * (1.0 + r2 * (1.0 / 3.0 + r2 * (0.2 + r2 * (1.0 / 7.0))))
    return ef * _LN2 + p


def _rule_log_term(t):
    s = 1.0 / (1.0 + jnp.exp(-t))
    return _soft_log(1.0 - s + _EPS)


def _tree_sum(vals):
    while len(vals) > 1:
        vals = [a + b for a, b in zip(vals[::2], vals[1::2])]
    return vals[0]


@functools.partial(
    pl.kernel,
    out_type=jax.ShapeDtypeStruct((_SC_ROWS,), jnp.float32),
    mesh=plsc.VectorSubcoreMesh(core_axis_name="c", subcore_axis_name="s"),
    scratch_types=[
        pltpu.VMEM((_RPW, _GW), jnp.float32),
        pltpu.VMEM((_RPW, _K), jnp.float32),
        pltpu.VMEM((_RPW,), jnp.float32),
        pltpu.SemaphoreType.DMA,
    ],
    compiler_params=pltpu.CompilerParams(
        needs_layout_passes=False,
        disable_bounds_checks=True,
        skip_device_barrier=True,
        use_tc_tiling_on_sc=False,
    ),
)
def _sc_fwd(gu_hbm, gi_hbm, out_hbm, gu_v, gi_v, out_v, dsem):
    wid = lax.axis_index("s") * 2 + lax.axis_index("c")
    base = wid * _RPW
    hu = pltpu.async_copy(gu_hbm.at[pl.ds(base, _RPW)], gu_v, dsem)
    hi = pltpu.async_copy(gi_hbm.at[pl.ds(base, _RPW)], gi_v, dsem)
    hu.wait()
    hi.wait()

    def group(g):
        lane = lax.iota(jnp.int32, _L)
        rows = lane + g * _L
        p0, p1 = [], []
        for j in range(_K):
            o = (lane + j) & (_K - 1)
            giv = plsc.load_gather(gi_v, [rows, o])
            u0 = plsc.load_gather(gu_v, [rows, o])
            u1 = plsc.load_gather(gu_v, [rows, o + _K])
            p0.append(u0 * giv)
            p1.append(u1 * giv)
        sum_log = (_rule_log_term(_tree_sum(p0))
                   + _rule_log_term(_tree_sum(p1)))
        out_v[pl.ds(g * _L, _L)] = 1.0 - (-1.0 / (-1.0 + sum_log))

    plsc.parallel_loop(0, _GROUPS, 1, unroll=2)(group)
    pltpu.sync_copy(out_v, out_hbm.at[pl.ds(base, _RPW)])


def _tc_body(gu_ref, git_ref, out_ref):
    gu = gu_ref[...]
    gi = lax.transpose(git_ref[...], (1, 0))
    prod = gu * jnp.concatenate([gi, gi], axis=1)
    sel = (lax.broadcasted_iota(jnp.int32, (_NR, _GW), 0)
           == lax.broadcasted_iota(jnp.int32, (_NR, _GW), 1) // _K
           ).astype(jnp.float32)
    t = jax.lax.dot_general(sel, prod, (((1,), (1,)), ((), ())),
                            preferred_element_type=jnp.float32)
    s = 1.0 / (1.0 + jnp.exp(-t))
    sum_log = jnp.sum(jnp.log(1.0 - s + _EPS), axis=0, keepdims=True)
    out_ref[...] = 1.0 - (-1.0 / (-1.0 + sum_log))


_tc_fwd = pl.pallas_call(
    _tc_body,
    out_shape=jax.ShapeDtypeStruct((1, _TC_ROWS), jnp.float32),
    grid=(_TC_ROWS // _TC_BLK,),
    in_specs=[
        pl.BlockSpec((_TC_BLK, _GW), lambda i: (i, 0)),
        pl.BlockSpec((_K, _TC_BLK), lambda i: (0, i)),
    ],
    out_specs=pl.BlockSpec((1, _TC_BLK), lambda i: (0, i)),
)


def kernel(gu, gi):
    xui_sc = _sc_fwd(gu[_TC_ROWS:], gi[_TC_ROWS:])
    xui_tc = _tc_fwd(gu, gi.T).reshape(_TC_ROWS)
    return jnp.concatenate([xui_tc, xui_sc])

# --- scband reference (transcript-rebuilt; emitter-appended) ---
"""Pipeline reference for scband-rbrsgnnmultiplemodel-88364657147991 (READ-ONLY COPY).

The authoritative reference and input builder live on the scoring server;
editing this copy changes nothing except your own understanding.
"""

import jax, jax.numpy as jnp
import numpy as np

EMBED_K = 64
NR = 2
EPSILON = 1e-40
BATCH = 16384


def setup_inputs(seed: int = 0) -> dict:
    key = jax.random.key(seed)
    k1, k2 = jax.random.split(key)
    gu = jax.random.normal(k1, (BATCH, NR * EMBED_K), dtype=jnp.float32)
    gi = jax.random.normal(k2, (BATCH, EMBED_K), dtype=jnp.float32)
    return {"gu": gu, "gi": gi}


def reference(gu, gi):
    # forward: per-rule predicate dot products, sigmoid, then disjunction rule
    gu = jnp.squeeze(gu)
    gamma_i = jnp.squeeze(gi)
    predicate_scores = []
    for r in range(NR):
        gamma_u_r = gu[:, r * EMBED_K:(r + 1) * EMBED_K]
        predicate_score = jnp.sum(gamma_u_r * gamma_i, axis=-1)
        predicate_scores.append(predicate_score[:, None])
    predicate_score_tensor = jax.nn.sigmoid(jnp.concatenate(predicate_scores, axis=1))
    # disjunction_rule
    expr = 1.0 - predicate_score_tensor + EPSILON
    log_expr = jnp.log(expr)
    sum_log_expr = jnp.sum(log_expr, axis=1)
    xui = 1.0 - (-1.0 / (-1.0 + sum_log_expr))
    return xui

if __name__ == "__main__":
    import jax
    _d = setup_inputs()
    print(jax.jit(kernel)(*tuple(_d.values())))

</pallas_src>

<mosaic_0001>
#map = affine_map<(d0, d1) -> (0, 0)>
#map1 = affine_map<(d0, d1) -> (0)>
module attributes {stable_mosaic.version = 14 : i64} {
  func.func @_sc_fwd(%arg0: i32, %arg1: i32, %arg2: memref<1024x128xf32, #tpu.memory_space<hbm>>, %arg3: memref<1024x64xf32, #tpu.memory_space<hbm>>, %arg4: memref<1024xf32, #tpu.memory_space<hbm>>, %arg5: memref<32x128xf32, #tpu.memory_space<vmem>>, %arg6: memref<32x64xf32, #tpu.memory_space<vmem>>, %arg7: memref<32xf32, #tpu.memory_space<vmem>>, %arg8: memref<!tpu.dma_semaphore, #tpu.memory_space<semaphore_mem>>) attributes {dimension_semantics = [#tpu.dimension_semantics<core_parallel>, #tpu.dimension_semantics<subcore_parallel>], iteration_bounds = array<i64: 2, 16>, scalar_prefetch = 0 : i64, scratch_operands = 4 : i64, tpu.core_type = #tpu.core_type<sc_vector_subcore>, window_params = [{transform_indices = #map}, {transform_indices = #map}, {transform_indices = #map1}]} {
    %mul3A = arith.constant 2 : i32
    %mul3A_0 = arith.muli %arg1, %mul3A : i32
    %add3A = arith.addi %mul3A_0, %arg0 : i32
    %mul3A_1 = arith.constant 32 : i32
    %mul3A_2 = arith.muli %add3A, %mul3A_1 : i32
    %dma_start3A = arith.constant 0 : i32
    %dma_start3A_3 = tpu.memref_slice %arg2[%mul3A_2, %dma_start3A] : memref<1024x128xf32, #tpu.memory_space<hbm>> -> memref<32x128xf32, #tpu.memory_space<hbm>>
    %dma_start3A_4 = arith.constant 0 : i32
    %dma_start3A_5 = tpu.memref_slice %arg2[%mul3A_2, %dma_start3A_4] : memref<1024x128xf32, #tpu.memory_space<hbm>> -> memref<32x128xf32, #tpu.memory_space<hbm>>
    tpu.enqueue_dma source(%dma_start3A_5 : memref<32x128xf32, #tpu.memory_space<hbm>>) target(%arg5 : memref<32x128xf32, #tpu.memory_space<vmem>>) target_semaphore(%arg8 : memref<!tpu.dma_semaphore, #tpu.memory_space<semaphore_mem>>)
    %dma_start3A_6 = arith.constant 0 : i32
    %dma_start3A_7 = tpu.memref_slice %arg3[%mul3A_2, %dma_start3A_6] : memref<1024x64xf32, #tpu.memory_space<hbm>> -> memref<32x64xf32, #tpu.memory_space<hbm>>
    %dma_start3A_8 = arith.constant 0 : i32
    %dma_start3A_9 = tpu.memref_slice %arg3[%mul3A_2, %dma_start3A_8] : memref<1024x64xf32, #tpu.memory_space<hbm>> -> memref<32x64xf32, #tpu.memory_space<hbm>>
    tpu.enqueue_dma source(%dma_start3A_9 : memref<32x64xf32, #tpu.memory_space<hbm>>) target(%arg6 : memref<32x64xf32, #tpu.memory_space<vmem>>) target_semaphore(%arg8 : memref<!tpu.dma_semaphore, #tpu.memory_space<semaphore_mem>>)
    %dma_wait3A = arith.constant 0 : i32
    %dma_wait3A_10 = tpu.memref_slice %arg2[%mul3A_2, %dma_wait3A] : memref<1024x128xf32, #tpu.memory_space<hbm>> -> memref<32x128xf32, #tpu.memory_space<hbm>>
    %dma_wait3A_11 = arith.constant 0 : i32
    %dma_wait3A_12 = tpu.memref_slice %arg2[%mul3A_2, %dma_wait3A_11] : memref<1024x128xf32, #tpu.memory_space<hbm>> -> memref<32x128xf32, #tpu.memory_space<hbm>>
    tpu.wait_dma2 semaphore(%arg8 : memref<!tpu.dma_semaphore, #tpu.memory_space<semaphore_mem>>) src(%dma_wait3A_12 : memref<32x128xf32, #tpu.memory_space<hbm>>) dst(%arg5 : memref<32x128xf32, #tpu.memory_space<vmem>>)
    %dma_wait3A_13 = arith.constant 0 : i32
    %dma_wait3A_14 = tpu.memref_slice %arg3[%mul3A_2, %dma_wait3A_13] : memref<1024x64xf32, #tpu.memory_space<hbm>> -> memref<32x64xf32, #tpu.memory_space<hbm>>
    %dma_wait3A_15 = arith.constant 0 : i32
    %dma_wait3A_16 = tpu.memref_slice %arg3[%mul3A_2, %dma_wait3A_15] : memref<1024x64xf32, #tpu.memory_space<hbm>> -> memref<32x64xf32, #tpu.memory_space<hbm>>
    tpu.wait_dma2 semaphore(%arg8 : memref<!tpu.dma_semaphore, #tpu.memory_space<semaphore_mem>>) src(%dma_wait3A_16 : memref<32x64xf32, #tpu.memory_space<hbm>>) dst(%arg6 : memref<32x64xf32, #tpu.memory_space<vmem>>)
    %parallel_loop3A = arith.constant 0 : i32
    %parallel_loop3A_17 = arith.constant 2 : i32
    %parallel_loop3A_18 = arith.constant 1 : i32
    scf.for %parallel_loop3A_19 = %parallel_loop3A to %parallel_loop3A_17 step %parallel_loop3A_18  : i32 {
      %parallel_loop3A_20 = tpu.iota {dimensions = array<i32: 0>} : vector<16xi32>
      %parallel_loop3A_21 = arith.constant 16 : i32
      %parallel_loop3A_22 = arith.muli %parallel_loop3A_19, %parallel_loop3A_21 : i32
      %parallel_loop3A_23 = vector.broadcast %parallel_loop3A_22 : i32 to vector<16xi32>
      %parallel_loop3A_24 = arith.addi %parallel_loop3A_20, %parallel_loop3A_23 : vector<16xi32>
      %parallel_loop3A_25 = arith.constant 0 : i32
      %parallel_loop3A_26 = vector.broadcast %parallel_loop3A_25 : i32 to vector<16xi32>
      %parallel_loop3A_27 = arith.addi %parallel_loop3A_20, %parallel_loop3A_26 : vector<16xi32>
      %parallel_loop3A_28 = arith.constant 63 : i32
      %parallel_loop3A_29 = vector.broadcast %parallel_loop3A_28 : i32 to vector<16xi32>
      %parallel_loop3A_30 = arith.andi %parallel_loop3A_27, %parallel_loop3A_29 : vector<16xi32>
      %parallel_loop3A_31 = tpu.vector_load_idx %arg6[%parallel_loop3A_24, %parallel_loop3A_30] : memref<32x64xf32, #tpu.memory_space<vmem>>[vector<16xi32>, vector<16xi32>], vector<16xf32>,
      %parallel_loop3A_32 = tpu.vector_load_idx %arg5[%parallel_loop3A_24, %parallel_loop3A_30] : memref<32x128xf32, #tpu.memory_space<vmem>>[vector<16xi32>, vector<16xi32>], vector<16xf32>,
      %parallel_loop3A_33 = arith.constant 64 : i32
      %parallel_loop3A_34 = vector.broadcast %parallel_loop3A_33 : i32 to vector<16xi32>
      %parallel_loop3A_35 = arith.addi %parallel_loop3A_30, %parallel_loop3A_34 : vector<16xi32>
      %parallel_loop3A_36 = tpu.vector_load_idx %arg5[%parallel_loop3A_24, %parallel_loop3A_35] : memref<32x128xf32, #tpu.memory_space<vmem>>[vector<16xi32>, vector<16xi32>], vector<16xf32>,
      %parallel_loop3A_37 = arith.mulf %parallel_loop3A_32, %parallel_loop3A_31 : vector<16xf32>
      %parallel_loop3A_38 = arith.mulf %parallel_loop3A_36, %parallel_loop3A_31 : vector<16xf32>
      %parallel_loop3A_39 = arith.constant 1 : i32
      %parallel_loop3A_40 = vector.broadcast %parallel_loop3A_39 : i32 to vector<16xi32>
      %parallel_loop3A_41 = arith.addi %parallel_loop3A_20, %parallel_loop3A_40 : vector<16xi32>
      %parallel_loop3A_42 = arith.constant 63 : i32
      %parallel_loop3A_43 = vector.broadcast %parallel_loop3A_42 : i32 to vector<16xi32>
      %parallel_loop3A_44 = arith.andi %parallel_loop3A_41, %parallel_loop3A_43 : vector<16xi32>
      %parallel_loop3A_45 = tpu.vector_load_idx %arg6[%parallel_loop3A_24, %parallel_loop3A_44] : memref<32x64xf32, #tpu.memory_space<vmem>>[vector<16xi32>, vector<16xi32>], vector<16xf32>,
      %parallel_loop3A_46 = tpu.vector_load_idx %arg5[%parallel_loop3A_24, %parallel_loop3A_44] : memref<32x128xf32, #tpu.memory_space<vmem>>[vector<16xi32>, vector<16xi32>], vector<16xf32>,
      %parallel_loop3A_47 = arith.constant 64 : i32
      %parallel_loop3A_48 = vector.broadcast %parallel_loop3A_47 : i32 to vector<16xi32>
      %parallel_loop3A_49 = arith.addi %parallel_loop3A_44, %parallel_loop3A_48 : vector<16xi32>
      %parallel_loop3A_50 = tpu.vector_load_idx %arg5[%parallel_loop3A_24, %parallel_loop3A_49] : memref<32x128xf32, #tpu.memory_space<vmem>>[vector<16xi32>, vector<16xi32>], vector<16xf32>,
      %parallel_loop3A_51 = arith.mulf %parallel_loop3A_46, %parallel_loop3A_45 : vector<16xf32>
      %parallel_loop3A_52 = arith.mulf %parallel_loop3A_50, %parallel_loop3A_45 : vector<16xf32>
      %parallel_loop3A_53 = arith.constant 2 : i32
      %parallel_loop3A_54 = vector.broadcast %parallel_loop3A_53 : i32 to vector<16xi32>
      %parallel_loop3A_55 = arith.addi %parallel_loop3A_20, %parallel_loop3A_54 : vector<16xi32>
      %parallel_loop3A_56 = arith.constant 63 : i32
      %parallel_loop3A_57 = vector.broadcast %parallel_loop3A_56 : i32 to vector<16xi32>
      %parallel_loop3A_58 = arith.andi %parallel_loop3A_55, %parallel_loop3A_57 : vector<16xi32>
      %parallel_loop3A_59 = tpu.vector_load_idx %arg6[%parallel_loop3A_24, %parallel_loop3A_58] : memref<32x64xf32, #tpu.memory_space<vmem>>[vector<16xi32>, vector<16xi32>], vector<16xf32>,
      %parallel_loop3A_60 = tpu.vector_load_idx %arg5[%parallel_loop3A_24, %parallel_loop3A_58] : memref<32x128xf32, #tpu.memory_space<vmem>>[vector<16xi32>, vector<16xi32>], vector<16xf32>,
      %parallel_loop3A_61 = arith.constant 64 : i32
      %parallel_loop3A_62 = vector.broadcast %parallel_loop3A_61 : i32 to vector<16xi32>
      %parallel_loop3A_63 = arith.addi %parallel_loop3A_58, %parallel_loop3A_62 : vector<16xi32>
      %parallel_loop3A_64 = tpu.vector_load_idx %arg5[%parallel_loop3A_24, %parallel_loop3A_63] : memref<32x128xf32, #tpu.memory_space<vmem>>[vector<16xi32>, vector<16xi32>], vector<16xf32>,
      %parallel_loop3A_65 = arith.mulf %parallel_loop3A_60, %parallel_loop3A_59 : vector<16xf32>
      %parallel_loop3A_66 = arith.mulf %parallel_loop3A_64, %parallel_loop3A_59 : vector<16xf32>
      %parallel_loop3A_67 = arith.constant 3 : i32
      %parallel_loop3A_68 = vector.broadcast %parallel_loop3A_67 : i32 to vector<16xi32>
      %parallel_loop3A_69 = arith.addi %parallel_loop3A_20, %parallel_loop3A_68 : vector<16xi32>
      %parallel_loop3A_70 = arith.constant 63 : i32
      %parallel_loop3A_71 = vector.broadcast %parallel_loop3A_70 : i32 to vector<16xi32>
      %parallel_loop3A_72 = arith.andi %parallel_loop3A_69, %parallel_loop3A_71 : vector<16xi32>
      %parallel_loop3A_73 = tpu.vector_load_idx %arg6[%parallel_loop3A_24, %parallel_loop3A_72] : memref<32x64xf32, #tpu.memory_space<vmem>>[vector<16xi32>, vector<16xi32>], vector<16xf32>,
      %parallel_loop3A_74 = tpu.vector_load_idx %arg5[%parallel_loop3A_24, %parallel_loop3A_72] : memref<32x128xf32, #tpu.memory_space<vmem>>[vector<16xi32>, vector<16xi32>], vector<16xf32>,
      %parallel_loop3A_75 = arith.constant 64 : i32
      %parallel_loop3A_76 = vector.broadcast %parallel_loop3A_75 : i32 to vector<16xi32>
      %parallel_loop3A_77 = arith.addi %parallel_loop3A_72, %parallel_loop3A_76 : vector<16xi32>
      %parallel_loop3A_78 = tpu.vector_load_idx %arg5[%parallel_loop3A_24, %parallel_loop3A_77] : memref<32x128xf32, #tpu.memory_space<vmem>>[vector<16xi32>, vector<16xi32>], vector<16xf32>,
      %parallel_loop3A_79 = arith.mulf %parallel_loop3A_74, %parallel_loop3A_73 : vector<16xf32>
      %parallel_loop3A_80 = arith.mulf %parallel_loop3A_78, %parallel_loop3A_73 : vector<16xf32>
      %parallel_loop3A_81 = arith.constant 4 : i32
      %parallel_loop3A_82 = vector.broadcast %parallel_loop3A_81 : i32 to vector<16xi32>
      %parallel_loop3A_83 = arith.addi %parallel_loop3A_20, %parallel_loop3A_82 : vector<16xi32>
      %parallel_loop3A_84 = arith.constant 63 : i32
      %parallel_loop3A_85 = vector.broadcast %parallel_loop3A_84 : i32 to vector<16xi32>
      %parallel_loop3A_86 = arith.andi %parallel_loop3A_83, %parallel_loop3A_85 : vector<16xi32>
      %parallel_loop3A_87 = tpu.vector_load_idx %arg6[%parallel_loop3A_24, %parallel_loop3A_86] : memref<32x64xf32, #tpu.memory_space<vmem>>[vector<16xi32>, vector<16xi32>], vector<16xf32>,
      %parallel_loop3A_88 = tpu.vector_load_idx %arg5[%parallel_loop3A_24, %parallel_loop3A_86] : memref<32x128xf32, #tpu.memory_space<vmem>>[vector<16xi32>, vector<16xi32>], vector<16xf32>,
      %parallel_loop3A_89 = arith.constant 64 : i32
      %parallel_loop3A_90 = vector.broadcast %parallel_loop3A_89 : i32 to vector<16xi32>
      %parallel_loop3A_91 = arith.addi %parallel_loop3A_86, %parallel_loop3A_90 : vector<16xi32>
      %parallel_loop3A_92 = tpu.vector_load_idx %arg5[%parallel_loop3A_24, %parallel_loop3A_91] : memref<32x128xf32, #tpu.memory_space<vmem>>[vector<16xi32>, vector<16xi32>], vector<16xf32>,
      %parallel_loop3A_93 = arith.mulf %parallel_loop3A_88, %parallel_loop3A_87 : vector<16xf32>
      %parallel_loop3A_94 = arith.mulf %parallel_loop3A_92, %parallel_loop3A_87 : vector<16xf32>
      %parallel_loop3A_95 = arith.constant 5 : i32
      %parallel_loop3A_96 = vector.broadcast %parallel_loop3A_95 : i32 to vector<16xi32>
      %parallel_loop3A_97 = arith.addi %parallel_loop3A_20, %parallel_loop3A_96 : vector<16xi32>
      %parallel_loop3A_98 = arith.constant 63 : i32
      %parallel_loop3A_99 = vector.broadcast %parallel_loop3A_98 : i32 to vector<16xi32>
      %parallel_loop3A_100 = arith.andi %parallel_loop3A_97, %parallel_loop3A_99 : vector<16xi32>
      %parallel_loop3A_101 = tpu.vector_load_idx %arg6[%parallel_loop3A_24, %parallel_loop3A_100] : memref<32x64xf32, #tpu.memory_space<vmem>>[vector<16xi32>, vector<16xi32>], vector<16xf32>,
      %parallel_loop3A_102 = tpu.vector_load_idx %arg5[%parallel_loop3A_24, %parallel_loop3A_100] : memref<32x128xf32, #tpu.memory_space<vmem>>[vector<16xi32>, vector<16xi32>], vector<16xf32>,
      %parallel_loop3A_103 = arith.constant 64 : i32
      %parallel_loop3A_104 = vector.broadcast %parallel_loop3A_103 : i32 to vector<16xi32>
      %parallel_loop3A_105 = arith.addi %parallel_loop3A_100, %parallel_loop3A_104 : vector<16xi32>
      %parallel_loop3A_106 = tpu.vector_load_idx %arg5[%parallel_loop3A_24, %parallel_loop3A_105] : memref<32x128xf32, #tpu.memory_space<vmem>>[vector<16xi32>, vector<16xi32>], vector<16xf32>,
      %parallel_loop3A_107 = arith.mulf %parallel_loop3A_102, %parallel_loop3A_101 : vector<16xf32>
      %parallel_loop3A_108 = arith.mulf %parallel_loop3A_106, %parallel_loop3A_101 : vector<16xf32>
      %parallel_loop3A_109 = arith.constant 6 : i32
      %parallel_loop3A_110 = vector.broadcast %parallel_loop3A_109 : i32 to vector<16xi32>
      %parallel_loop3A_111 = arith.addi %parallel_loop3A_20, %parallel_loop3A_110 : vector<16xi32>
      %parallel_loop3A_112 = arith.constant 63 : i32
      %parallel_loop3A_113 = vector.broadcast %parallel_loop3A_112 : i32 to vector<16xi32>
      %parallel_loop3A_114 = arith.andi %parallel_loop3A_111, %parallel_loop3A_113 : vector<16xi32>
      %parallel_loop3A_115 = tpu.vector_load_idx %arg6[%parallel_loop3A_24, %parallel_loop3A_114] : memref<32x64xf32, #tpu.memory_space<vmem>>[vector<16xi32>, vector<16xi32>], vector<16xf32>,
      %parallel_loop3A_116 = tpu.vector_load_idx %arg5[%parallel_loop3A_24, %parallel_loop3A_114] : memref<32x128xf32, #tpu.memory_space<vmem>>[vector<16xi32>, vector<16xi32>], vector<16xf32>,
      %parallel_loop3A_117 = arith.constant 64 : i32
      %parallel_loop3A_118 = vector.broadcast %parallel_loop3A_117 : i32 to vector<16xi32>
      %parallel_loop3A_119 = arith.addi %parallel_loop3A_114, %parallel_loop3A_118 : vector<16xi32>
      %parallel_loop3A_120 = tpu.vector_load_idx %arg5[%parallel_loop3A_24, %parallel_loop3A_119] : memref<32x128xf32, #tpu.memory_space<vmem>>[vector<16xi32>, vector<16xi32>], vector<16xf32>,
      %parallel_loop3A_121 = arith.mulf %parallel_loop3A_116, %parallel_loop3A_115 : vector<16xf32>
      %parallel_loop3A_122 = arith.mulf %parallel_loop3A_120, %parallel_loop3A_115 : vector<16xf32>
      %parallel_loop3A_123 = arith.constant 7 : i32
      %parallel_loop3A_124 = vector.broadcast %parallel_loop3A_123 : i32 to vector<16xi32>
      %parallel_loop3A_125 = arith.addi %parallel_loop3A_20, %parallel_loop3A_124 : vector<16xi32>
      %parallel_loop3A_126 = arith.constant 63 : i32
      %parallel_loop3A_127 = vector.broadcast %parallel_loop3A_126 : i32 to vector<16xi32>
      %parallel_loop3A_128 = arith.andi %parallel_loop3A_125, %parallel_loop3A_127 : vector<16xi32>
      %parallel_loop3A_129 = tpu.vector_load_idx %arg6[%parallel_loop3A_24, %parallel_loop3A_128] : memref<32x64xf32, #tpu.memory_space<vmem>>[vector<16xi32>, vector<16xi32>], vector<16xf32>,
      %parallel_loop3A_130 = tpu.vector_load_idx %arg5[%parallel_loop3A_24, %parallel_loop3A_128] : memref<32x128xf32, #tpu.memory_space<vmem>>[vector<16xi32>, vector<16xi32>], vector<16xf32>,
      %parallel_loop3A_131 = arith.constant 64 : i32
      %parallel_loop3A_132 = vector.broadcast %parallel_loop3A_131 : i32 to vector<16xi32>
      %parallel_loop3A_133 = arith.addi %parallel_loop3A_128, %parallel_loop3A_132 : vector<16xi32>
      %parallel_loop3A_134 = tpu.vector_load_idx %arg5[%parallel_loop3A_24, %parallel_loop3A_133] : memref<32x128xf32, #tpu.memory_space<vmem>>[vector<16xi32>, vector<16xi32>], vector<16xf32>,
      %parallel_loop3A_135 = arith.mulf %parallel_loop3A_130, %parallel_loop3A_129 : vector<16xf32>
      %parallel_loop3A_136 = arith.mulf %parallel_loop3A_134, %parallel_loop3A_129 : vector<16xf32>
      %parallel_loop3A_137 = arith.constant 8 : i32
      %parallel_loop3A_138 = vector.broadcast %parallel_loop3A_137 : i32 to vector<16xi32>
      %parallel_loop3A_139 = arith.addi %parallel_loop3A_20, %parallel_loop3A_138 : vector<16xi32>
      %parallel_loop3A_140 = arith.constant 63 : i32
      %parallel_loop3A_141 = vector.broadcast %parallel_loop3A_140 : i32 to vector<16xi32>
      %parallel_loop3A_142 = arith.andi %parallel_loop3A_139, %parallel_loop3A_141 : vector<16xi32>
      %parallel_loop3A_143 = tpu.vector_load_idx %arg6[%parallel_loop3A_24, %parallel_loop3A_142] : memref<32x64xf32, #tpu.memory_space<vmem>>[vector<16xi32>, vector<16xi32>], vector<16xf32>,
      %parallel_loop3A_144 = tpu.vector_load_idx %arg5[%parallel_loop3A_24, %parallel_loop3A_142] : memref<32x128xf32, #tpu.memory_space<vmem>>[vector<16xi32>, vector<16xi32>], vector<16xf32>,
      %parallel_loop3A_145 = arith.constant 64 : i32
      %parallel_loop3A_146 = vector.broadcast %parallel_loop3A_145 : i32 to vector<16xi32>
      %parallel_loop3A_147 = arith.addi %parallel_loop3A_142, %parallel_loop3A_146 : vector<16xi32>
      %parallel_loop3A_148 = tpu.vector_load_idx %arg5[%parallel_loop3A_24, %parallel_loop3A_147] : memref<32x128xf32, #tpu.memory_space<vmem>>[vector<16xi32>, vector<16xi32>], vector<16xf32>,
      %parallel_loop3A_149 = arith.mulf %parallel_loop3A_144, %parallel_loop3A_143 : vector<16xf32>
      %parallel_loop3A_150 = arith.mulf %parallel_loop3A_148, %parallel_loop3A_143 : vector<16xf32>
      %parallel_loop3A_151 = arith.constant 9 : i32
      %parallel_loop3A_152 = vector.broadcast %parallel_loop3A_151 : i32 to vector<16xi32>
      %parallel_loop3A_153 = arith.addi %parallel_loop3A_20, %parallel_loop3A_152 : vector<16xi32>
      %parallel_loop3A_154 = arith.constant 63 : i32
      %parallel_loop3A_155 = vector.broadcast %parallel_loop3A_154 : i32 to vector<16xi32>
      %parallel_loop3A_156 = arith.andi %parallel_loop3A_153, %parallel_loop3A_155 : vector<16xi32>
      %parallel_loop3A_157 = tpu.vector_load_idx %arg6[%parallel_loop3A_24, %parallel_loop3A_156] : memref<32x64xf32, #tpu.memory_space<vmem>>[vector<16xi32>, vector<16xi32>], vector<16xf32>,
      %parallel_loop3A_158 = tpu.vector_load_idx %arg5[%parallel_loop3A_24, %parallel_loop3A_156] : memref<32x128xf32, #tpu.memory_space<vmem>>[vector<16xi32>, vector<16xi32>], vector<16xf32>,
      %parallel_loop3A_159 = arith.constant 64 : i32
      %parallel_loop3A_160 = vector.broadcast %parallel_loop3A_159 : i32 to vector<16xi32>
      %parallel_loop3A_161 = arith.addi %parallel_loop3A_156, %parallel_loop3A_160 : vector<16xi32>
      %parallel_loop3A_162 = tpu.vector_load_idx %arg5[%parallel_loop3A_24, %parallel_loop3A_161] : memref<32x128xf32, #tpu.memory_space<vmem>>[vector<16xi32>, vector<16xi32>], vector<16xf32>,
      %parallel_loop3A_163 = arith.mulf %parallel_loop3A_158, %parallel_loop3A_157 : vector<16xf32>
      %parallel_loop3A_164 = arith.mulf %parallel_loop3A_162, %parallel_loop3A_157 : vector<16xf32>
      %parallel_loop3A_165 = arith.constant 10 : i32
      %parallel_loop3A_166 = vector.broadcast %parallel_loop3A_165 : i32 to vector<16xi32>
      %parallel_loop3A_167 = arith.addi %parallel_loop3A_20, %parallel_loop3A_166 : vector<16xi32>
      %parallel_loop3A_168 = arith.constant 63 : i32
      %parallel_loop3A_169 = vector.broadcast %parallel_loop3A_168 : i32 to vector<16xi32>
      %parallel_loop3A_170 = arith.andi %parallel_loop3A_167, %parallel_loop3A_169 : vector<16xi32>
      %parallel_loop3A_171 = tpu.vector_load_idx %arg6[%parallel_loop3A_24, %parallel_loop3A_170] : memref<32x64xf32, #tpu.memory_space<vmem>>[vector<16xi32>, vector<16xi32>], vector<16xf32>,
      %parallel_loop3A_172 = tpu.vector_load_idx %arg5[%parallel_loop3A_24, %parallel_loop3A_170] : memref<32x128xf32, #tpu.memory_space<vmem>>[vector<16xi32>, vector<16xi32>], vector<16xf32>,
      %parallel_loop3A_173 = arith.constant 64 : i32
      %parallel_loop3A_174 = vector.broadcast %parallel_loop3A_173 : i32 to vector<16xi32>
      %parallel_loop3A_175 = arith.addi %parallel_loop3A_170, %parallel_loop3A_174 : vector<16xi32>
      %parallel_loop3A_176 = tpu.vector_load_idx %arg5[%parallel_loop3A_24, %parallel_loop3A_175] : memref<32x128xf32, #tpu.memory_space<vmem>>[vector<16xi32>, vector<16xi32>], vector<16xf32>,
      %parallel_loop3A_177 = arith.mulf %parallel_loop3A_172, %parallel_loop3A_171 : vector<16xf32>
      %parallel_loop3A_178 = arith.mulf %parallel_loop3A_176, %parallel_loop3A_171 : vector<16xf32>
      %parallel_loop3A_179 = arith.constant 11 : i32
      %parallel_loop3A_180 = vector.broadcast %parallel_loop3A_179 : i32 to vector<16xi32>
      %parallel_loop3A_181 = arith.addi %parallel_loop3A_20, %parallel_loop3A_180 : vector<16xi32>
      %parallel_loop3A_182 = arith.constant 63 : i32
      %parallel_loop3A_183 = vector.broadcast %parallel_loop3A_182 : i32 to vector<16xi32>
      %parallel_loop3A_184 = arith.andi %parallel_loop3A_181, %parallel_loop3A_183 : vector<16xi32>
      %parallel_loop3A_185 = tpu.vector_load_idx %arg6[%parallel_loop3A_24, %parallel_loop3A_184] : memref<32x64xf32, #tpu.memory_space<vmem>>[vector<16xi32>, vector<16xi32>], vector<16xf32>,
      %parallel_loop3A_186 = tpu.vector_load_idx %arg5[%parallel_loop3A_24, %parallel_loop3A_184] : memref<32x128xf32, #tpu.memory_space<vmem>>[vector<16xi32>, vector<16xi32>], vector<16xf32>,
      %parallel_loop3A_187 = arith.constant 64 : i32
      %parallel_loop3A_188 = vector.broadcast %parallel_loop3A_187 : i32 to vector<16xi32>
      %parallel_loop3A_189 = arith.addi %parallel_loop3A_184, %parallel_loop3A_188 : vector<16xi32>
      %parallel_loop3A_190 = tpu.vector_load_idx %arg5[%parallel_loop3A_24, %parallel_loop3A_189] : memref<32x128xf32, #tpu.memory_space<vmem>>[vector<16xi32>, vector<16xi32>], vector<16xf32>,
      %parallel_loop3A_191 = arith.mulf %parallel_loop3A_186, %parallel_loop3A_185 : vector<16xf32>
      %parallel_loop3A_192 = arith.mulf %parallel_loop3A_190, %parallel_loop3A_185 : vector<16xf32>
      %parallel_loop3A_193 = arith.constant 12 : i32
      %parallel_loop3A_194 = vector.broadcast %parallel_loop3A_193 : i32 to vector<16xi32>
      %parallel_loop3A_195 = arith.addi %parallel_loop3A_20, %parallel_loop3A_194 : vector<16xi32>
      %parallel_loop3A_196 = arith.constant 63 : i32
      %parallel_loop3A_197 = vector.broadcast %parallel_loop3A_196 : i32 to vector<16xi32>
      %parallel_loop3A_198 = arith.andi %parallel_loop3A_195, %parallel_loop3A_197 : vector<16xi32>
      %parallel_loop3A_199 = tpu.vector_load_idx %arg6[%parallel_loop3A_24, %parallel_loop3A_198] : memref<32x64xf32, #tpu.memory_space<vmem>>[vector<16xi32>, vector<16xi32>], vector<16xf32>,
      %parallel_loop3A_200 = tpu.vector_load_idx %arg5[%parallel_loop3A_24, %parallel_loop3A_198] : memref<32x128xf32, #tpu.memory_space<vmem>>[vector<16xi32>, vector<16xi32>], vector<16xf32>,
      %parallel_loop3A_201 = arith.constant 64 : i32
      %parallel_loop3A_202 = vector.broadcast %parallel_loop3A_201 : i32 to vector<16xi32>
      %parallel_loop3A_203 = arith.addi %parallel_loop3A_198, %parallel_loop3A_202 : vector<16xi32>
      %parallel_loop3A_204 = tpu.vector_load_idx %arg5[%parallel_loop3A_24, %parallel_loop3A_203] : memref<32x128xf32, #tpu.memory_space<vmem>>[vector<16xi32>, vector<16xi32>], vector<16xf32>,
      %parallel_loop3A_205 = arith.mulf %parallel_loop3A_200, %parallel_loop3A_199 : vector<16xf32>
      %parallel_loop3A_206 = arith.mulf %parallel_loop3A_204, %parallel_loop3A_199 : vector<16xf32>
      %parallel_loop3A_207 = arith.constant 13 : i32
      %parallel_loop3A_208 = vector.broadcast %parallel_loop3A_207 : i32 to vector<16xi32>
      %parallel_loop3A_209 = arith.addi %parallel_loop3A_20, %parallel_loop3A_208 : vector<16xi32>
      %parallel_loop3A_210 = arith.constant 63 : i32
      %parallel_loop3A_211 = vector.broadcast %parallel_loop3A_210 : i32 to vector<16xi32>
      %parallel_loop3A_212 = arith.andi %parallel_loop3A_209, %parallel_loop3A_211 : vector<16xi32>
      %parallel_loop3A_213 = tpu.vector_load_idx %arg6[%parallel_loop3A_24, %parallel_loop3A_212] : memref<32x64xf32, #tpu.memory_space<vmem>>[vector<16xi32>, vector<16xi32>], vector<16xf32>,
      %parallel_loop3A_214 = tpu.vector_load_idx %arg5[%parallel_loop3A_24, %parallel_loop3A_212] : memref<32x128xf32, #tpu.memory_space<vmem>>[vector<16xi32>, vector<16xi32>], vector<16xf32>,
      %parallel_loop3A_215 = arith.constant 64 : i32
      %parallel_loop3A_216 = vector.broadcast %parallel_loop3A_215 : i32 to vector<16xi32>
      %parallel_loop3A_217 = arith.addi %parallel_loop3A_212, %parallel_loop3A_216 : vector<16xi32>
      %parallel_loop3A_218 = tpu.vector_load_idx %arg5[%parallel_loop3A_24, %parallel_loop3A_217] : memref<32x128xf32, #tpu.memory_space<vmem>>[vector<16xi32>, vector<16xi32>], vector<16xf32>,
      %parallel_loop3A_219 = arith.mulf %parallel_loop3A_214, %parallel_loop3A_213 : vector<16xf32>
      %parallel_loop3A_220 = arith.mulf %parallel_loop3A_218, %parallel_loop3A_213 : vector<16xf32>
      %parallel_loop3A_221 = arith.constant 14 : i32
      %parallel_loop3A_222 = vector.broadcast %parallel_loop3A_221 : i32 to vector<16xi32>
      %parallel_loop3A_223 = arith.addi %parallel_loop3A_20, %parallel_loop3A_222 : vector<16xi32>
      %parallel_loop3A_224 = arith.constant 63 : i32
      %parallel_loop3A_225 = vector.broadcast %parallel_loop3A_224 : i32 to vector<16xi32>
      %parallel_loop3A_226 = arith.andi %parallel_loop3A_223, %parallel_loop3A_225 : vector<16xi32>
      %parallel_loop3A_227 = tpu.vector_load_idx %arg6[%parallel_loop3A_24, %parallel_loop3A_226] : memref<32x64xf32, #tpu.memory_space<vmem>>[vector<16xi32>, vector<16xi32>], vector<16xf32>,
      %parallel_loop3A_228 = tpu.vector_load_idx %arg5[%parallel_loop3A_24, %parallel_loop3A_226] : memref<32x128xf32, #tpu.memory_space<vmem>>[vector<16xi32>, vector<16xi32>], vector<16xf32>,
      %parallel_loop3A_229 = arith.constant 64 : i32
      %parallel_loop3A_230 = vector.broadcast %parallel_loop3A_229 : i32 to vector<16xi32>
      %parallel_loop3A_231 = arith.addi %parallel_loop3A_226, %parallel_loop3A_230 : vector<16xi32>
      %parallel_loop3A_232 = tpu.vector_load_idx %arg5[%parallel_loop3A_24, %parallel_loop3A_231] : memref<32x128xf32, #tpu.memory_space<vmem>>[vector<16xi32>, vector<16xi32>], vector<16xf32>,
      %parallel_loop3A_233 = arith.mulf %parallel_loop3A_228, %parallel_loop3A_227 : vector<16xf32>
      %parallel_loop3A_234 = arith.mulf %parallel_loop3A_232, %parallel_loop3A_227 : vector<16xf32>
      %parallel_loop3A_235 = arith.constant 15 : i32
      %parallel_loop3A_236 = vector.broadcast %parallel_loop3A_235 : i32 to vector<16xi32>
      %parallel_loop3A_237 = arith.addi %parallel_loop3A_20, %parallel_loop3A_236 : vector<16xi32>
      %parallel_loop3A_238 = arith.constant 63 : i32
      %parallel_loop3A_239 = vector.broadcast %parallel_loop3A_238 : i32 to vector<16xi32>
      %parallel_loop3A_240 = arith.andi %parallel_loop3A_237, %parallel_loop3A_239 : vector<16xi32>
      %parallel_loop3A_241 = tpu.vector_load_idx %arg6[%parallel_loop3A_24, %parallel_loop3A_240] : memref<32x64xf32, #tpu.memory_space<vmem>>[vector<16xi32>, vector<16xi32>], vector<16xf32>,
      %parallel_loop3A_242 = tpu.vector_load_idx %arg5[%parallel_loop3A_24, %parallel_loop3A_240] : memref<32x128xf32, #tpu.memory_space<vmem>>[vector<16xi32>, vector<16xi32>], vector<16xf32>,
      %parallel_loop3A_243 = arith.constant 64 : i32
      %parallel_loop3A_244 = vector.broadcast %parallel_loop3A_243 : i32 to vector<16xi32>
      %parallel_loop3A_245 = arith.addi %parallel_loop3A_240, %parallel_loop3A_244 : vector<16xi32>
      %parallel_loop3A_246 = tpu.vector_load_idx %arg5[%parallel_loop3A_24, %parallel_loop3A_245] : memref<32x128xf32, #tpu.memory_space<vmem>>[vector<16xi32>, vector<16xi32>], vector<16xf32>,
      %parallel_loop3A_247 = arith.mulf %parallel_loop3A_242, %parallel_loop3A_241 : vector<16xf32>
      %parallel_loop3A_248 = arith.mulf %parallel_loop3A_246, %parallel_loop3A_241 : vector<16xf32>
      %parallel_loop3A_249 = arith.constant 16 : i32
      %parallel_loop3A_250 = vector.broadcast %parallel_loop3A_249 : i32 to vector<16xi32>
      %parallel_loop3A_251 = arith.addi %parallel_loop3A_20, %parallel_loop3A_250 : vector<16xi32>
      %parallel_loop3A_252 = arith.constant 63 : i32
      %parallel_loop3A_253 = vector.broadcast %parallel_loop3A_252 : i32 to vector<16xi32>
      %parallel_loop3A_254 = arith.andi %parallel_loop3A_251, %parallel_loop3A_253 : vector<16xi32>
      %parallel_loop3A_255 = tpu.vector_load_idx %arg6[%parallel_loop3A_24, %parallel_loop3A_254] : memref<32x64xf32, #tpu.memory_space<vmem>>[vector<16xi32>, vector<16xi32>], vector<16xf32>,
      %parallel_loop3A_256 = tpu.vector_load_idx %arg5[%parallel_loop3A_24, %parallel_loop3A_254] : memref<32x128xf32, #tpu.memory_space<vmem>>[vector<16xi32>, vector<16xi32>], vector<16xf32>,
      %parallel_loop3A_257 = arith.constant 64 : i32
      %parallel_loop3A_258 = vector.broadcast %parallel_loop3A_257 : i32 to vector<16xi32>
      %parallel_loop3A_259 = arith.addi %parallel_loop3A_254, %parallel_loop3A_258 : vector<16xi32>
      %parallel_loop3A_260 = tpu.vector_load_idx %arg5[%parallel_loop3A_24, %parallel_loop3A_259] : memref<32x128xf32, #tpu.memory_space<vmem>>[vector<16xi32>, vector<16xi32>], vector<16xf32>,
      %parallel_loop3A_261 = arith.mulf %parallel_loop3A_256, %parallel_loop3A_255 : vector<16xf32>
      %parallel_loop3A_262 = arith.mulf %parallel_loop3A_260, %parallel_loop3A_255 : vector<16xf32>
      %parallel_loop3A_263 = arith.constant 17 : i32
      %parallel_loop3A_264 = vector.broadcast %parallel_loop3A_263 : i32 to vector<16xi32>
      %parallel_loop3A_265 = arith.addi %parallel_loop3A_20, %parallel_loop3A_264 : vector<16xi32>
      %parallel_loop3A_266 = arith.constant 63 : i32
      %parallel_loop3A_267 = vector.broadcast %parallel_loop3A_266 : i32 to vector<16xi32>
      %parallel_loop3A_268 = arith.andi %parallel_loop3A_265, %parallel_loop3A_267 : vector<16xi32>
      %parallel_loop3A_269 = tpu.vector_load_idx %arg6[%parallel_loop3A_24, %parallel_loop3A_268] : memref<32x64xf32, #tpu.memory_space<vmem>>[vector<16xi32>, vector<16xi32>], vector<16xf32>,
      %parallel_loop3A_270 = tpu.vector_load_idx %arg5[%parallel_loop3A_24, %parallel_loop3A_268] : memref<32x128xf32, #tpu.memory_space<vmem>>[vector<16xi32>, vector<16xi32>], vector<16xf32>,
      %parallel_loop3A_271 = arith.constant 64 : i32
      %parallel_loop3A_272 = vector.broadcast %parallel_loop3A_271 : i32 to vector<16xi32>
      %parallel_loop3A_273 = arith.addi %parallel_loop3A_268, %parallel_loop3A_272 : vector<16xi32>
      %parallel_loop3A_274 = tpu.vector_load_idx %arg5[%parallel_loop3A_24, %parallel_loop3A_273] : memref<32x128xf32, #tpu.memory_space<vmem>>[vector<16xi32>, vector<16xi32>], vector<16xf32>,
      %parallel_loop3A_275 = arith.mulf %parallel_loop3A_270, %parallel_loop3A_269 : vector<16xf32>
      %parallel_loop3A_276 = arith.mulf %parallel_loop3A_274, %parallel_loop3A_269 : vector<16xf32>
      %parallel_loop3A_277 = arith.constant 18 : i32
      %parallel_loop3A_278 = vector.broadcast %parallel_loop3A_277 : i32 to vector<16xi32>
      %parallel_loop3A_279 = arith.addi %parallel_loop3A_20, %parallel_loop3A_278 : vector<16xi32>
      %parallel_loop3A_280 = arith.constant 63 : i32
      %parallel_loop3A_281 = vector.broadcast %parallel_loop3A_280 : i32 to vector<16xi32>
      %parallel_loop3A_282 = arith.andi %parallel_loop3A_279, %parallel_loop3A_281 : vector<16xi32>
      %parallel_loop3A_283 = tpu.vector_load_idx %arg6[%parallel_loop3A_24, %parallel_loop3A_282] : memref<32x64xf32, #tpu.memory_space<vmem>>[vector<16xi32>, vector<16xi32>], vector<16xf32>,
      %parallel_loop3A_284 = tpu.vector_load_idx %arg5[%parallel_loop3A_24, %parallel_loop3A_282] : memref<32x128xf32, #tpu.memory_space<vmem>>[vector<16xi32>, vector<16xi32>], vector<16xf32>,
      %parallel_loop3A_285 = arith.constant 64 : i32
      %parallel_loop3A_286 = vector.broadcast %parallel_loop3A_285 : i32 to vector<16xi32>
      %parallel_loop3A_287 = arith.addi %parallel_loop3A_282, %parallel_loop3A_286 : vector<16xi32>
      %parallel_loop3A_288 = tpu.vector_load_idx %arg5[%parallel_loop3A_24, %parallel_loop3A_287] : memref<32x128xf32, #tpu.memory_space<vmem>>[vector<16xi32>, vector<16xi32>], vector<16xf32>,
      %parallel_loop3A_289 = arith.mulf %parallel_loop3A_284, %parallel_loop3A_283 : vector<16xf32>
      %parallel_loop3A_290 = arith.mulf %parallel_loop3A_288, %parallel_loop3A_283 : vector<16xf32>
      %parallel_loop3A_291 = arith.constant 19 : i32
      %parallel_loop3A_292 = vector.broadcast %parallel_loop3A_291 : i32 to vector<16xi32>
      %parallel_loop3A_293 = arith.addi %parallel_loop3A_20, %parallel_loop3A_292 : vector<16xi32>
      %parallel_loop3A_294 = arith.constant 63 : i32
      %parallel_loop3A_295 = vector.broadcast %parallel_loop3A_294 : i32 to vector<16xi32>
      %parallel_loop3A_296 = arith.andi %parallel_loop3A_293, %parallel_loop3A_295 : vector<16xi32>
      %parallel_loop3A_297 = tpu.vector_load_idx %arg6[%parallel_loop3A_24, %parallel_loop3A_296] : memref<32x64xf32, #tpu.memory_space<vmem>>[vector<16xi32>, vector<16xi32>], vector<16xf32>,
      %parallel_loop3A_298 = tpu.vector_load_idx %arg5[%parallel_loop3A_24, %parallel_loop3A_296] : memref<32x128xf32, #tpu.memory_space<vmem>>[vector<16xi32>, vector<16xi32>], vector<16xf32>,
      %parallel_loop3A_299 = arith.constant 64 : i32
      %parallel_loop3A_300 = vector.broadcast %parallel_loop3A_299 : i32 to vector<16xi32>
      %parallel_loop3A_301 = arith.addi %parallel_loop3A_296, %parallel_loop3A_300 : vector<16xi32>
      %parallel_loop3A_302 = tpu.vector_load_idx %arg5[%parallel_loop3A_24, %parallel_loop3A_301] : memref<32x128xf32, #tpu.memory_space<vmem>>[vector<16xi32>, vector<16xi32>], vector<16xf32>,
      %parallel_loop3A_303 = arith.mulf %parallel_loop3A_298, %parallel_loop3A_297 : vector<16xf32>
      %parallel_loop3A_304 = arith.mulf %parallel_loop3A_302, %parallel_loop3A_297 : vector<16xf32>
      %parallel_loop3A_305 = arith.constant 20 : i32
      %parallel_loop3A_306 = vector.broadcast %parallel_loop3A_305 : i32 to vector<16xi32>
      %parallel_loop3A_307 = arith.addi %parallel_loop3A_20, %parallel_loop3A_306 : vector<16xi32>
      %parallel_loop3A_308 = arith.constant 63 : i32
      %parallel_loop3A_309 = vector.broadcast %parallel_loop3A_308 : i32 to vector<16xi32>
      %parallel_loop3A_310 = arith.andi %parallel_loop3A_307, %parallel_loop3A_309 : vector<16xi32>
      %parallel_loop3A_311 = tpu.vector_load_idx %arg6[%parallel_loop3A_24, %parallel_loop3A_310] : memref<32x64xf32, #tpu.memory_space<vmem>>[vector<16xi32>, vector<16xi32>], vector<16xf32>,
      %parallel_loop3A_312 = tpu.vector_load_idx %arg5[%parallel_loop3A_24, %parallel_loop3A_310] : memref<32x128xf32, #tpu.memory_space<vmem>>[vector<16xi32>, vector<16xi32>], vector<16xf32>,
      %parallel_loop3A_313 = arith.constant 64 : i32
      %parallel_loop3A_314 = vector.broadcast %parallel_loop3A_313 : i32 to vector<16xi32>
      %parallel_loop3A_315 = arith.addi %parallel_loop3A_310, %parallel_loop3A_314 : vector<16xi32>
      %parallel_loop3A_316 = tpu.vector_load_idx %arg5[%parallel_loop3A_24, %parallel_loop3A_315] : memref<32x128xf32, #tpu.memory_space<vmem>>[vector<16xi32>, vector<16xi32>], vector<16xf32>,
      %parallel_loop3A_317 = arith.mulf %parallel_loop3A_312, %parallel_loop3A_311 : vector<16xf32>
      %parallel_loop3A_318 = arith.mulf %parallel_loop3A_316, %parallel_loop3A_311 : vector<16xf32>
      %parallel_loop3A_319 = arith.constant 21 : i32
      %parallel_loop3A_320 = vector.broadcast %parallel_loop3A_319 : i32 to vector<16xi32>
      %parallel_loop3A_321 = arith.addi %parallel_loop3A_20, %parallel_loop3A_320 : vector<16xi32>
      %parallel_loop3A_322 = arith.constant 63 : i32
      %parallel_loop3A_323 = vector.broadcast %parallel_loop3A_322 : i32 to vector<16xi32>
      %parallel_loop3A_324 = arith.andi %parallel_loop3A_321, %parallel_loop3A_323 : vector<16xi32>
      %parallel_loop3A_325 = tpu.vector_load_idx %arg6[%parallel_loop3A_24, %parallel_loop3A_324] : memref<32x64xf32, #tpu.memory_space<vmem>>[vector<16xi32>, vector<16xi32>], vector<16xf32>,
      %parallel_loop3A_326 = tpu.vector_load_idx %arg5[%parallel_loop3A_24, %parallel_loop3A_324] : memref<32x128xf32, #tpu.memory_space<vmem>>[vector<16xi32>, vector<16xi32>], vector<16xf32>,
      %parallel_loop3A_327 = arith.constant 64 : i32
      %parallel_loop3A_328 = vector.broadcast %parallel_loop3A_327 : i32 to vector<16xi32>
      %parallel_loop3A_329 = arith.addi %parallel_loop3A_324, %parallel_loop3A_328 : vector<16xi32>
      %parallel_loop3A_330 = tpu.vector_load_idx %arg5[%parallel_loop3A_24, %parallel_loop3A_329] : memref<32x128xf32, #tpu.memory_space<vmem>>[vector<16xi32>, vector<16xi32>], vector<16xf32>,
      %parallel_loop3A_331 = arith.mulf %parallel_loop3A_326, %parallel_loop3A_325 : vector<16xf32>
      %parallel_loop3A_332 = arith.mulf %parallel_loop3A_330, %parallel_loop3A_325 : vector<16xf32>
      %parallel_loop3A_333 = arith.constant 22 : i32
      %parallel_loop3A_334 = vector.broadcast %parallel_loop3A_333 : i32 to vector<16xi32>
      %parallel_loop3A_335 = arith.addi %parallel_loop3A_20, %parallel_loop3A_334 : vector<16xi32>
      %parallel_loop3A_336 = arith.constant 63 : i32
      %parallel_loop3A_337 = vector.broadcast %parallel_loop3A_336 : i32 to vector<16xi32>
      %parallel_loop3A_338 = arith.andi %parallel_loop3A_335, %parallel_loop3A_337 : vector<16xi32>
      %parallel_loop3A_339 = tpu.vector_load_idx %arg6[%parallel_loop3A_24, %parallel_loop3A_338] : memref<32x64xf32, #tpu.memory_space<vmem>>[vector<16xi32>, vector<16xi32>], vector<16xf32>,
      %parallel_loop3A_340 = tpu.vector_load_idx %arg5[%parallel_loop3A_24, %parallel_loop3A_338] : memref<32x128xf32, #tpu.memory_space<vmem>>[vector<16xi32>, vector<16xi32>], vector<16xf32>,
      %parallel_loop3A_341 = arith.constant 64 : i32
      %parallel_loop3A_342 = vector.broadcast %parallel_loop3A_341 : i32 to vector<16xi32>
      %parallel_loop3A_343 = arith.addi %parallel_loop3A_338, %parallel_loop3A_342 : vector<16xi32>
      %parallel_loop3A_344 = tpu.vector_load_idx %arg5[%parallel_loop3A_24, %parallel_loop3A_343] : memref<32x128xf32, #tpu.memory_space<vmem>>[vector<16xi32>, vector<16xi32>], vector<16xf32>,
      %parallel_loop3A_345 = arith.mulf %parallel_loop3A_340, %parallel_loop3A_339 : vector<16xf32>
      %parallel_loop3A_346 = arith.mulf %parallel_loop3A_344, %parallel_loop3A_339 : vector<16xf32>
      %parallel_loop3A_347 = arith.constant 23 : i32
      %parallel_loop3A_348 = vector.broadcast %parallel_loop3A_347 : i32 to vector<16xi32>
      %parallel_loop3A_349 = arith.addi %parallel_loop3A_20, %parallel_loop3A_348 : vector<16xi32>
      %parallel_loop3A_350 = arith.constant 63 : i32
      %parallel_loop3A_351 = vector.broadcast %parallel_loop3A_350 : i32 to vector<16xi32>
      %parallel_loop3A_352 = arith.andi %parallel_loop3A_349, %parallel_loop3A_351 : vector<16xi32>
      %parallel_loop3A_353 = tpu.vector_load_idx %arg6[%parallel_loop3A_24, %parallel_loop3A_352] : memref<32x64xf32, #tpu.memory_space<vmem>>[vector<16xi32>, vector<16xi32>], vector<16xf32>,
      %parallel_loop3A_354 = tpu.vector_load_idx %arg5[%parallel_loop3A_24, %parallel_loop3A_352] : memref<32x128xf32, #tpu.memory_space<vmem>>[vector<16xi32>, vector<16xi32>], vector<16xf32>,
      %parallel_loop3A_355 = arith.constant 64 : i32
      %parallel_loop3A_356 = vector.broadcast %parallel_loop3A_355 : i32 to vector<16xi32>
      %parallel_loop3A_357 = arith.addi %parallel_loop3A_352, %parallel_loop3A_356 : vector<16xi32>
      %parallel_loop3A_358 = tpu.vector_load_idx %arg5[%parallel_loop3A_24, %parallel_loop3A_357] : memref<32x128xf32, #tpu.memory_space<vmem>>[vector<16xi32>, vector<16xi32>], vector<16xf32>,
      %parallel_loop3A_359 = arith.mulf %parallel_loop3A_354, %parallel_loop3A_353 : vector<16xf32>
      %parallel_loop3A_360 = arith.mulf %parallel_loop3A_358, %parallel_loop3A_353 : vector<16xf32>
      %parallel_loop3A_361 = arith.constant 24 : i32
      %parallel_loop3A_362 = vector.broadcast %parallel_loop3A_361 : i32 to vector<16xi32>
      %parallel_loop3A_363 = arith.addi %parallel_loop3A_20, %parallel_loop3A_362 : vector<16xi32>
      %parallel_loop3A_364 = arith.constant 63 : i32
      %parallel_loop3A_365 = vector.broadcast %parallel_loop3A_364 : i32 to vector<16xi32>
      %parallel_loop3A_366 = arith.andi %parallel_loop3A_363, %parallel_loop3A_365 : vector<16xi32>
      %parallel_loop3A_367 = tpu.vector_load_idx %arg6[%parallel_loop3A_24, %parallel_loop3A_366] : memref<32x64xf32, #tpu.memory_space<vmem>>[vector<16xi32>, vector<16xi32>], vector<16xf32>,
      %parallel_loop3A_368 = tpu.vector_load_idx %arg5[%parallel_loop3A_24, %parallel_loop3A_366] : memref<32x128xf32, #tpu.memory_space<vmem>>[vector<16xi32>, vector<16xi32>], vector<16xf32>,
      %parallel_loop3A_369 = arith.constant 64 : i32
      %parallel_loop3A_370 = vector.broadcast %parallel_loop3A_369 : i32 to vector<16xi32>
      %parallel_loop3A_371 = arith.addi %parallel_loop3A_366, %parallel_loop3A_370 : vector<16xi32>
      %parallel_loop3A_372 = tpu.vector_load_idx %arg5[%parallel_loop3A_24, %parallel_loop3A_371] : memref<32x128xf32, #tpu.memory_space<vmem>>[vector<16xi32>, vector<16xi32>], vector<16xf32>,
      %parallel_loop3A_373 = arith.mulf %parallel_loop3A_368, %parallel_loop3A_367 : vector<16xf32>
      %parallel_loop3A_374 = arith.mulf %parallel_loop3A_372, %parallel_loop3A_367 : vector<16xf32>
      %parallel_loop3A_375 = arith.constant 25 : i32
      %parallel_loop3A_376 = vector.broadcast %parallel_loop3A_375 : i32 to vector<16xi32>
      %parallel_loop3A_377 = arith.addi %parallel_loop3A_20, %parallel_loop3A_376 : vector<16xi32>
      %parallel_loop3A_378 = arith.constant 63 : i32
      %parallel_loop3A_379 = vector.broadcast %parallel_loop3A_378 : i32 to vector<16xi32>
      %parallel_loop3A_380 = arith.andi %parallel_loop3A_377, %parallel_loop3A_379 : vector<16xi32>
      %parallel_loop3A_381 = tpu.vector_load_idx %arg6[%parallel_loop3A_24, %parallel_loop3A_380] : memref<32x64xf32, #tpu.memory_space<vmem>>[vector<16xi32>, vector<16xi32>], vector<16xf32>,
      %parallel_loop3A_382 = tpu.vector_load_idx %arg5[%parallel_loop3A_24, %parallel_loop3A_380] : memref<32x128xf32, #tpu.memory_space<vmem>>[vector<16xi32>, vector<16xi32>], vector<16xf32>,
      %parallel_loop3A_383 = arith.constant 64 : i32
      %parallel_loop3A_384 = vector.broadcast %parallel_loop3A_383 : i32 to vector<16xi32>
      %parallel_loop3A_385 = arith.addi %parallel_loop3A_380, %parallel_loop3A_384 : vector<16xi32>
      %parallel_loop3A_386 = tpu.vector_load_idx %arg5[%parallel_loop3A_24, %parallel_loop3A_385] : memref<32x128xf32, #tpu.memory_space<vmem>>[vector<16xi32>, vector<16xi32>], vector<16xf32>,
      %parallel_loop3A_387 = arith.mulf %parallel_loop3A_382, %parallel_loop3A_381 : vector<16xf32>
      %parallel_loop3A_388 = arith.mulf %parallel_loop3A_386, %parallel_loop3A_381 : vector<16xf32>
      %parallel_loop3A_389 = arith.constant 26 : i32
      %parallel_loop3A_390 = vector.broadcast %parallel_loop3A_389 : i32 to vector<16xi32>
      %parallel_loop3A_391 = arith.addi %parallel_loop3A_20, %parallel_loop3A_390 : vector<16xi32>
      %parallel_loop3A_392 = arith.constant 63 : i32
      %parallel_loop3A_393 = vector.broadcast %parallel_loop3A_392 : i32 to vector<16xi32>
      %parallel_loop3A_394 = arith.andi %parallel_loop3A_391, %parallel_loop3A_393 : vector<16xi32>
      %parallel_loop3A_395 = tpu.vector_load_idx %arg6[%parallel_loop3A_24, %parallel_loop3A_394] : memref<32x64xf32, #tpu.memory_space<vmem>>[vector<16xi32>, vector<16xi32>], vector<16xf32>,
      %parallel_loop3A_396 = tpu.vector_load_idx %arg5[%parallel_loop3A_24, %parallel_loop3A_394] : memref<32x128xf32, #tpu.memory_space<vmem>>[vector<16xi32>, vector<16xi32>], vector<16xf32>,
      %parallel_loop3A_397 = arith.constant 64 : i32
      %parallel_loop3A_398 = vector.broadcast %parallel_loop3A_397 : i32 to vector<16xi32>
      %parallel_loop3A_399 = arith.addi %parallel_loop3A_394, %parallel_loop3A_398 : vector<16xi32>
      %parallel_loop3A_400 = tpu.vector_load_idx %arg5[%parallel_loop3A_24, %parallel_loop3A_399] : memref<32x128xf32, #tpu.memory_space<vmem>>[vector<16xi32>, vector<16xi32>], vector<16xf32>,
      %parallel_loop3A_401 = arith.mulf %parallel_loop3A_396, %parallel_loop3A_395 : vector<16xf32>
      %parallel_loop3A_402 = arith.mulf %parallel_loop3A_400, %parallel_loop3A_395 : vector<16xf32>
      %parallel_loop3A_403 = arith.constant 27 : i32
      %parallel_loop3A_404 = vector.broadcast %parallel_loop3A_403 : i32 to vector<16xi32>
      %parallel_loop3A_405 = arith.addi %parallel_loop3A_20, %parallel_loop3A_404 : vector<16xi32>
      %parallel_loop3A_406 = arith.constant 63 : i32
      %parallel_loop3A_407 = vector.broadcast %parallel_loop3A_406 : i32 to vector<16xi32>
      %parallel_loop3A_408 = arith.andi %parallel_loop3A_405, %parallel_loop3A_407 : vector<16xi32>
      %parallel_loop3A_409 = tpu.vector_load_idx %arg6[%parallel_loop3A_24, %parallel_loop3A_408] : memref<32x64xf32, #tpu.memory_space<vmem>>[vector<16xi32>, vector<16xi32>], vector<16xf32>,
      %parallel_loop3A_410 = tpu.vector_load_idx %arg5[%parallel_loop3A_24, %parallel_loop3A_408] : memref<32x128xf32, #tpu.memory_space<vmem>>[vector<16xi32>, vector<16xi32>], vector<16xf32>,
      %parallel_loop3A_411 = arith.constant 64 : i32
      %parallel_loop3A_412 = vector.broadcast %parallel_loop3A_411 : i32 to vector<16xi32>
      %parallel_loop3A_413 = arith.addi %parallel_loop3A_408, %parallel_loop3A_412 : vector<16xi32>
      %parallel_loop3A_414 = tpu.vector_load_idx %arg5[%parallel_loop3A_24, %parallel_loop3A_413] : memref<32x128xf32, #tpu.memory_space<vmem>>[vector<16xi32>, vector<16xi32>], vector<16xf32>,
      %parallel_loop3A_415 = arith.mulf %parallel_loop3A_410, %parallel_loop3A_409 : vector<16xf32>
      %parallel_loop3A_416 = arith.mulf %parallel_loop3A_414, %parallel_loop3A_409 : vector<16xf32>
      %parallel_loop3A_417 = arith.constant 28 : i32
      %parallel_loop3A_418 = vector.broadcast %parallel_loop3A_417 : i32 to vector<16xi32>
      %parallel_loop3A_419 = arith.addi %parallel_loop3A_20, %parallel_loop3A_418 : vector<16xi32>
      %parallel_loop3A_420 = arith.constant 63 : i32
      %parallel_loop3A_421 = vector.broadcast %parallel_loop3A_420 : i32 to vector<16xi32>
      %parallel_loop3A_422 = arith.andi %parallel_loop3A_419, %parallel_loop3A_421 : vector<16xi32>
      %parallel_loop3A_423 = tpu.vector_load_idx %arg6[%parallel_loop3A_24, %parallel_loop3A_422] : memref<32x64xf32, #tpu.memory_space<vmem>>[vector<16xi32>, vector<16xi32>], vector<16xf32>,
      %parallel_loop3A_424 = tpu.vector_load_idx %arg5[%parallel_loop3A_24, %parallel_loop3A_422] : memref<32x128xf32, #tpu.memory_space<vmem>>[vector<16xi32>, vector<16xi32>], vector<16xf32>,
      %parallel_loop3A_425 = arith.constant 64 : i32
      %parallel_loop3A_426 = vector.broadcast %parallel_loop3A_425 : i32 to vector<16xi32>
      %parallel_loop3A_427 = arith.addi %parallel_loop3A_422, %parallel_loop3A_426 : vector<16xi32>
      %parallel_loop3A_428 = tpu.vector_load_idx %arg5[%parallel_loop3A_24, %parallel_loop3A_427] : memref<32x128xf32, #tpu.memory_space<vmem>>[vector<16xi32>, vector<16xi32>], vector<16xf32>,
      %parallel_loop3A_429 = arith.mulf %parallel_loop3A_424, %parallel_loop3A_423 : vector<16xf32>
      %parallel_loop3A_430 = arith.mulf %parallel_loop3A_428, %parallel_loop3A_423 : vector<16xf32>
      %parallel_loop3A_431 = arith.constant 29 : i32
      %parallel_loop3A_432 = vector.broadcast %parallel_loop3A_431 : i32 to vector<16xi32>
      %parallel_loop3A_433 = arith.addi %parallel_loop3A_20, %parallel_loop3A_432 : vector<16xi32>
      %parallel_loop3A_434 = arith.constant 63 : i32
      %parallel_loop3A_435 = vector.broadcast %parallel_loop3A_434 : i32 to vector<16xi32>
      %parallel_loop3A_436 = arith.andi %parallel_loop3A_433, %parallel_loop3A_435 : vector<16xi32>
      %parallel_loop3A_437 = tpu.vector_load_idx %arg6[%parallel_loop3A_24, %parallel_loop3A_436] : memref<32x64xf32, #tpu.memory_space<vmem>>[vector<16xi32>, vector<16xi32>], vector<16xf32>,
      %parallel_loop3A_438 = tpu.vector_load_idx %arg5[%parallel_loop3A_24, %parallel_loop3A_436] : memref<32x128xf32, #tpu.memory_space<vmem>>[vector<16xi32>, vector<16xi32>], vector<16xf32>,
      %parallel_loop3A_439 = arith.constant 64 : i32
      %parallel_loop3A_440 = vector.broadcast %parallel_loop3A_439 : i32 to vector<16xi32>
      %parallel_loop3A_441 = arith.addi %parallel_loop3A_436, %parallel_loop3A_440 : vector<16xi32>
      %parallel_loop3A_442 = tpu.vector_load_idx %arg5[%parallel_loop3A_24, %parallel_loop3A_441] : memref<32x128xf32, #tpu.memory_space<vmem>>[vector<16xi32>, vector<16xi32>], vector<16xf32>,
      %parallel_loop3A_443 = arith.mulf %parallel_loop3A_438, %parallel_loop3A_437 : vector<16xf32>
      %parallel_loop3A_444 = arith.mulf %parallel_loop3A_442, %parallel_loop3A_437 : vector<16xf32>
      %parallel_loop3A_445 = arith.constant 30 : i32
      %parallel_loop3A_446 = vector.broadcast %parallel_loop3A_445 : i32 to vector<16xi32>
      %parallel_loop3A_447 = arith.addi %parallel_loop3A_20, %parallel_loop3A_446 : vector<16xi32>
      %parallel_loop3A_448 = arith.constant 63 : i32
      %parallel_loop3A_449 = vector.broadcast %parallel_loop3A_448 : i32 to vector<16xi32>
      %parallel_loop3A_450 = arith.andi %parallel_loop3A_447, %parallel_loop3A_449 : vector<16xi32>
      %parallel_loop3A_451 = tpu.vector_load_idx %arg6[%parallel_loop3A_24, %parallel_loop3A_450] : memref<32x64xf32, #tpu.memory_space<vmem>>[vector<16xi32>, vector<16xi32>], vector<16xf32>,
      %parallel_loop3A_452 = tpu.vector_load_idx %arg5[%parallel_loop3A_24, %parallel_loop3A_450] : memref<32x128xf32, #tpu.memory_space<vmem>>[vector<16xi32>, vector<16xi32>], vector<16xf32>,
      %parallel_loop3A_453 = arith.constant 64 : i32
      %parallel_loop3A_454 = vector.broadcast %parallel_loop3A_453 : i32 to vector<16xi32>
      %parallel_loop3A_455 = arith.addi %parallel_loop3A_450, %parallel_loop3A_454 : vector<16xi32>
      %parallel_loop3A_456 = tpu.vector_load_idx %arg5[%parallel_loop3A_24, %parallel_loop3A_455] : memref<32x128xf32, #tpu.memory_space<vmem>>[vector<16xi32>, vector<16xi32>], vector<16xf32>,
      %parallel_loop3A_457 = arith.mulf %parallel_loop3A_452, %parallel_loop3A_451 : vector<16xf32>
      %parallel_loop3A_458 = arith.mulf %parallel_loop3A_456, %parallel_loop3A_451 : vector<16xf32>
      %parallel_loop3A_459 = arith.constant 31 : i32
      %parallel_loop3A_460 = vector.broadcast %parallel_loop3A_459 : i32 to vector<16xi32>
      %parallel_loop3A_461 = arith.addi %parallel_loop3A_20, %parallel_loop3A_460 : vector<16xi32>
      %parallel_loop3A_462 = arith.constant 63 : i32
      %parallel_loop3A_463 = vector.broadcast %parallel_loop3A_462 : i32 to vector<16xi32>
      %parallel_loop3A_464 = arith.andi %parallel_loop3A_461, %parallel_loop3A_463 : vector<16xi32>
      %parallel_loop3A_465 = tpu.vector_load_idx %arg6[%parallel_loop3A_24, %parallel_loop3A_464] : memref<32x64xf32, #tpu.memory_space<vmem>>[vector<16xi32>, vector<16xi32>], vector<16xf32>,
      %parallel_loop3A_466 = tpu.vector_load_idx %arg5[%parallel_loop3A_24, %parallel_loop3A_464] : memref<32x128xf32, #tpu.memory_space<vmem>>[vector<16xi32>, vector<16xi32>], vector<16xf32>,
      %parallel_loop3A_467 = arith.constant 64 : i32
      %parallel_loop3A_468 = vector.broadcast %parallel_loop3A_467 : i32 to vector<16xi32>
      %parallel_loop3A_469 = arith.addi %parallel_loop3A_464, %parallel_loop3A_468 : vector<16xi32>
      %parallel_loop3A_470 = tpu.vector_load_idx %arg5[%parallel_loop3A_24, %parallel_loop3A_469] : memref<32x128xf32, #tpu.memory_space<vmem>>[vector<16xi32>, vector<16xi32>], vector<16xf32>,
      %parallel_loop3A_471 = arith.mulf %parallel_loop3A_466, %parallel_loop3A_465 : vector<16xf32>
      %parallel_loop3A_472 = arith.mulf %parallel_loop3A_470, %parallel_loop3A_465 : vector<16xf32>
      %parallel_loop3A_473 = arith.constant 32 : i32
      %parallel_loop3A_474 = vector.broadcast %parallel_loop3A_473 : i32 to vector<16xi32>
      %parallel_loop3A_475 = arith.addi %parallel_loop3A_20, %parallel_loop3A_474 : vector<16xi32>
      %parallel_loop3A_476 = arith.constant 63 : i32
      %parallel_loop3A_477 = vector.broadcast %parallel_loop3A_476 : i32 to vector<16xi32>
      %parallel_loop3A_478 = arith.andi %parallel_loop3A_475, %parallel_loop3A_477 : vector<16xi32>
      %parallel_loop3A_479 = tpu.vector_load_idx %arg6[%parallel_loop3A_24, %parallel_loop3A_478] : memref<32x64xf32, #tpu.memory_space<vmem>>[vector<16xi32>, vector<16xi32>], vector<16xf32>,
      %parallel_loop3A_480 = tpu.vector_load_idx %arg5[%parallel_loop3A_24, %parallel_loop3A_478] : memref<32x128xf32, #tpu.memory_space<vmem>>[vector<16xi32>, vector<16xi32>], vector<16xf32>,
      %parallel_loop3A_481 = arith.constant 64 : i32
      %parallel_loop3A_482 = vector.broadcast %parallel_loop3A_481 : i32 to vector<16xi32>
      %parallel_loop3A_483 = arith.addi %parallel_loop3A_478, %parallel_loop3A_482 : vector<16xi32>
      %parallel_loop3A_484 = tpu.vector_load_idx %arg5[%parallel_loop3A_24, %parallel_loop3A_483] : memref<32x128xf32, #tpu.memory_space<vmem>>[vector<16xi32>, vector<16xi32>], vector<16xf32>,
      %parallel_loop3A_485 = arith.mulf %parallel_loop3A_480, %parallel_loop3A_479 : vector<16xf32>
      %parallel_loop3A_486 = arith.mulf %parallel_loop3A_484, %parallel_loop3A_479 : vector<16xf32>
      %parallel_loop3A_487 = arith.constant 33 : i32
      %parallel_loop3A_488 = vector.broadcast %parallel_loop3A_487 : i32 to vector<16xi32>
      %parallel_loop3A_489 = arith.addi %parallel_loop3A_20, %parallel_loop3A_488 : vector<16xi32>
      %parallel_loop3A_490 = arith.constant 63 : i32
      %parallel_loop3A_491 = vector.broadcast %parallel_loop3A_490 : i32 to vector<16xi32>
      %parallel_loop3A_492 = arith.andi %parallel_loop3A_489, %parallel_loop3A_491 : vector<16xi32>
      %parallel_loop3A_493 = tpu.vector_load_idx %arg6[%parallel_loop3A_24, %parallel_loop3A_492] : memref<32x64xf32, #tpu.memory_space<vmem>>[vector<16xi32>, vector<16xi32>], vector<16xf32>,
      %parallel_loop3A_494 = tpu.vector_load_idx %arg5[%parallel_loop3A_24, %parallel_loop3A_492] : memref<32x128xf32, #tpu.memory_space<vmem>>[vector<16xi32>, vector<16xi32>], vector<16xf32>,
      %parallel_loop3A_495 = arith.constant 64 : i32
      %parallel_loop3A_496 = vector.broadcast %parallel_loop3A_495 : i32 to vector<16xi32>
      %parallel_loop3A_497 = arith.addi %parallel_loop3A_492, %parallel_loop3A_496 : vector<16xi32>
      %parallel_loop3A_498 = tpu.vector_load_idx %arg5[%parallel_loop3A_24, %parallel_loop3A_497] : memref<32x128xf32, #tpu.memory_space<vmem>>[vector<16xi32>, vector<16xi32>], vector<16xf32>,
      %parallel_loop3A_499 = arith.mulf %parallel_loop3A_494, %parallel_loop3A_493 : vector<16xf32>
      %parallel_loop3A_500 = arith.mulf %parallel_loop3A_498, %parallel_loop3A_493 : vector<16xf32>
      %parallel_loop3A_501 = arith.constant 34 : i32
      %parallel_loop3A_502 = vector.broadcast %parallel_loop3A_501 : i32 to vector<16xi32>
      %parallel_loop3A_503 = arith.addi %parallel_loop3A_20, %parallel_loop3A_502 : vector<16xi32>
      %parallel_loop3A_504 = arith.constant 63 : i32
      %parallel_loop3A_505 = vector.broadcast %parallel_loop3A_504 : i32 to vector<16xi32>
      %parallel_loop3A_506 = arith.andi %parallel_loop3A_503, %parallel_loop3A_505 : vector<16xi32>
      %parallel_loop3A_507 = tpu.vector_load_idx %arg6[%parallel_loop3A_24, %parallel_loop3A_506] : memref<32x64xf32, #tpu.memory_space<vmem>>[vector<16xi32>, vector<16xi32>], vector<16xf32>,
      %parallel_loop3A_508 = tpu.vector_load_idx %arg5[%parallel_loop3A_24, %parallel_loop3A_506] : memref<32x128xf32, #tpu.memory_space<vmem>>[vector<16xi32>, vector<16xi32>], vector<16xf32>,
      %parallel_loop3A_509 = arith.constant 64 : i32
      %parallel_loop3A_510 = vector.broadcast %parallel_loop3A_509 : i32 to vector<16xi32>
      %parallel_loop3A_511 = arith.addi %parallel_loop3A_506, %parallel_loop3A_510 : vector<16xi32>
      %parallel_loop3A_512 = tpu.vector_load_idx %arg5[%parallel_loop3A_24, %parallel_loop3A_511] : memref<32x128xf32, #tpu.memory_space<vmem>>[vector<16xi32>, vector<16xi32>], vector<16xf32>,
      %parallel_loop3A_513 = arith.mulf %parallel_loop3A_508, %parallel_loop3A_507 : vector<16xf32>
      %parallel_loop3A_514 = arith.mulf %parallel_loop3A_512, %parallel_loop3A_507 : vector<16xf32>
      %parallel_loop3A_515 = arith.constant 35 : i32
      %parallel_loop3A_516 = vector.broadcast %parallel_loop3A_515 : i32 to vector<16xi32>
      %parallel_loop3A_517 = arith.addi %parallel_loop3A_20, %parallel_loop3A_516 : vector<16xi32>
      %parallel_loop3A_518 = arith.constant 63 : i32
      %parallel_loop3A_519 = vector.broadcast %parallel_loop3A_518 : i32 to vector<16xi32>
      %parallel_loop3A_520 = arith.andi %parallel_loop3A_517, %parallel_loop3A_519 : vector<16xi32>
      %parallel_loop3A_521 = tpu.vector_load_idx %arg6[%parallel_loop3A_24, %parallel_loop3A_520] : memref<32x64xf32, #tpu.memory_space<vmem>>[vector<16xi32>, vector<16xi32>], vector<16xf32>,
      %parallel_loop3A_522 = tpu.vector_load_idx %arg5[%parallel_loop3A_24, %parallel_loop3A_520] : memref<32x128xf32, #tpu.memory_space<vmem>>[vector<16xi32>, vector<16xi32>], vector<16xf32>,
      %parallel_loop3A_523 = arith.constant 64 : i32
      %parallel_loop3A_524 = vector.broadcast %parallel_loop3A_523 : i32 to vector<16xi32>
      %parallel_loop3A_525 = arith.addi %parallel_loop3A_520, %parallel_loop3A_524 : vector<16xi32>
      %parallel_loop3A_526 = tpu.vector_load_idx %arg5[%parallel_loop3A_24, %parallel_loop3A_525] : memref<32x128xf32, #tpu.memory_space<vmem>>[vector<16xi32>, vector<16xi32>], vector<16xf32>,
      %parallel_loop3A_527 = arith.mulf %parallel_loop3A_522, %parallel_loop3A_521 : vector<16xf32>
      %parallel_loop3A_528 = arith.mulf %parallel_loop3A_526, %parallel_loop3A_521 : vector<16xf32>
      %parallel_loop3A_529 = arith.constant 36 : i32
      %parallel_loop3A_530 = vector.broadcast %parallel_loop3A_529 : i32 to vector<16xi32>
      %parallel_loop3A_531 = arith.addi %parallel_loop3A_20, %parallel_loop3A_530 : vector<16xi32>
      %parallel_loop3A_532 = arith.constant 63 : i32
      %parallel_loop3A_533 = vector.broadcast %parallel_loop3A_532 : i32 to vector<16xi32>
      %parallel_loop3A_534 = arith.andi %parallel_loop3A_531, %parallel_loop3A_533 : vector<16xi32>
      %parallel_loop3A_535 = tpu.vector_load_idx %arg6[%parallel_loop3A_24, %parallel_loop3A_534] : memref<32x64xf32, #tpu.memory_space<vmem>>[vector<16xi32>, vector<16xi32>], vector<16xf32>,
      %parallel_loop3A_536 = tpu.vector_load_idx %arg5[%parallel_loop3A_24, %parallel_loop3A_534] : memref<32x128xf32, #tpu.memory_space<vmem>>[vector<16xi32>, vector<16xi32>], vector<16xf32>,
      %parallel_loop3A_537 = arith.constant 64 : i32
      %parallel_loop3A_538 = vector.broadcast %parallel_loop3A_537 : i32 to vector<16xi32>
      %parallel_loop3A_539 = arith.addi %parallel_loop3A_534, %parallel_loop3A_538 : vector<16xi32>
      %parallel_loop3A_540 = tpu.vector_load_idx %arg5[%parallel_loop3A_24, %parallel_loop3A_539] : memref<32x128xf32, #tpu.memory_space<vmem>>[vector<16xi32>, vector<16xi32>], vector<16xf32>,
      %parallel_loop3A_541 = arith.mulf %parallel_loop3A_536, %parallel_loop3A_535 : vector<16xf32>
      %parallel_loop3A_542 = arith.mulf %parallel_loop3A_540, %parallel_loop3A_535 : vector<16xf32>
      %parallel_loop3A_543 = arith.constant 37 : i32
      %parallel_loop3A_544 = vector.broadcast %parallel_loop3A_543 : i32 to vector<16xi32>
      %parallel_loop3A_545 = arith.addi %parallel_loop3A_20, %parallel_loop3A_544 : vector<16xi32>
      %parallel_loop3A_546 = arith.constant 63 : i32
      %parallel_loop3A_547 = vector.broadcast %parallel_loop3A_546 : i32 to vector<16xi32>
      %parallel_loop3A_548 = arith.andi %parallel_loop3A_545, %parallel_loop3A_547 : vector<16xi32>
      %parallel_loop3A_549 = tpu.vector_load_idx %arg6[%parallel_loop3A_24, %parallel_loop3A_548] : memref<32x64xf32, #tpu.memory_space<vmem>>[vector<16xi32>, vector<16xi32>], vector<16xf32>,
      %parallel_loop3A_550 = tpu.vector_load_idx %arg5[%parallel_loop3A_24, %parallel_loop3A_548] : memref<32x128xf32, #tpu.memory_space<vmem>>[vector<16xi32>, vector<16xi32>], vector<16xf32>,
      %parallel_loop3A_551 = arith.constant 64 : i32
      %parallel_loop3A_552 = vector.broadcast %parallel_loop3A_551 : i32 to vector<16xi32>
      %parallel_loop3A_553 = arith.addi %parallel_loop3A_548, %parallel_loop3A_552 : vector<16xi32>
      %parallel_loop3A_554 = tpu.vector_load_idx %arg5[%parallel_loop3A_24, %parallel_loop3A_553] : memref<32x128xf32, #tpu.memory_space<vmem>>[vector<16xi32>, vector<16xi32>], vector<16xf32>,
      %parallel_loop3A_555 = arith.mulf %parallel_loop3A_550, %parallel_loop3A_549 : vector<16xf32>
      %parallel_loop3A_556 = arith.mulf %parallel_loop3A_554, %parallel_loop3A_549 : vector<16xf32>
      %parallel_loop3A_557 = arith.constant 38 : i32
      %parallel_loop3A_558 = vector.broadcast %parallel_loop3A_557 : i32 to vector<16xi32>
      %parallel_loop3A_559 = arith.addi %parallel_loop3A_20, %parallel_loop3A_558 : vector<16xi32>
      %parallel_loop3A_560 = arith.constant 63 : i32
      %parallel_loop3A_561 = vector.broadcast %parallel_loop3A_560 : i32 to vector<16xi32>
      %parallel_loop3A_562 = arith.andi %parallel_loop3A_559, %parallel_loop3A_561 : vector<16xi32>
      %parallel_loop3A_563 = tpu.vector_load_idx %arg6[%parallel_loop3A_24, %parallel_loop3A_562] : memref<32x64xf32, #tpu.memory_space<vmem>>[vector<16xi32>, vector<16xi32>], vector<16xf32>,
      %parallel_loop3A_564 = tpu.vector_load_idx %arg5[%parallel_loop3A_24, %parallel_loop3A_562] : memref<32x128xf32, #tpu.memory_space<vmem>>[vector<16xi32>, vector<16xi32>], vector<16xf32>,
      %parallel_loop3A_565 = arith.constant 64 : i32
      %parallel_loop3A_566 = vector.broadcast %parallel_loop3A_565 : i32 to vector<16xi32>
      %parallel_loop3A_567 = arith.addi %parallel_loop3A_562, %parallel_loop3A_566 : vector<16xi32>
      %parallel_loop3A_568 = tpu.vector_load_idx %arg5[%parallel_loop3A_24, %parallel_loop3A_567] : memref<32x128xf32, #tpu.memory_space<vmem>>[vector<16xi32>, vector<16xi32>], vector<16xf32>,
      %parallel_loop3A_569 = arith.mulf %parallel_loop3A_564, %parallel_loop3A_563 : vector<16xf32>
      %parallel_loop3A_570 = arith.mulf %parallel_loop3A_568, %parallel_loop3A_563 : vector<16xf32>
      %parallel_loop3A_571 = arith.constant 39 : i32
      %parallel_loop3A_572 = vector.broadcast %parallel_loop3A_571 : i32 to vector<16xi32>
      %parallel_loop3A_573 = arith.addi %parallel_loop3A_20, %parallel_loop3A_572 : vector<16xi32>
      %parallel_loop3A_574 = arith.constant 63 : i32
      %parallel_loop3A_575 = vector.broadcast %parallel_loop3A_574 : i32 to vector<16xi32>
      %parallel_loop3A_576 = arith.andi %parallel_loop3A_573, %parallel_loop3A_575 : vector<16xi32>
      %parallel_loop3A_577 = tpu.vector_load_idx %arg6[%parallel_loop3A_24, %parallel_loop3A_576] : memref<32x64xf32, #tpu.memory_space<vmem>>[vector<16xi32>, vector<16xi32>], vector<16xf32>,
      %parallel_loop3A_578 = tpu.vector_load_idx %arg5[%parallel_loop3A_24, %parallel_loop3A_576] : memref<32x128xf32, #tpu.memory_space<vmem>>[vector<16xi32>, vector<16xi32>], vector<16xf32>,
      %parallel_loop3A_579 = arith.constant 64 : i32
      %parallel_loop3A_580 = vector.broadcast %parallel_loop3A_579 : i32 to vector<16xi32>
      %parallel_loop3A_581 = arith.addi %parallel_loop3A_576, %parallel_loop3A_580 : vector<16xi32>
      %parallel_loop3A_582 = tpu.vector_load_idx %arg5[%parallel_loop3A_24, %parallel_loop3A_581] : memref<32x128xf32, #tpu.memory_space<vmem>>[vector<16xi32>, vector<16xi32>], vector<16xf32>,
      %parallel_loop3A_583 = arith.mulf %parallel_loop3A_578, %parallel_loop3A_577 : vector<16xf32>
      %parallel_loop3A_584 = arith.mulf %parallel_loop3A_582, %parallel_loop3A_577 : vector<16xf32>
      %parallel_loop3A_585 = arith.constant 40 : i32
      %parallel_loop3A_586 = vector.broadcast %parallel_loop3A_585 : i32 to vector<16xi32>
      %parallel_loop3A_587 = arith.addi %parallel_loop3A_20, %parallel_loop3A_586 : vector<16xi32>
      %parallel_loop3A_588 = arith.constant 63 : i32
      %parallel_loop3A_589 = vector.broadcast %parallel_loop3A_588 : i32 to vector<16xi32>
      %parallel_loop3A_590 = arith.andi %parallel_loop3A_587, %parallel_loop3A_589 : vector<16xi32>
      %parallel_loop3A_591 = tpu.vector_load_idx %arg6[%parallel_loop3A_24, %parallel_loop3A_590] : memref<32x64xf32, #tpu.memory_space<vmem>>[vector<16xi32>, vector<16xi32>], vector<16xf32>,
      %parallel_loop3A_592 = tpu.vector_load_idx %arg5[%parallel_loop3A_24, %parallel_loop3A_590] : memref<32x128xf32, #tpu.memory_space<vmem>>[vector<16xi32>, vector<16xi32>], vector<16xf32>,
      %parallel_loop3A_593 = arith.constant 64 : i32
      %parallel_loop3A_594 = vector.broadcast %parallel_loop3A_593 : i32 to vector<16xi32>
      %parallel_loop3A_595 = arith.addi %parallel_loop3A_590, %parallel_loop3A_594 : vector<16xi32>
      %parallel_loop3A_596 = tpu.vector_load_idx %arg5[%parallel_loop3A_24, %parallel_loop3A_595] : memref<32x128xf32, #tpu.memory_space<vmem>>[vector<16xi32>, vector<16xi32>], vector<16xf32>,
      %parallel_loop3A_597 = arith.mulf %parallel_loop3A_592, %parallel_loop3A_591 : vector<16xf32>
      %parallel_loop3A_598 = arith.mulf %parallel_loop3A_596, %parallel_loop3A_591 : vector<16xf32>
      %parallel_loop3A_599 = arith.constant 41 : i32
      %parallel_loop3A_600 = vector.broadcast %parallel_loop3A_599 : i32 to vector<16xi32>
      %parallel_loop3A_601 = arith.addi %parallel_loop3A_20, %parallel_loop3A_600 : vector<16xi32>
      %parallel_loop3A_602 = arith.constant 63 : i32
      %parallel_loop3A_603 = vector.broadcast %parallel_loop3A_602 : i32 to vector<16xi32>
      %parallel_loop3A_604 = arith.andi %parallel_loop3A_601, %parallel_loop3A_603 : vector<16xi32>
      %parallel_loop3A_605 = tpu.vector_load_idx %arg6[%parallel_loop3A_24, %parallel_loop3A_604] : memref<32x64xf32, #tpu.memory_space<vmem>>[vector<16xi32>, vector<16xi32>], vector<16xf32>,
      %parallel_loop3A_606 = tpu.vector_load_idx %arg5[%parallel_loop3A_24, %parallel_loop3A_604] : memref<32x128xf32, #tpu.memory_space<vmem>>[vector<16xi32>, vector<16xi32>], vector<16xf32>,
      %parallel_loop3A_607 = arith.constant 64 : i32
      %parallel_loop3A_608 = vector.broadcast %parallel_loop3A_607 : i32 to vector<16xi32>
      %parallel_loop3A_609 = arith.addi %parallel_loop3A_604, %parallel_loop3A_608 : vector<16xi32>
      %parallel_loop3A_610 = tpu.vector_load_idx %arg5[%parallel_loop3A_24, %parallel_loop3A_609] : memref<32x128xf32, #tpu.memory_space<vmem>>[vector<16xi32>, vector<16xi32>], vector<16xf32>,
      %parallel_loop3A_611 = arith.mulf %parallel_loop3A_606, %parallel_loop3A_605 : vector<16xf32>
      %parallel_loop3A_612 = arith.mulf %parallel_loop3A_610, %parallel_loop3A_605 : vector<16xf32>
      %parallel_loop3A_613 = arith.constant 42 : i32
      %parallel_loop3A_614 = vector.broadcast %parallel_loop3A_613 : i32 to vector<16xi32>
      %parallel_loop3A_615 = arith.addi %parallel_loop3A_20, %parallel_loop3A_614 : vector<16xi32>
      %parallel_loop3A_616 = arith.constant 63 : i32
      %parallel_loop3A_617 = vector.broadcast %parallel_loop3A_616 : i32 to vector<16xi32>
      %parallel_loop3A_618 = arith.andi %parallel_loop3A_615, %parallel_loop3A_617 : vector<16xi32>
      %parallel_loop3A_619 = tpu.vector_load_idx %arg6[%parallel_loop3A_24, %parallel_loop3A_618] : memref<32x64xf32, #tpu.memory_space<vmem>>[vector<16xi32>, vector<16xi32>], vector<16xf32>,
      %parallel_loop3A_620 = tpu.vector_load_idx %arg5[%parallel_loop3A_24, %parallel_loop3A_618] : memref<32x128xf32, #tpu.memory_space<vmem>>[vector<16xi32>, vector<16xi32>], vector<16xf32>,
      %parallel_loop3A_621 = arith.constant 64 : i32
      %parallel_loop3A_622 = vector.broadcast %parallel_loop3A_621 : i32 to vector<16xi32>
      %parallel_loop3A_623 = arith.addi %parallel_loop3A_618, %parallel_loop3A_622 : vector<16xi32>
      %parallel_loop3A_624 = tpu.vector_load_idx %arg5[%parallel_loop3A_24, %parallel_loop3A_623] : memref<32x128xf32, #tpu.memory_space<vmem>>[vector<16xi32>, vector<16xi32>], vector<16xf32>,
      %parallel_loop3A_625 = arith.mulf %parallel_loop3A_620, %parallel_loop3A_619 : vector<16xf32>
      %parallel_loop3A_626 = arith.mulf %parallel_loop3A_624, %parallel_loop3A_619 : vector<16xf32>
      %parallel_loop3A_627 = arith.constant 43 : i32
      %parallel_loop3A_628 = vector.broadcast %parallel_loop3A_627 : i32 to vector<16xi32>
      %parallel_loop3A_629 = arith.addi %parallel_loop3A_20, %parallel_loop3A_628 : vector<16xi32>
      %parallel_loop3A_630 = arith.constant 63 : i32
      %parallel_loop3A_631 = vector.broadcast %parallel_loop3A_630 : i32 to vector<16xi32>
      %parallel_loop3A_632 = arith.andi %parallel_loop3A_629, %parallel_loop3A_631 : vector<16xi32>
      %parallel_loop3A_633 = tpu.vector_load_idx %arg6[%parallel_loop3A_24, %parallel_loop3A_632] : memref<32x64xf32, #tpu.memory_space<vmem>>[vector<16xi32>, vector<16xi32>], vector<16xf32>,
      %parallel_loop3A_634 = tpu.vector_load_idx %arg5[%parallel_loop3A_24, %parallel_loop3A_632] : memref<32x128xf32, #tpu.memory_space<vmem>>[vector<16xi32>, vector<16xi32>], vector<16xf32>,
      %parallel_loop3A_635 = arith.constant 64 : i32
      %parallel_loop3A_636 = vector.broadcast %parallel_loop3A_635 : i32 to vector<16xi32>
      %parallel_loop3A_637 = arith.addi %parallel_loop3A_632, %parallel_loop3A_636 : vector<16xi32>
      %parallel_loop3A_638 = tpu.vector_load_idx %arg5[%parallel_loop3A_24, %parallel_loop3A_637] : memref<32x128xf32, #tpu.memory_space<vmem>>[vector<16xi32>, vector<16xi32>], vector<16xf32>,
      %parallel_loop3A_639 = arith.mulf %parallel_loop3A_634, %parallel_loop3A_633 : vector<16xf32>
      %parallel_loop3A_640 = arith.mulf %parallel_loop3A_638, %parallel_loop3A_633 : vector<16xf32>
      %parallel_loop3A_641 = arith.constant 44 : i32
      %parallel_loop3A_642 = vector.broadcast %parallel_loop3A_641 : i32 to vector<16xi32>
      %parallel_loop3A_643 = arith.addi %parallel_loop3A_20, %parallel_loop3A_642 : vector<16xi32>
      %parallel_loop3A_644 = arith.constant 63 : i32
      %parallel_loop3A_645 = vector.broadcast %parallel_loop3A_644 : i32 to vector<16xi32>
      %parallel_loop3A_646 = arith.andi %parallel_loop3A_643, %parallel_loop3A_645 : vector<16xi32>
      %parallel_loop3A_647 = tpu.vector_load_idx %arg6[%parallel_loop3A_24, %parallel_loop3A_646] : memref<32x64xf32, #tpu.memory_space<vmem>>[vector<16xi32>, vector<16xi32>], vector<16xf32>,
      %parallel_loop3A_648 = tpu.vector_load_idx %arg5[%parallel_loop3A_24, %parallel_loop3A_646] : memref<32x128xf32, #tpu.memory_space<vmem>>[vector<16xi32>, vector<16xi32>], vector<16xf32>,
      %parallel_loop3A_649 = arith.constant 64 : i32
      %parallel_loop3A_650 = vector.broadcast %parallel_loop3A_649 : i32 to vector<16xi32>
      %parallel_loop3A_651 = arith.addi %parallel_loop3A_646, %parallel_loop3A_650 : vector<16xi32>
      %parallel_loop3A_652 = tpu.vector_load_idx %arg5[%parallel_loop3A_24, %parallel_loop3A_651] : memref<32x128xf32, #tpu.memory_space<vmem>>[vector<16xi32>, vector<16xi32>], vector<16xf32>,
      %parallel_loop3A_653 = arith.mulf %parallel_loop3A_648, %parallel_loop3A_647 : vector<16xf32>
      %parallel_loop3A_654 = arith.mulf %parallel_loop3A_652, %parallel_loop3A_647 : vector<16xf32>
      %parallel_loop3A_655 = arith.constant 45 : i32
      %parallel_loop3A_656 = vector.broadcast %parallel_loop3A_655 : i32 to vector<16xi32>
      %parallel_loop3A_657 = arith.addi %parallel_loop3A_20, %parallel_loop3A_656 : vector<16xi32>
      %parallel_loop3A_658 = arith.constant 63 : i32
      %parallel_loop3A_659 = vector.broadcast %parallel_loop3A_658 : i32 to vector<16xi32>
      %parallel_loop3A_660 = arith.andi %parallel_loop3A_657, %parallel_loop3A_659 : vector<16xi32>
      %parallel_loop3A_661 = tpu.vector_load_idx %arg6[%parallel_loop3A_24, %parallel_loop3A_660] : memref<32x64xf32, #tpu.memory_space<vmem>>[vector<16xi32>, vector<16xi32>], vector<16xf32>,
      %parallel_loop3A_662 = tpu.vector_load_idx %arg5[%parallel_loop3A_24, %parallel_loop3A_660] : memref<32x128xf32, #tpu.memory_space<vmem>>[vector<16xi32>, vector<16xi32>], vector<16xf32>,
      %parallel_loop3A_663 = arith.constant 64 : i32
      %parallel_loop3A_664 = vector.broadcast %parallel_loop3A_663 : i32 to vector<16xi32>
      %parallel_loop3A_665 = arith.addi %parallel_loop3A_660, %parallel_loop3A_664 : vector<16xi32>
      %parallel_loop3A_666 = tpu.vector_load_idx %arg5[%parallel_loop3A_24, %parallel_loop3A_665] : memref<32x128xf32, #tpu.memory_space<vmem>>[vector<16xi32>, vector<16xi32>], vector<16xf32>,
      %parallel_loop3A_667 = arith.mulf %parallel_loop3A_662, %parallel_loop3A_661 : vector<16xf32>
      %parallel_loop3A_668 = arith.mulf %parallel_loop3A_666, %parallel_loop3A_661 : vector<16xf32>
      %parallel_loop3A_669 = arith.constant 46 : i32
      %parallel_loop3A_670 = vector.broadcast %parallel_loop3A_669 : i32 to vector<16xi32>
      %parallel_loop3A_671 = arith.addi %parallel_loop3A_20, %parallel_loop3A_670 : vector<16xi32>
      %parallel_loop3A_672 = arith.constant 63 : i32
      %parallel_loop3A_673 = vector.broadcast %parallel_loop3A_672 : i32 to vector<16xi32>
      %parallel_loop3A_674 = arith.andi %parallel_loop3A_671, %parallel_loop3A_673 : vector<16xi32>
      %parallel_loop3A_675 = tpu.vector_load_idx %arg6[%parallel_loop3A_24, %parallel_loop3A_674] : memref<32x64xf32, #tpu.memory_space<vmem>>[vector<16xi32>, vector<16xi32>], vector<16xf32>,
      %parallel_loop3A_676 = tpu.vector_load_idx %arg5[%parallel_loop3A_24, %parallel_loop3A_674] : memref<32x128xf32, #tpu.memory_space<vmem>>[vector<16xi32>, vector<16xi32>], vector<16xf32>,
      %parallel_loop3A_677 = arith.constant 64 : i32
      %parallel_loop3A_678 = vector.broadcast %parallel_loop3A_677 : i32 to vector<16xi32>
      %parallel_loop3A_679 = arith.addi %parallel_loop3A_674, %parallel_loop3A_678 : vector<16xi32>
      %parallel_loop3A_680 = tpu.vector_load_idx %arg5[%parallel_loop3A_24, %parallel_loop3A_679] : memref<32x128xf32, #tpu.memory_space<vmem>>[vector<16xi32>, vector<16xi32>], vector<16xf32>,
      %parallel_loop3A_681 = arith.mulf %parallel_loop3A_676, %parallel_loop3A_675 : vector<16xf32>
      %parallel_loop3A_682 = arith.mulf %parallel_loop3A_680, %parallel_loop3A_675 : vector<16xf32>
      %parallel_loop3A_683 = arith.constant 47 : i32
      %parallel_loop3A_684 = vector.broadcast %parallel_loop3A_683 : i32 to vector<16xi32>
      %parallel_loop3A_685 = arith.addi %parallel_loop3A_20, %parallel_loop3A_684 : vector<16xi32>
      %parallel_loop3A_686 = arith.constant 63 : i32
      %parallel_loop3A_687 = vector.broadcast %parallel_loop3A_686 : i32 to vector<16xi32>
      %parallel_loop3A_688 = arith.andi %parallel_loop3A_685, %parallel_loop3A_687 : vector<16xi32>
      %parallel_loop3A_689 = tpu.vector_load_idx %arg6[%parallel_loop3A_24, %parallel_loop3A_688] : memref<32x64xf32, #tpu.memory_space<vmem>>[vector<16xi32>, vector<16xi32>], vector<16xf32>,
      %parallel_loop3A_690 = tpu.vector_load_idx %arg5[%parallel_loop3A_24, %parallel_loop3A_688] : memref<32x128xf32, #tpu.memory_space<vmem>>[vector<16xi32>, vector<16xi32>], vector<16xf32>,
      %parallel_loop3A_691 = arith.constant 64 : i32
      %parallel_loop3A_692 = vector.broadcast %parallel_loop3A_691 : i32 to vector<16xi32>
      %parallel_loop3A_693 = arith.addi %parallel_loop3A_688, %parallel_loop3A_692 : vector<16xi32>
      %parallel_loop3A_694 = tpu.vector_load_idx %arg5[%parallel_loop3A_24, %parallel_loop3A_693] : memref<32x128xf32, #tpu.memory_space<vmem>>[vector<16xi32>, vector<16xi32>], vector<16xf32>,
      %parallel_loop3A_695 = arith.mulf %parallel_loop3A_690, %parallel_loop3A_689 : vector<16xf32>
      %parallel_loop3A_696 = arith.mulf %parallel_loop3A_694, %parallel_loop3A_689 : vector<16xf32>
      %parallel_loop3A_697 = arith.constant 48 : i32
      %parallel_loop3A_698 = vector.broadcast %parallel_loop3A_697 : i32 to vector<16xi32>
      %parallel_loop3A_699 = arith.addi %parallel_loop3A_20, %parallel_loop3A_698 : vector<16xi32>
      %parallel_loop3A_700 = arith.constant 63 : i32
      %parallel_loop3A_701 = vector.broadcast %parallel_loop3A_700 : i32 to vector<16xi32>
      %parallel_loop3A_702 = arith.andi %parallel_loop3A_699, %parallel_loop3A_701 : vector<16xi32>
      %parallel_loop3A_703 = tpu.vector_load_idx %arg6[%parallel_loop3A_24, %parallel_loop3A_702] : memref<32x64xf32, #tpu.memory_space<vmem>>[vector<16xi32>, vector<16xi32>], vector<16xf32>,
      %parallel_loop3A_704 = tpu.vector_load_idx %arg5[%parallel_loop3A_24, %parallel_loop3A_702] : memref<32x128xf32, #tpu.memory_space<vmem>>[vector<16xi32>, vector<16xi32>], vector<16xf32>,
      %parallel_loop3A_705 = arith.constant 64 : i32
      %parallel_loop3A_706 = vector.broadcast %parallel_loop3A_705 : i32 to vector<16xi32>
      %parallel_loop3A_707 = arith.addi %parallel_loop3A_702, %parallel_loop3A_706 : vector<16xi32>
      %parallel_loop3A_708 = tpu.vector_load_idx %arg5[%parallel_loop3A_24, %parallel_loop3A_707] : memref<32x128xf32, #tpu.memory_space<vmem>>[vector<16xi32>, vector<16xi32>], vector<16xf32>,
      %parallel_loop3A_709 = arith.mulf %parallel_loop3A_704, %parallel_loop3A_703 : vector<16xf32>
      %parallel_loop3A_710 = arith.mulf %parallel_loop3A_708, %parallel_loop3A_703 : vector<16xf32>
      %parallel_loop3A_711 = arith.constant 49 : i32
      %parallel_loop3A_712 = vector.broadcast %parallel_loop3A_711 : i32 to vector<16xi32>
      %parallel_loop3A_713 = arith.addi %parallel_loop3A_20, %parallel_loop3A_712 : vector<16xi32>
      %parallel_loop3A_714 = arith.constant 63 : i32
      %parallel_loop3A_715 = vector.broadcast %parallel_loop3A_714 : i32 to vector<16xi32>
      %parallel_loop3A_716 = arith.andi %parallel_loop3A_713, %parallel_loop3A_715 : vector<16xi32>
      %parallel_loop3A_717 = tpu.vector_load_idx %arg6[%parallel_loop3A_24, %parallel_loop3A_716] : memref<32x64xf32, #tpu.memory_space<vmem>>[vector<16xi32>, vector<16xi32>], vector<16xf32>,
      %parallel_loop3A_718 = tpu.vector_load_idx %arg5[%parallel_loop3A_24, %parallel_loop3A_716] : memref<32x128xf32, #tpu.memory_space<vmem>>[vector<16xi32>, vector<16xi32>], vector<16xf32>,
      %parallel_loop3A_719 = arith.constant 64 : i32
      %parallel_loop3A_720 = vector.broadcast %parallel_loop3A_719 : i32 to vector<16xi32>
      %parallel_loop3A_721 = arith.addi %parallel_loop3A_716, %parallel_loop3A_720 : vector<16xi32>
      %parallel_loop3A_722 = tpu.vector_load_idx %arg5[%parallel_loop3A_24, %parallel_loop3A_721] : memref<32x128xf32, #tpu.memory_space<vmem>>[vector<16xi32>, vector<16xi32>], vector<16xf32>,
      %parallel_loop3A_723 = arith.mulf %parallel_loop3A_718, %parallel_loop3A_717 : vector<16xf32>
      %parallel_loop3A_724 = arith.mulf %parallel_loop3A_722, %parallel_loop3A_717 : vector<16xf32>
      %parallel_loop3A_725 = arith.constant 50 : i32
      %parallel_loop3A_726 = vector.broadcast %parallel_loop3A_725 : i32 to vector<16xi32>
      %parallel_loop3A_727 = arith.addi %parallel_loop3A_20, %parallel_loop3A_726 : vector<16xi32>
      %parallel_loop3A_728 = arith.constant 63 : i32
      %parallel_loop3A_729 = vector.broadcast %parallel_loop3A_728 : i32 to vector<16xi32>
      %parallel_loop3A_730 = arith.andi %parallel_loop3A_727, %parallel_loop3A_729 : vector<16xi32>
      %parallel_loop3A_731 = tpu.vector_load_idx %arg6[%parallel_loop3A_24, %parallel_loop3A_730] : memref<32x64xf32, #tpu.memory_space<vmem>>[vector<16xi32>, vector<16xi32>], vector<16xf32>,
      %parallel_loop3A_732 = tpu.vector_load_idx %arg5[%parallel_loop3A_24, %parallel_loop3A_730] : memref<32x128xf32, #tpu.memory_space<vmem>>[vector<16xi32>, vector<16xi32>], vector<16xf32>,
      %parallel_loop3A_733 = arith.constant 64 : i32
      %parallel_loop3A_734 = vector.broadcast %parallel_loop3A_733 : i32 to vector<16xi32>
      %parallel_loop3A_735 = arith.addi %parallel_loop3A_730, %parallel_loop3A_734 : vector<16xi32>
      %parallel_loop3A_736 = tpu.vector_load_idx %arg5[%parallel_loop3A_24, %parallel_loop3A_735] : memref<32x128xf32, #tpu.memory_space<vmem>>[vector<16xi32>, vector<16xi32>], vector<16xf32>,
      %parallel_loop3A_737 = arith.mulf %parallel_loop3A_732, %parallel_loop3A_731 : vector<16xf32>
      %parallel_loop3A_738 = arith.mulf %parallel_loop3A_736, %parallel_loop3A_731 : vector<16xf32>
      %parallel_loop3A_739 = arith.constant 51 : i32
      %parallel_loop3A_740 = vector.broadcast %parallel_loop3A_739 : i32 to vector<16xi32>
      %parallel_loop3A_741 = arith.addi %parallel_loop3A_20, %parallel_loop3A_740 : vector<16xi32>
      %parallel_loop3A_742 = arith.constant 63 : i32
      %parallel_loop3A_743 = vector.broadcast %parallel_loop3A_742 : i32 to vector<16xi32>
      %parallel_loop3A_744 = arith.andi %parallel_loop3A_741, %parallel_loop3A_743 : vector<16xi32>
      %parallel_loop3A_745 = tpu.vector_load_idx %arg6[%parallel_loop3A_24, %parallel_loop3A_744] : memref<32x64xf32, #tpu.memory_space<vmem>>[vector<16xi32>, vector<16xi32>], vector<16xf32>,
      %parallel_loop3A_746 = tpu.vector_load_idx %arg5[%parallel_loop3A_24, %parallel_loop3A_744] : memref<32x128xf32, #tpu.memory_space<vmem>>[vector<16xi32>, vector<16xi32>], vector<16xf32>,
      %parallel_loop3A_747 = arith.constant 64 : i32
      %parallel_loop3A_748 = vector.broadcast %parallel_loop3A_747 : i32 to vector<16xi32>
      %parallel_loop3A_749 = arith.addi %parallel_loop3A_744, %parallel_loop3A_748 : vector<16xi32>
      %parallel_loop3A_750 = tpu.vector_load_idx %arg5[%parallel_loop3A_24, %parallel_loop3A_749] : memref<32x128xf32, #tpu.memory_space<vmem>>[vector<16xi32>, vector<16xi32>], vector<16xf32>,
      %parallel_loop3A_751 = arith.mulf %parallel_loop3A_746, %parallel_loop3A_745 : vector<16xf32>
      %parallel_loop3A_752 = arith.mulf %parallel_loop3A_750, %parallel_loop3A_745 : vector<16xf32>
      %parallel_loop3A_753 = arith.constant 52 : i32
      %parallel_loop3A_754 = vector.broadcast %parallel_loop3A_753 : i32 to vector<16xi32>
      %parallel_loop3A_755 = arith.addi %parallel_loop3A_20, %parallel_loop3A_754 : vector<16xi32>
      %parallel_loop3A_756 = arith.constant 63 : i32
      %parallel_loop3A_757 = vector.broadcast %parallel_loop3A_756 : i32 to vector<16xi32>
      %parallel_loop3A_758 = arith.andi %parallel_loop3A_755, %parallel_loop3A_757 : vector<16xi32>
      %parallel_loop3A_759 = tpu.vector_load_idx %arg6[%parallel_loop3A_24, %parallel_loop3A_758] : memref<32x64xf32, #tpu.memory_space<vmem>>[vector<16xi32>, vector<16xi32>], vector<16xf32>,
      %parallel_loop3A_760 = tpu.vector_load_idx %arg5[%parallel_loop3A_24, %parallel_loop3A_758] : memref<32x128xf32, #tpu.memory_space<vmem>>[vector<16xi32>, vector<16xi32>], vector<16xf32>,
      %parallel_loop3A_761 = arith.constant 64 : i32
      %parallel_loop3A_762 = vector.broadcast %parallel_loop3A_761 : i32 to vector<16xi32>
      %parallel_loop3A_763 = arith.addi %parallel_loop3A_758, %parallel_loop3A_762 : vector<16xi32>
      %parallel_loop3A_764 = tpu.vector_load_idx %arg5[%parallel_loop3A_24, %parallel_loop3A_763] : memref<32x128xf32, #tpu.memory_space<vmem>>[vector<16xi32>, vector<16xi32>], vector<16xf32>,
      %parallel_loop3A_765 = arith.mulf %parallel_loop3A_760, %parallel_loop3A_759 : vector<16xf32>
      %parallel_loop3A_766 = arith.mulf %parallel_loop3A_764, %parallel_loop3A_759 : vector<16xf32>
      %parallel_loop3A_767 = arith.constant 53 : i32
      %parallel_loop3A_768 = vector.broadcast %parallel_loop3A_767 : i32 to vector<16xi32>
      %parallel_loop3A_769 = arith.addi %parallel_loop3A_20, %parallel_loop3A_768 : vector<16xi32>
      %parallel_loop3A_770 = arith.constant 63 : i32
      %parallel_loop3A_771 = vector.broadcast %parallel_loop3A_770 : i32 to vector<16xi32>
      %parallel_loop3A_772 = arith.andi %parallel_loop3A_769, %parallel_loop3A_771 : vector<16xi32>
      %parallel_loop3A_773 = tpu.vector_load_idx %arg6[%parallel_loop3A_24, %parallel_loop3A_772] : memref<32x64xf32, #tpu.memory_space<vmem>>[vector<16xi32>, vector<16xi32>], vector<16xf32>,
      %parallel_loop3A_774 = tpu.vector_load_idx %arg5[%parallel_loop3A_24, %parallel_loop3A_772] : memref<32x128xf32, #tpu.memory_space<vmem>>[vector<16xi32>, vector<16xi32>], vector<16xf32>,
      %parallel_loop3A_775 = arith.constant 64 : i32
      %parallel_loop3A_776 = vector.broadcast %parallel_loop3A_775 : i32 to vector<16xi32>
      %parallel_loop3A_777 = arith.addi %parallel_loop3A_772, %parallel_loop3A_776 : vector<16xi32>
      %parallel_loop3A_778 = tpu.vector_load_idx %arg5[%parallel_loop3A_24, %parallel_loop3A_777] : memref<32x128xf32, #tpu.memory_space<vmem>>[vector<16xi32>, vector<16xi32>], vector<16xf32>,
      %parallel_loop3A_779 = arith.mulf %parallel_loop3A_774, %parallel_loop3A_773 : vector<16xf32>
      %parallel_loop3A_780 = arith.mulf %parallel_loop3A_778, %parallel_loop3A_773 : vector<16xf32>
      %parallel_loop3A_781 = arith.constant 54 : i32
      %parallel_loop3A_782 = vector.broadcast %parallel_loop3A_781 : i32 to vector<16xi32>
      %parallel_loop3A_783 = arith.addi %parallel_loop3A_20, %parallel_loop3A_782 : vector<16xi32>
      %parallel_loop3A_784 = arith.constant 63 : i32
      %parallel_loop3A_785 = vector.broadcast %parallel_loop3A_784 : i32 to vector<16xi32>
      %parallel_loop3A_786 = arith.andi %parallel_loop3A_783, %parallel_loop3A_785 : vector<16xi32>
      %parallel_loop3A_787 = tpu.vector_load_idx %arg6[%parallel_loop3A_24, %parallel_loop3A_786] : memref<32x64xf32, #tpu.memory_space<vmem>>[vector<16xi32>, vector<16xi32>], vector<16xf32>,
      %parallel_loop3A_788 = tpu.vector_load_idx %arg5[%parallel_loop3A_24, %parallel_loop3A_786] : memref<32x128xf32, #tpu.memory_space<vmem>>[vector<16xi32>, vector<16xi32>], vector<16xf32>,
      %parallel_loop3A_789 = arith.constant 64 : i32
      %parallel_loop3A_790 = vector.broadcast %parallel_loop3A_789 : i32 to vector<16xi32>
      %parallel_loop3A_791 = arith.addi %parallel_loop3A_786, %parallel_loop3A_790 : vector<16xi32>
      %parallel_loop3A_792 = tpu.vector_load_idx %arg5[%parallel_loop3A_24, %parallel_loop3A_791] : memref<32x128xf32, #tpu.memory_space<vmem>>[vector<16xi32>, vector<16xi32>], vector<16xf32>,
      %parallel_loop3A_793 = arith.mulf %parallel_loop3A_788, %parallel_loop3A_787 : vector<16xf32>
      %parallel_loop3A_794 = arith.mulf %parallel_loop3A_792, %parallel_loop3A_787 : vector<16xf32>
      %parallel_loop3A_795 = arith.constant 55 : i32
      %parallel_loop3A_796 = vector.broadcast %parallel_loop3A_795 : i32 to vector<16xi32>
      %parallel_loop3A_797 = arith.addi %parallel_loop3A_20, %parallel_loop3A_796 : vector<16xi32>
      %parallel_loop3A_798 = arith.constant 63 : i32
      %parallel_loop3A_799 = vector.broadcast %parallel_loop3A_798 : i32 to vector<16xi32>
      %parallel_loop3A_800 = arith.andi %parallel_loop3A_797, %parallel_loop3A_799 : vector<16xi32>
      %parallel_loop3A_801 = tpu.vector_load_idx %arg6[%parallel_loop3A_24, %parallel_loop3A_800] : memref<32x64xf32, #tpu.memory_space<vmem>>[vector<16xi32>, vector<16xi32>], vector<16xf32>,
      %parallel_loop3A_802 = tpu.vector_load_idx %arg5[%parallel_loop3A_24, %parallel_loop3A_800] : memref<32x128xf32, #tpu.memory_space<vmem>>[vector<16xi32>, vector<16xi32>], vector<16xf32>,
      %parallel_loop3A_803 = arith.constant 64 : i32
      %parallel_loop3A_804 = vector.broadcast %parallel_loop3A_803 : i32 to vector<16xi32>
      %parallel_loop3A_805 = arith.addi %parallel_loop3A_800, %parallel_loop3A_804 : vector<16xi32>
      %parallel_loop3A_806 = tpu.vector_load_idx %arg5[%parallel_loop3A_24, %parallel_loop3A_805] : memref<32x128xf32, #tpu.memory_space<vmem>>[vector<16xi32>, vector<16xi32>], vector<16xf32>,
      %parallel_loop3A_807 = arith.mulf %parallel_loop3A_802, %parallel_loop3A_801 : vector<16xf32>
      %parallel_loop3A_808 = arith.mulf %parallel_loop3A_806, %parallel_loop3A_801 : vector<16xf32>
      %parallel_loop3A_809 = arith.constant 56 : i32
      %parallel_loop3A_810 = vector.broadcast %parallel_loop3A_809 : i32 to vector<16xi32>
      %parallel_loop3A_811 = arith.addi %parallel_loop3A_20, %parallel_loop3A_810 : vector<16xi32>
      %parallel_loop3A_812 = arith.constant 63 : i32
      %parallel_loop3A_813 = vector.broadcast %parallel_loop3A_812 : i32 to vector<16xi32>
      %parallel_loop3A_814 = arith.andi %parallel_loop3A_811, %parallel_loop3A_813 : vector<16xi32>
      %parallel_loop3A_815 = tpu.vector_load_idx %arg6[%parallel_loop3A_24, %parallel_loop3A_814] : memref<32x64xf32, #tpu.memory_space<vmem>>[vector<16xi32>, vector<16xi32>], vector<16xf32>,
      %parallel_loop3A_816 = tpu.vector_load_idx %arg5[%parallel_loop3A_24, %parallel_loop3A_814] : memref<32x128xf32, #tpu.memory_space<vmem>>[vector<16xi32>, vector<16xi32>], vector<16xf32>,
      %parallel_loop3A_817 = arith.constant 64 : i32
      %parallel_loop3A_818 = vector.broadcast %parallel_loop3A_817 : i32 to vector<16xi32>
      %parallel_loop3A_819 = arith.addi %parallel_loop3A_814, %parallel_loop3A_818 : vector<16xi32>
      %parallel_loop3A_820 = tpu.vector_load_idx %arg5[%parallel_loop3A_24, %parallel_loop3A_819] : memref<32x128xf32, #tpu.memory_space<vmem>>[vector<16xi32>, vector<16xi32>], vector<16xf32>,
      %parallel_loop3A_821 = arith.mulf %parallel_loop3A_816, %parallel_loop3A_815 : vector<16xf32>
      %parallel_loop3A_822 = arith.mulf %parallel_loop3A_820, %parallel_loop3A_815 : vector<16xf32>
      %parallel_loop3A_823 = arith.constant 57 : i32
      %parallel_loop3A_824 = vector.broadcast %parallel_loop3A_823 : i32 to vector<16xi32>
      %parallel_loop3A_825 = arith.addi %parallel_loop3A_20, %parallel_loop3A_824 : vector<16xi32>
      %parallel_loop3A_826 = arith.constant 63 : i32
      %parallel_loop3A_827 = vector.broadcast %parallel_loop3A_826 : i32 to vector<16xi32>
      %parallel_loop3A_828 = arith.andi %parallel_loop3A_825, %parallel_loop3A_827 : vector<16xi32>
      %parallel_loop3A_829 = tpu.vector_load_idx %arg6[%parallel_loop3A_24, %parallel_loop3A_828] : memref<32x64xf32, #tpu.memory_space<vmem>>[vector<16xi32>, vector<16xi32>], vector<16xf32>,
      %parallel_loop3A_830 = tpu.vector_load_idx %arg5[%parallel_loop3A_24, %parallel_loop3A_828] : memref<32x128xf32, #tpu.memory_space<vmem>>[vector<16xi32>, vector<16xi32>], vector<16xf32>,
      %parallel_loop3A_831 = arith.constant 64 : i32
      %parallel_loop3A_832 = vector.broadcast %parallel_loop3A_831 : i32 to vector<16xi32>
      %parallel_loop3A_833 = arith.addi %parallel_loop3A_828, %parallel_loop3A_832 : vector<16xi32>
      %parallel_loop3A_834 = tpu.vector_load_idx %arg5[%parallel_loop3A_24, %parallel_loop3A_833] : memref<32x128xf32, #tpu.memory_space<vmem>>[vector<16xi32>, vector<16xi32>], vector<16xf32>,
      %parallel_loop3A_835 = arith.mulf %parallel_loop3A_830, %parallel_loop3A_829 : vector<16xf32>
      %parallel_loop3A_836 = arith.mulf %parallel_loop3A_834, %parallel_loop3A_829 : vector<16xf32>
      %parallel_loop3A_837 = arith.constant 58 : i32
      %parallel_loop3A_838 = vector.broadcast %parallel_loop3A_837 : i32 to vector<16xi32>
      %parallel_loop3A_839 = arith.addi %parallel_loop3A_20, %parallel_loop3A_838 : vector<16xi32>
      %parallel_loop3A_840 = arith.constant 63 : i32
      %parallel_loop3A_841 = vector.broadcast %parallel_loop3A_840 : i32 to vector<16xi32>
      %parallel_loop3A_842 = arith.andi %parallel_loop3A_839, %parallel_loop3A_841 : vector<16xi32>
      %parallel_loop3A_843 = tpu.vector_load_idx %arg6[%parallel_loop3A_24, %parallel_loop3A_842] : memref<32x64xf32, #tpu.memory_space<vmem>>[vector<16xi32>, vector<16xi32>], vector<16xf32>,
      %parallel_loop3A_844 = tpu.vector_load_idx %arg5[%parallel_loop3A_24, %parallel_loop3A_842] : memref<32x128xf32, #tpu.memory_space<vmem>>[vector<16xi32>, vector<16xi32>], vector<16xf32>,
      %parallel_loop3A_845 = arith.constant 64 : i32
      %parallel_loop3A_846 = vector.broadcast %parallel_loop3A_845 : i32 to vector<16xi32>
      %parallel_loop3A_847 = arith.addi %parallel_loop3A_842, %parallel_loop3A_846 : vector<16xi32>
      %parallel_loop3A_848 = tpu.vector_load_idx %arg5[%parallel_loop3A_24, %parallel_loop3A_847] : memref<32x128xf32, #tpu.memory_space<vmem>>[vector<16xi32>, vector<16xi32>], vector<16xf32>,
      %parallel_loop3A_849 = arith.mulf %parallel_loop3A_844, %parallel_loop3A_843 : vector<16xf32>
      %parallel_loop3A_850 = arith.mulf %parallel_loop3A_848, %parallel_loop3A_843 : vector<16xf32>
      %parallel_loop3A_851 = arith.constant 59 : i32
      %parallel_loop3A_852 = vector.broadcast %parallel_loop3A_851 : i32 to vector<16xi32>
      %parallel_loop3A_853 = arith.addi %parallel_loop3A_20, %parallel_loop3A_852 : vector<16xi32>
      %parallel_loop3A_854 = arith.constant 63 : i32
      %parallel_loop3A_855 = vector.broadcast %parallel_loop3A_854 : i32 to vector<16xi32>
      %parallel_loop3A_856 = arith.andi %parallel_loop3A_853, %parallel_loop3A_855 : vector<16xi32>
      %parallel_loop3A_857 = tpu.vector_load_idx %arg6[%parallel_loop3A_24, %parallel_loop3A_856] : memref<32x64xf32, #tpu.memory_space<vmem>>[vector<16xi32>, vector<16xi32>], vector<16xf32>,
      %parallel_loop3A_858 = tpu.vector_load_idx %arg5[%parallel_loop3A_24, %parallel_loop3A_856] : memref<32x128xf32, #tpu.memory_space<vmem>>[vector<16xi32>, vector<16xi32>], vector<16xf32>,
      %parallel_loop3A_859 = arith.constant 64 : i32
      %parallel_loop3A_860 = vector.broadcast %parallel_loop3A_859 : i32 to vector<16xi32>
      %parallel_loop3A_861 = arith.addi %parallel_loop3A_856, %parallel_loop3A_860 : vector<16xi32>
      %parallel_loop3A_862 = tpu.vector_load_idx %arg5[%parallel_loop3A_24, %parallel_loop3A_861] : memref<32x128xf32, #tpu.memory_space<vmem>>[vector<16xi32>, vector<16xi32>], vector<16xf32>,
      %parallel_loop3A_863 = arith.mulf %parallel_loop3A_858, %parallel_loop3A_857 : vector<16xf32>
      %parallel_loop3A_864 = arith.mulf %parallel_loop3A_862, %parallel_loop3A_857 : vector<16xf32>
      %parallel_loop3A_865 = arith.constant 60 : i32
      %parallel_loop3A_866 = vector.broadcast %parallel_loop3A_865 : i32 to vector<16xi32>
      %parallel_loop3A_867 = arith.addi %parallel_loop3A_20, %parallel_loop3A_866 : vector<16xi32>
      %parallel_loop3A_868 = arith.constant 63 : i32
      %parallel_loop3A_869 = vector.broadcast %parallel_loop3A_868 : i32 to vector<16xi32>
      %parallel_loop3A_870 = arith.andi %parallel_loop3A_867, %parallel_loop3A_869 : vector<16xi32>
      %parallel_loop3A_871 = tpu.vector_load_idx %arg6[%parallel_loop3A_24, %parallel_loop3A_870] : memref<32x64xf32, #tpu.memory_space<vmem>>[vector<16xi32>, vector<16xi32>], vector<16xf32>,
      %parallel_loop3A_872 = tpu.vector_load_idx %arg5[%parallel_loop3A_24, %parallel_loop3A_870] : memref<32x128xf32, #tpu.memory_space<vmem>>[vector<16xi32>, vector<16xi32>], vector<16xf32>,
      %parallel_loop3A_873 = arith.constant 64 : i32
      %parallel_loop3A_874 = vector.broadcast %parallel_loop3A_873 : i32 to vector<16xi32>
      %parallel_loop3A_875 = arith.addi %parallel_loop3A_870, %parallel_loop3A_874 : vector<16xi32>
      %parallel_loop3A_876 = tpu.vector_load_idx %arg5[%parallel_loop3A_24, %parallel_loop3A_875] : memref<32x128xf32, #tpu.memory_space<vmem>>[vector<16xi32>, vector<16xi32>], vector<16xf32>,
      %parallel_loop3A_877 = arith.mulf %parallel_loop3A_872, %parallel_loop3A_871 : vector<16xf32>
      %parallel_loop3A_878 = arith.mulf %parallel_loop3A_876, %parallel_loop3A_871 : vector<16xf32>
      %parallel_loop3A_879 = arith.constant 61 : i32
      %parallel_loop3A_880 = vector.broadcast %parallel_loop3A_879 : i32 to vector<16xi32>
      %parallel_loop3A_881 = arith.addi %parallel_loop3A_20, %parallel_loop3A_880 : vector<16xi32>
      %parallel_loop3A_882 = arith.constant 63 : i32
      %parallel_loop3A_883 = vector.broadcast %parallel_loop3A_882 : i32 to vector<16xi32>
      %parallel_loop3A_884 = arith.andi %parallel_loop3A_881, %parallel_loop3A_883 : vector<16xi32>
      %parallel_loop3A_885 = tpu.vector_load_idx %arg6[%parallel_loop3A_24, %parallel_loop3A_884] : memref<32x64xf32, #tpu.memory_space<vmem>>[vector<16xi32>, vector<16xi32>], vector<16xf32>,
      %parallel_loop3A_886 = tpu.vector_load_idx %arg5[%parallel_loop3A_24, %parallel_loop3A_884] : memref<32x128xf32, #tpu.memory_space<vmem>>[vector<16xi32>, vector<16xi32>], vector<16xf32>,
      %parallel_loop3A_887 = arith.constant 64 : i32
      %parallel_loop3A_888 = vector.broadcast %parallel_loop3A_887 : i32 to vector<16xi32>
      %parallel_loop3A_889 = arith.addi %parallel_loop3A_884, %parallel_loop3A_888 : vector<16xi32>
      %parallel_loop3A_890 = tpu.vector_load_idx %arg5[%parallel_loop3A_24, %parallel_loop3A_889] : memref<32x128xf32, #tpu.memory_space<vmem>>[vector<16xi32>, vector<16xi32>], vector<16xf32>,
      %parallel_loop3A_891 = arith.mulf %parallel_loop3A_886, %parallel_loop3A_885 : vector<16xf32>
      %parallel_loop3A_892 = arith.mulf %parallel_loop3A_890, %parallel_loop3A_885 : vector<16xf32>
      %parallel_loop3A_893 = arith.constant 62 : i32
      %parallel_loop3A_894 = vector.broadcast %parallel_loop3A_893 : i32 to vector<16xi32>
      %parallel_loop3A_895 = arith.addi %parallel_loop3A_20, %parallel_loop3A_894 : vector<16xi32>
      %parallel_loop3A_896 = arith.constant 63 : i32
      %parallel_loop3A_897 = vector.broadcast %parallel_loop3A_896 : i32 to vector<16xi32>
      %parallel_loop3A_898 = arith.andi %parallel_loop3A_895, %parallel_loop3A_897 : vector<16xi32>
      %parallel_loop3A_899 = tpu.vector_load_idx %arg6[%parallel_loop3A_24, %parallel_loop3A_898] : memref<32x64xf32, #tpu.memory_space<vmem>>[vector<16xi32>, vector<16xi32>], vector<16xf32>,
      %parallel_loop3A_900 = tpu.vector_load_idx %arg5[%parallel_loop3A_24, %parallel_loop3A_898] : memref<32x128xf32, #tpu.memory_space<vmem>>[vector<16xi32>, vector<16xi32>], vector<16xf32>,
      %parallel_loop3A_901 = arith.constant 64 : i32
      %parallel_loop3A_902 = vector.broadcast %parallel_loop3A_901 : i32 to vector<16xi32>
      %parallel_loop3A_903 = arith.addi %parallel_loop3A_898, %parallel_loop3A_902 : vector<16xi32>
      %parallel_loop3A_904 = tpu.vector_load_idx %arg5[%parallel_loop3A_24, %parallel_loop3A_903] : memref<32x128xf32, #tpu.memory_space<vmem>>[vector<16xi32>, vector<16xi32>], vector<16xf32>,
      %parallel_loop3A_905 = arith.mulf %parallel_loop3A_900, %parallel_loop3A_899 : vector<16xf32>
      %parallel_loop3A_906 = arith.mulf %parallel_loop3A_904, %parallel_loop3A_899 : vector<16xf32>
      %parallel_loop3A_907 = arith.constant 63 : i32
      %parallel_loop3A_908 = vector.broadcast %parallel_loop3A_907 : i32 to vector<16xi32>
      %parallel_loop3A_909 = arith.addi %parallel_loop3A_20, %parallel_loop3A_908 : vector<16xi32>
      %parallel_loop3A_910 = arith.constant 63 : i32
      %parallel_loop3A_911 = vector.broadcast %parallel_loop3A_910 : i32 to vector<16xi32>
      %parallel_loop3A_912 = arith.andi %parallel_loop3A_909, %parallel_loop3A_911 : vector<16xi32>
      %parallel_loop3A_913 = tpu.vector_load_idx %arg6[%parallel_loop3A_24, %parallel_loop3A_912] : memref<32x64xf32, #tpu.memory_space<vmem>>[vector<16xi32>, vector<16xi32>], vector<16xf32>,
      %parallel_loop3A_914 = tpu.vector_load_idx %arg5[%parallel_loop3A_24, %parallel_loop3A_912] : memref<32x128xf32, #tpu.memory_space<vmem>>[vector<16xi32>, vector<16xi32>], vector<16xf32>,
      %parallel_loop3A_915 = arith.constant 64 : i32
      %parallel_loop3A_916 = vector.broadcast %parallel_loop3A_915 : i32 to vector<16xi32>
      %parallel_loop3A_917 = arith.addi %parallel_loop3A_912, %parallel_loop3A_916 : vector<16xi32>
      %parallel_loop3A_918 = tpu.vector_load_idx %arg5[%parallel_loop3A_24, %parallel_loop3A_917] : memref<32x128xf32, #tpu.memory_space<vmem>>[vector<16xi32>, vector<16xi32>], vector<16xf32>,
      %parallel_loop3A_919 = arith.mulf %parallel_loop3A_914, %parallel_loop3A_913 : vector<16xf32>
      %parallel_loop3A_920 = arith.mulf %parallel_loop3A_918, %parallel_loop3A_913 : vector<16xf32>
      %parallel_loop3A_921 = arith.addf %parallel_loop3A_37, %parallel_loop3A_51 : vector<16xf32>
      %parallel_loop3A_922 = arith.addf %parallel_loop3A_65, %parallel_loop3A_79 : vector<16xf32>
      %parallel_loop3A_923 = arith.addf %parallel_loop3A_93, %parallel_loop3A_107 : vector<16xf32>
      %parallel_loop3A_924 = arith.addf %parallel_loop3A_121, %parallel_loop3A_135 : vector<16xf32>
      %parallel_loop3A_925 = arith.addf %parallel_loop3A_149, %parallel_loop3A_163 : vector<16xf32>
      %parallel_loop3A_926 = arith.addf %parallel_loop3A_177, %parallel_loop3A_191 : vector<16xf32>
      %parallel_loop3A_927 = arith.addf %parallel_loop3A_205, %parallel_loop3A_219 : vector<16xf32>
      %parallel_loop3A_928 = arith.addf %parallel_loop3A_233, %parallel_loop3A_247 : vector<16xf32>
      %parallel_loop3A_929 = arith.addf %parallel_loop3A_261, %parallel_loop3A_275 : vector<16xf32>
      %parallel_loop3A_930 = arith.addf %parallel_loop3A_289, %parallel_loop3A_303 : vector<16xf32>
      %parallel_loop3A_931 = arith.addf %parallel_loop3A_317, %parallel_loop3A_331 : vector<16xf32>
      %parallel_loop3A_932 = arith.addf %parallel_loop3A_345, %parallel_loop3A_359 : vector<16xf32>
      %parallel_loop3A_933 = arith.addf %parallel_loop3A_373, %parallel_loop3A_387 : vector<16xf32>
      %parallel_loop3A_934 = arith.addf %parallel_loop3A_401, %parallel_loop3A_415 : vector<16xf32>
      %parallel_loop3A_935 = arith.addf %parallel_loop3A_429, %parallel_loop3A_443 : vector<16xf32>
      %parallel_loop3A_936 = arith.addf %parallel_loop3A_457, %parallel_loop3A_471 : vector<16xf32>
      %parallel_loop3A_937 = arith.addf %parallel_loop3A_485, %parallel_loop3A_499 : vector<16xf32>
      %parallel_loop3A_938 = arith.addf %parallel_loop3A_513, %parallel_loop3A_527 : vector<16xf32>
      %parallel_loop3A_939 = arith.addf %parallel_loop3A_541, %parallel_loop3A_555 : vector<16xf32>
      %parallel_loop3A_940 = arith.addf %parallel_loop3A_569, %parallel_loop3A_583 : vector<16xf32>
      %parallel_loop3A_941 = arith.addf %parallel_loop3A_597, %parallel_loop3A_611 : vector<16xf32>
      %parallel_loop3A_942 = arith.addf %parallel_loop3A_625, %parallel_loop3A_639 : vector<16xf32>
      %parallel_loop3A_943 = arith.addf %parallel_loop3A_653, %parallel_loop3A_667 : vector<16xf32>
      %parallel_loop3A_944 = arith.addf %parallel_loop3A_681, %parallel_loop3A_695 : vector<16xf32>
      %parallel_loop3A_945 = arith.addf %parallel_loop3A_709, %parallel_loop3A_723 : vector<16xf32>
      %parallel_loop3A_946 = arith.addf %parallel_loop3A_737, %parallel_loop3A_751 : vector<16xf32>
      %parallel_loop3A_947 = arith.addf %parallel_loop3A_765, %parallel_loop3A_779 : vector<16xf32>
      %parallel_loop3A_948 = arith.addf %parallel_loop3A_793, %parallel_loop3A_807 : vector<16xf32>
      %parallel_loop3A_949 = arith.addf %parallel_loop3A_821, %parallel_loop3A_835 : vector<16xf32>
      %parallel_loop3A_950 = arith.addf %parallel_loop3A_849, %parallel_loop3A_863 : vector<16xf32>
      %parallel_loop3A_951 = arith.addf %parallel_loop3A_877, %parallel_loop3A_891 : vector<16xf32>
      %parallel_loop3A_952 = arith.addf %parallel_loop3A_905, %parallel_loop3A_919 : vector<16xf32>
      %parallel_loop3A_953 = arith.addf %parallel_loop3A_921, %parallel_loop3A_922 : vector<16xf32>
      %parallel_loop3A_954 = arith.addf %parallel_loop3A_923, %parallel_loop3A_924 : vector<16xf32>
      %parallel_loop3A_955 = arith.addf %parallel_loop3A_925, %parallel_loop3A_926 : vector<16xf32>
      %parallel_loop3A_956 = arith.addf %parallel_loop3A_927, %parallel_loop3A_928 : vector<16xf32>
      %parallel_loop3A_957 = arith.addf %parallel_loop3A_929, %parallel_loop3A_930 : vector<16xf32>
      %parallel_loop3A_958 = arith.addf %parallel_loop3A_931, %parallel_loop3A_932 : vector<16xf32>
      %parallel_loop3A_959 = arith.addf %parallel_loop3A_933, %parallel_loop3A_934 : vector<16xf32>
      %parallel_loop3A_960 = arith.addf %parallel_loop3A_935, %parallel_loop3A_936 : vector<16xf32>
      %parallel_loop3A_961 = arith.addf %parallel_loop3A_937, %parallel_loop3A_938 : vector<16xf32>
      %parallel_loop3A_962 = arith.addf %parallel_loop3A_939, %parallel_loop3A_940 : vector<16xf32>
      %parallel_loop3A_963 = arith.addf %parallel_loop3A_941, %parallel_loop3A_942 : vector<16xf32>
      %parallel_loop3A_964 = arith.addf %parallel_loop3A_943, %parallel_loop3A_944 : vector<16xf32>
      %parallel_loop3A_965 = arith.addf %parallel_loop3A_945, %parallel_loop3A_946 : vector<16xf32>
      %parallel_loop3A_966 = arith.addf %parallel_loop3A_947, %parallel_loop3A_948 : vector<16xf32>
      %parallel_loop3A_967 = arith.addf %parallel_loop3A_949, %parallel_loop3A_950 : vector<16xf32>
      %parallel_loop3A_968 = arith.addf %parallel_loop3A_951, %parallel_loop3A_952 : vector<16xf32>
      %parallel_loop3A_969 = arith.addf %parallel_loop3A_953, %parallel_loop3A_954 : vector<16xf32>
      %parallel_loop3A_970 = arith.addf %parallel_loop3A_955, %parallel_loop3A_956 : vector<16xf32>
      %parallel_loop3A_971 = arith.addf %parallel_loop3A_957, %parallel_loop3A_958 : vector<16xf32>
      %parallel_loop3A_972 = arith.addf %parallel_loop3A_959, %parallel_loop3A_960 : vector<16xf32>
      %parallel_loop3A_973 = arith.addf %parallel_loop3A_961, %parallel_loop3A_962 : vector<16xf32>
      %parallel_loop3A_974 = arith.addf %parallel_loop3A_963, %parallel_loop3A_964 : vector<16xf32>
      %parallel_loop3A_975 = arith.addf %parallel_loop3A_965, %parallel_loop3A_966 : vector<16xf32>
      %parallel_loop3A_976 = arith.addf %parallel_loop3A_967, %parallel_loop3A_968 : vector<16xf32>
      %parallel_loop3A_977 = arith.addf %parallel_loop3A_969, %parallel_loop3A_970 : vector<16xf32>
      %parallel_loop3A_978 = arith.addf %parallel_loop3A_971, %parallel_loop3A_972 : vector<16xf32>
      %parallel_loop3A_979 = arith.addf %parallel_loop3A_973, %parallel_loop3A_974 : vector<16xf32>
      %parallel_loop3A_980 = arith.addf %parallel_loop3A_975, %parallel_loop3A_976 : vector<16xf32>
      %parallel_loop3A_981 = arith.addf %parallel_loop3A_977, %parallel_loop3A_978 : vector<16xf32>
      %parallel_loop3A_982 = arith.addf %parallel_loop3A_979, %parallel_loop3A_980 : vector<16xf32>
      %parallel_loop3A_983 = arith.addf %parallel_loop3A_981, %parallel_loop3A_982 : vector<16xf32>
      %parallel_loop3A_984 = arith.constant 0.000000e+00 : f32
      %parallel_loop3A_985 = vector.broadcast %parallel_loop3A_984 : f32 to vector<16xf32>
      %parallel_loop3A_986 = arith.subf %parallel_loop3A_985, %parallel_loop3A_983 : vector<16xf32>
      %parallel_loop3A_987 = math.exp %parallel_loop3A_986 : vector<16xf32>
      %parallel_loop3A_988 = arith.constant 1.000000e+00 : f32
      %parallel_loop3A_989 = vector.broadcast %parallel_loop3A_988 : f32 to vector<16xf32>
      %parallel_loop3A_990 = arith.addf %parallel_loop3A_989, %parallel_loop3A_987 : vector<16xf32>
      %parallel_loop3A_991 = arith.constant 1.000000e+00 : f32
      %parallel_loop3A_992 = vector.broadcast %parallel_loop3A_991 : f32 to vector<16xf32>
      %parallel_loop3A_993 = arith.divf %parallel_loop3A_992, %parallel_loop3A_990 : vector<16xf32>
      %parallel_loop3A_994 = arith.constant 1.000000e+00 : f32
      %parallel_loop3A_995 = vector.broadcast %parallel_loop3A_994 : f32 to vector<16xf32>
      %parallel_loop3A_996 = arith.subf %parallel_loop3A_995, %parallel_loop3A_993 : vector<16xf32>
      %parallel_loop3A_997 = arith.constant 9.999940e-41 : f32
      %parallel_loop3A_998 = vector.broadcast %parallel_loop3A_997 : f32 to vector<16xf32>
      %parallel_loop3A_999 = arith.addf %parallel_loop3A_996, %parallel_loop3A_998 : vector<16xf32>
      %parallel_loop3A_1000 = tpu.bitcast %parallel_loop3A_999 : vector<16xf32> -> vector<16xi32>
      %parallel_loop3A_1001 = arith.constant 23 : i32
      %parallel_loop3A_1002 = vector.broadcast %parallel_loop3A_1001 : i32 to vector<16xi32>
      %parallel_loop3A_1003 = arith.shrsi %parallel_loop3A_1000, %parallel_loop3A_1002 : vector<16xi32>
      %parallel_loop3A_1004 = arith.constant 127 : i32
      %parallel_loop3A_1005 = vector.broadcast %parallel_loop3A_1004 : i32 to vector<16xi32>
      %parallel_loop3A_1006 = arith.subi %parallel_loop3A_1003, %parallel_loop3A_1005 : vector<16xi32>
      %parallel_loop3A_1007 = arith.constant 8388607 : i32
      %parallel_loop3A_1008 = vector.broadcast %parallel_loop3A_1007 : i32 to vector<16xi32>
      %parallel_loop3A_1009 = arith.andi %parallel_loop3A_1000, %parallel_loop3A_1008 : vector<16xi32>
      %parallel_loop3A_1010 = arith.constant 1065353216 : i32
      %parallel_loop3A_1011 = vector.broadcast %parallel_loop3A_1010 : i32 to vector<16xi32>
      %parallel_loop3A_1012 = arith.ori %parallel_loop3A_1009, %parallel_loop3A_1011 : vector<16xi32>
      %parallel_loop3A_1013 = tpu.bitcast %parallel_loop3A_1012 : vector<16xi32> -> vector<16xf32>
      %parallel_loop3A_1014 = arith.constant 1.41421354 : f32
      %parallel_loop3A_1015 = vector.broadcast %parallel_loop3A_1014 : f32 to vector<16xf32>
      %parallel_loop3A_1016 = arith.cmpf ogt, %parallel_loop3A_1013, %parallel_loop3A_1015 : vector<16xf32>
      %parallel_loop3A_1017 = arith.constant 5.000000e-01 : f32
      %parallel_loop3A_1018 = vector.broadcast %parallel_loop3A_1017 : f32 to vector<16xf32>
      %parallel_loop3A_1019 = arith.mulf %parallel_loop3A_1013, %parallel_loop3A_1018 : vector<16xf32>
      %parallel_loop3A_1020 = arith.select %parallel_loop3A_1016, %parallel_loop3A_1019, %parallel_loop3A_1013 : vector<16xi1>, vector<16xf32>
      %parallel_loop3A_1021 = arith.sitofp %parallel_loop3A_1006 : vector<16xi32> to vector<16xf32>
      %parallel_loop3A_1022 = arith.constant 1.000000e+00 : f32
      %parallel_loop3A_1023 = vector.broadcast %parallel_loop3A_1022 : f32 to vector<16xf32>
      %parallel_loop3A_1024 = arith.addf %parallel_loop3A_1021, %parallel_loop3A_1023 : vector<16xf32>
      %parallel_loop3A_1025 = arith.select %parallel_loop3A_1016, %parallel_loop3A_1024, %parallel_loop3A_1021 : vector<16xi1>, vector<16xf32>
      %parallel_loop3A_1026 = arith.constant 1.000000e+00 : f32
      %parallel_loop3A_1027 = vector.broadcast %parallel_loop3A_1026 : f32 to vector<16xf32>
      %parallel_loop3A_1028 = arith.subf %parallel_loop3A_1020, %parallel_loop3A_1027 : vector<16xf32>
      %parallel_loop3A_1029 = arith.constant 1.000000e+00 : f32
      %parallel_loop3A_1030 = vector.broadcast %parallel_loop3A_1029 : f32 to vector<16xf32>
      %parallel_loop3A_1031 = arith.addf %parallel_loop3A_1020, %parallel_loop3A_1030 : vector<16xf32>
      %parallel_loop3A_1032 = arith.divf %parallel_loop3A_1028, %parallel_loop3A_1031 : vector<16xf32>
      %parallel_loop3A_1033 = arith.mulf %parallel_loop3A_1032, %parallel_loop3A_1032 : vector<16xf32>
      %parallel_loop3A_1034 = arith.constant 2.000000e+00 : f32
      %parallel_loop3A_1035 = vector.broadcast %parallel_loop3A_1034 : f32 to vector<16xf32>
      %parallel_loop3A_1036 = arith.mulf %parallel_loop3A_1035, %parallel_loop3A_1032 : vector<16xf32>
      %parallel_loop3A_1037 = arith.constant 0.142857149 : f32
      %parallel_loop3A_1038 = vector.broadcast %parallel_loop3A_1037 : f32 to vector<16xf32>
      %parallel_loop3A_1039 = arith.mulf %parallel_loop3A_1033, %parallel_loop3A_1038 : vector<16xf32>
      %parallel_loop3A_1040 = arith.constant 2.000000e-01 : f32
      %parallel_loop3A_1041 = vector.broadcast %parallel_loop3A_1040 : f32 to vector<16xf32>
      %parallel_loop3A_1042 = arith.addf %parallel_loop3A_1041, %parallel_loop3A_1039 : vector<16xf32>
      %parallel_loop3A_1043 = arith.mulf %parallel_loop3A_1033, %parallel_loop3A_1042 : vector<16xf32>
      %parallel_loop3A_1044 = arith.constant 0.333333343 : f32
      %parallel_loop3A_1045 = vector.broadcast %parallel_loop3A_1044 : f32 to vector<16xf32>
      %parallel_loop3A_1046 = arith.addf %parallel_loop3A_1045, %parallel_loop3A_1043 : vector<16xf32>
      %parallel_loop3A_1047 = arith.mulf %parallel_loop3A_1033, %parallel_loop3A_1046 : vector<16xf32>
      %parallel_loop3A_1048 = arith.constant 1.000000e+00 : f32
      %parallel_loop3A_1049 = vector.broadcast %parallel_loop3A_1048 : f32 to vector<16xf32>
      %parallel_loop3A_1050 = arith.addf %parallel_loop3A_1049, %parallel_loop3A_1047 : vector<16xf32>
      %parallel_loop3A_1051 = arith.mulf %parallel_loop3A_1036, %parallel_loop3A_1050 : vector<16xf32>
      %parallel_loop3A_1052 = arith.constant 0.693147182 : f32
      %parallel_loop3A_1053 = vector.broadcast %parallel_loop3A_1052 : f32 to vector<16xf32>
      %parallel_loop3A_1054 = arith.mulf %parallel_loop3A_1025, %parallel_loop3A_1053 : vector<16xf32>
      %parallel_loop3A_1055 = arith.addf %parallel_loop3A_1054, %parallel_loop3A_1051 : vector<16xf32>
      %parallel_loop3A_1056 = arith.addf %parallel_loop3A_38, %parallel_loop3A_52 : vector<16xf32>
      %parallel_loop3A_1057 = arith.addf %parallel_loop3A_66, %parallel_loop3A_80 : vector<16xf32>
      %parallel_loop3A_1058 = arith.addf %parallel_loop3A_94, %parallel_loop3A_108 : vector<16xf32>
      %parallel_loop3A_1059 = arith.addf %parallel_loop3A_122, %parallel_loop3A_136 : vector<16xf32>
      %parallel_loop3A_1060 = arith.addf %parallel_loop3A_150, %parallel_loop3A_164 : vector<16xf32>
      %parallel_loop3A_1061 = arith.addf %parallel_loop3A_178, %parallel_loop3A_192 : vector<16xf32>
      %parallel_loop3A_1062 = arith.addf %parallel_loop3A_206, %parallel_loop3A_220 : vector<16xf32>
      %parallel_loop3A_1063 = arith.addf %parallel_loop3A_234, %parallel_loop3A_248 : vector<16xf32>
      %parallel_loop3A_1064 = arith.addf %parallel_loop3A_262, %parallel_loop3A_276 : vector<16xf32>
      %parallel_loop3A_1065 = arith.addf %parallel_loop3A_290, %parallel_loop3A_304 : vector<16xf32>
      %parallel_loop3A_1066 = arith.addf %parallel_loop3A_318, %parallel_loop3A_332 : vector<16xf32>
      %parallel_loop3A_1067 = arith.addf %parallel_loop3A_346, %parallel_loop3A_360 : vector<16xf32>
      %parallel_loop3A_1068 = arith.addf %parallel_loop3A_374, %parallel_loop3A_388 : vector<16xf32>
      %parallel_loop3A_1069 = arith.addf %parallel_loop3A_402, %parallel_loop3A_416 : vector<16xf32>
      %parallel_loop3A_1070 = arith.addf %parallel_loop3A_430, %parallel_loop3A_444 : vector<16xf32>
      %parallel_loop3A_1071 = arith.addf %parallel_loop3A_458, %parallel_loop3A_472 : vector<16xf32>
      %parallel_loop3A_1072 = arith.addf %parallel_loop3A_486, %parallel_loop3A_500 : vector<16xf32>
      %parallel_loop3A_1073 = arith.addf %parallel_loop3A_514, %parallel_loop3A_528 : vector<16xf32>
      %parallel_loop3A_1074 = arith.addf %parallel_loop3A_542, %parallel_loop3A_556 : vector<16xf32>
      %parallel_loop3A_1075 = arith.addf %parallel_loop3A_570, %parallel_loop3A_584 : vector<16xf32>
      %parallel_loop3A_1076 = arith.addf %parallel_loop3A_598, %parallel_loop3A_612 : vector<16xf32>
      %parallel_loop3A_1077 = arith.addf %parallel_loop3A_626, %parallel_loop3A_640 : vector<16xf32>
      %parallel_loop3A_1078 = arith.addf %parallel_loop3A_654, %parallel_loop3A_668 : vector<16xf32>
      %parallel_loop3A_1079 = arith.addf %parallel_loop3A_682, %parallel_loop3A_696 : vector<16xf32>
      %parallel_loop3A_1080 = arith.addf %parallel_loop3A_710, %parallel_loop3A_724 : vector<16xf32>
      %parallel_loop3A_1081 = arith.addf %parallel_loop3A_738, %parallel_loop3A_752 : vector<16xf32>
      %parallel_loop3A_1082 = arith.addf %parallel_loop3A_766, %parallel_loop3A_780 : vector<16xf32>
      %parallel_loop3A_1083 = arith.addf %parallel_loop3A_794, %parallel_loop3A_808 : vector<16xf32>
      %parallel_loop3A_1084 = arith.addf %parallel_loop3A_822, %parallel_loop3A_836 : vector<16xf32>
      %parallel_loop3A_1085 = arith.addf %parallel_loop3A_850, %parallel_loop3A_864 : vector<16xf32>
      %parallel_loop3A_1086 = arith.addf %parallel_loop3A_878, %parallel_loop3A_892 : vector<16xf32>
      %parallel_loop3A_1087 = arith.addf %parallel_loop3A_906, %parallel_loop3A_920 : vector<16xf32>
      %parallel_loop3A_1088 = arith.addf %parallel_loop3A_1056, %parallel_loop3A_1057 : vector<16xf32>
      %parallel_loop3A_1089 = arith.addf %parallel_loop3A_1058, %parallel_loop3A_1059 : vector<16xf32>
      %parallel_loop3A_1090 = arith.addf %parallel_loop3A_1060, %parallel_loop3A_1061 : vector<16xf32>
      %parallel_loop3A_1091 = arith.addf %parallel_loop3A_1062, %parallel_loop3A_1063 : vector<16xf32>
      %parallel_loop3A_1092 = arith.addf %parallel_loop3A_1064, %parallel_loop3A_1065 : vector<16xf32>
      %parallel_loop3A_1093 = arith.addf %parallel_loop3A_1066, %parallel_loop3A_1067 : vector<16xf32>
      %parallel_loop3A_1094 = arith.addf %parallel_loop3A_1068, %parallel_loop3A_1069 : vector<16xf32>
      %parallel_loop3A_1095 = arith.addf %parallel_loop3A_1070, %parallel_loop3A_1071 : vector<16xf32>
      %parallel_loop3A_1096 = arith.addf %parallel_loop3A_1072, %parallel_loop3A_1073 : vector<16xf32>
      %parallel_loop3A_1097 = arith.addf %parallel_loop3A_1074, %parallel_loop3A_1075 : vector<16xf32>
      %parallel_loop3A_1098 = arith.addf %parallel_loop3A_1076, %parallel_loop3A_1077 : vector<16xf32>
      %parallel_loop3A_1099 = arith.addf %parallel_loop3A_1078, %parallel_loop3A_1079 : vector<16xf32>
      %parallel_loop3A_1100 = arith.addf %parallel_loop3A_1080, %parallel_loop3A_1081 : vector<16xf32>
      %parallel_loop3A_1101 = arith.addf %parallel_loop3A_1082, %parallel_loop3A_1083 : vector<16xf32>
      %parallel_loop3A_1102 = arith.addf %parallel_loop3A_1084, %parallel_loop3A_1085 : vector<16xf32>
      %parallel_loop3A_1103 = arith.addf %parallel_loop3A_1086, %parallel_loop3A_1087 : vector<16xf32>
      %parallel_loop3A_1104 = arith.addf %parallel_loop3A_1088, %parallel_loop3A_1089 : vector<16xf32>
      %parallel_loop3A_1105 = arith.addf %parallel_loop3A_1090, %parallel_loop3A_1091 : vector<16xf32>
      %parallel_loop3A_1106 = arith.addf %parallel_loop3A_1092, %parallel_loop3A_1093 : vector<16xf32>
      %parallel_loop3A_1107 = arith.addf %parallel_loop3A_1094, %parallel_loop3A_1095 : vector<16xf32>
      %parallel_loop3A_1108 = arith.addf %parallel_loop3A_1096, %parallel_loop3A_1097 : vector<16xf32>
      %parallel_loop3A_1109 = arith.addf %parallel_loop3A_1098, %parallel_loop3A_1099 : vector<16xf32>
      %parallel_loop3A_1110 = arith.addf %parallel_loop3A_1100, %parallel_loop3A_1101 : vector<16xf32>
      %parallel_loop3A_1111 = arith.addf %parallel_loop3A_1102, %parallel_loop3A_1103 : vector<16xf32>
      %parallel_loop3A_1112 = arith.addf %parallel_loop3A_1104, %parallel_loop3A_1105 : vector<16xf32>
      %parallel_loop3A_1113 = arith.addf %parallel_loop3A_1106, %parallel_loop3A_1107 : vector<16xf32>
      %parallel_loop3A_1114 = arith.addf %parallel_loop3A_1108, %parallel_loop3A_1109 : vector<16xf32>
      %parallel_loop3A_1115 = arith.addf %parallel_loop3A_1110, %parallel_loop3A_1111 : vector<16xf32>
      %parallel_loop3A_1116 = arith.addf %parallel_loop3A_1112, %parallel_loop3A_1113 : vector<16xf32>
      %parallel_loop3A_1117 = arith.addf %parallel_loop3A_1114, %parallel_loop3A_1115 : vector<16xf32>
      %parallel_loop3A_1118 = arith.addf %parallel_loop3A_1116, %parallel_loop3A_1117 : vector<16xf32>
      %parallel_loop3A_1119 = arith.constant 0.000000e+00 : f32
      %parallel_loop3A_1120 = vector.broadcast %parallel_loop3A_1119 : f32 to vector<16xf32>
      %parallel_loop3A_1121 = arith.subf %parallel_loop3A_1120, %parallel_loop3A_1118 : vector<16xf32>
      %parallel_loop3A_1122 = math.exp %parallel_loop3A_1121 : vector<16xf32>
      %parallel_loop3A_1123 = arith.constant 1.000000e+00 : f32
      %parallel_loop3A_1124 = vector.broadcast %parallel_loop3A_1123 : f32 to vector<16xf32>
      %parallel_loop3A_1125 = arith.addf %parallel_loop3A_1124, %parallel_loop3A_1122 : vector<16xf32>
      %parallel_loop3A_1126 = arith.constant 1.000000e+00 : f32
      %parallel_loop3A_1127 = vector.broadcast %parallel_loop3A_1126 : f32 to vector<16xf32>
      %parallel_loop3A_1128 = arith.divf %parallel_loop3A_1127, %parallel_loop3A_1125 : vector<16xf32>
      %parallel_loop3A_1129 = arith.constant 1.000000e+00 : f32
      %parallel_loop3A_1130 = vector.broadcast %parallel_loop3A_1129 : f32 to vector<16xf32>
      %parallel_loop3A_1131 = arith.subf %parallel_loop3A_1130, %parallel_loop3A_1128 : vector<16xf32>
      %parallel_loop3A_1132 = arith.constant 9.999940e-41 : f32
      %parallel_loop3A_1133 = vector.broadcast %parallel_loop3A_1132 : f32 to vector<16xf32>
      %parallel_loop3A_1134 = arith.addf %parallel_loop3A_1131, %parallel_loop3A_1133 : vector<16xf32>
      %parallel_loop3A_1135 = tpu.bitcast %parallel_loop3A_1134 : vector<16xf32> -> vector<16xi32>
      %parallel_loop3A_1136 = arith.constant 23 : i32
      %parallel_loop3A_1137 = vector.broadcast %parallel_loop3A_1136 : i32 to vector<16xi32>
      %parallel_loop3A_1138 = arith.shrsi %parallel_loop3A_1135, %parallel_loop3A_1137 : vector<16xi32>
      %parallel_loop3A_1139 = arith.constant 127 : i32
      %parallel_loop3A_1140 = vector.broadcast %parallel_loop3A_1139 : i32 to vector<16xi32>
      %parallel_loop3A_1141 = arith.subi %parallel_loop3A_1138, %parallel_loop3A_1140 : vector<16xi32>
      %parallel_loop3A_1142 = arith.constant 8388607 : i32
      %parallel_loop3A_1143 = vector.broadcast %parallel_loop3A_1142 : i32 to vector<16xi32>
      %parallel_loop3A_1144 = arith.andi %parallel_loop3A_1135, %parallel_loop3A_1143 : vector<16xi32>
      %parallel_loop3A_1145 = arith.constant 1065353216 : i32
      %parallel_loop3A_1146 = vector.broadcast %parallel_loop3A_1145 : i32 to vector<16xi32>
      %parallel_loop3A_1147 = arith.ori %parallel_loop3A_1144, %parallel_loop3A_1146 : vector<16xi32>
      %parallel_loop3A_1148 = tpu.bitcast %parallel_loop3A_1147 : vector<16xi32> -> vector<16xf32>
      %parallel_loop3A_1149 = arith.constant 1.41421354 : f32
      %parallel_loop3A_1150 = vector.broadcast %parallel_loop3A_1149 : f32 to vector<16xf32>
      %parallel_loop3A_1151 = arith.cmpf ogt, %parallel_loop3A_1148, %parallel_loop3A_1150 : vector<16xf32>
      %parallel_loop3A_1152 = arith.constant 5.000000e-01 : f32
      %parallel_loop3A_1153 = vector.broadcast %parallel_loop3A_1152 : f32 to vector<16xf32>
      %parallel_loop3A_1154 = arith.mulf %parallel_loop3A_1148, %parallel_loop3A_1153 : vector<16xf32>
      %parallel_loop3A_1155 = arith.select %parallel_loop3A_1151, %parallel_loop3A_1154, %parallel_loop3A_1148 : vector<16xi1>, vector<16xf32>
      %parallel_loop3A_1156 = arith.sitofp %parallel_loop3A_1141 : vector<16xi32> to vector<16xf32>
      %parallel_loop3A_1157 = arith.constant 1.000000e+00 : f32
      %parallel_loop3A_1158 = vector.broadcast %parallel_loop3A_1157 : f32 to vector<16xf32>
      %parallel_loop3A_1159 = arith.addf %parallel_loop3A_1156, %parallel_loop3A_1158 : vector<16xf32>
      %parallel_loop3A_1160 = arith.select %parallel_loop3A_1151, %parallel_loop3A_1159, %parallel_loop3A_1156 : vector<16xi1>, vector<16xf32>
      %parallel_loop3A_1161 = arith.constant 1.000000e+00 : f32
      %parallel_loop3A_1162 = vector.broadcast %parallel_loop3A_1161 : f32 to vector<16xf32>
      %parallel_loop3A_1163 = arith.subf %parallel_loop3A_1155, %parallel_loop3A_1162 : vector<16xf32>
      %parallel_loop3A_1164 = arith.constant 1.000000e+00 : f32
      %parallel_loop3A_1165 = vector.broadcast %parallel_loop3A_1164 : f32 to vector<16xf32>
      %parallel_loop3A_1166 = arith.addf %parallel_loop3A_1155, %parallel_loop3A_1165 : vector<16xf32>
      %parallel_loop3A_1167 = arith.divf %parallel_loop3A_1163, %parallel_loop3A_1166 : vector<16xf32>
      %parallel_loop3A_1168 = arith.mulf %parallel_loop3A_1167, %parallel_loop3A_1167 : vector<16xf32>
      %parallel_loop3A_1169 = arith.constant 2.000000e+00 : f32
      %parallel_loop3A_1170 = vector.broadcast %parallel_loop3A_1169 : f32 to vector<16xf32>
      %parallel_loop3A_1171 = arith.mulf %parallel_loop3A_1170, %parallel_loop3A_1167 : vector<16xf32>
      %parallel_loop3A_1172 = arith.constant 0.142857149 : f32
      %parallel_loop3A_1173 = vector.broadcast %parallel_loop3A_1172 : f32 to vector<16xf32>
      %parallel_loop3A_1174 = arith.mulf %parallel_loop3A_1168, %parallel_loop3A_1173 : vector<16xf32>
      %parallel_loop3A_1175 = arith.constant 2.000000e-01 : f32
      %parallel_loop3A_1176 = vector.broadcast %parallel_loop3A_1175 : f32 to vector<16xf32>
      %parallel_loop3A_1177 = arith.addf %parallel_loop3A_1176, %parallel_loop3A_1174 : vector<16xf32>
      %parallel_loop3A_1178 = arith.mulf %parallel_loop3A_1168, %parallel_loop3A_1177 : vector<16xf32>
      %parallel_loop3A_1179 = arith.constant 0.333333343 : f32
      %parallel_loop3A_1180 = vector.broadcast %parallel_loop3A_1179 : f32 to vector<16xf32>
      %parallel_loop3A_1181 = arith.addf %parallel_loop3A_1180, %parallel_loop3A_1178 : vector<16xf32>
      %parallel_loop3A_1182 = arith.mulf %parallel_loop3A_1168, %parallel_loop3A_1181 : vector<16xf32>
      %parallel_loop3A_1183 = arith.constant 1.000000e+00 : f32
      %parallel_loop3A_1184 = vector.broadcast %parallel_loop3A_1183 : f32 to vector<16xf32>
      %parallel_loop3A_1185 = arith.addf %parallel_loop3A_1184, %parallel_loop3A_1182 : vector<16xf32>
      %parallel_loop3A_1186 = arith.mulf %parallel_loop3A_1171, %parallel_loop3A_1185 : vector<16xf32>
      %parallel_loop3A_1187 = arith.constant 0.693147182 : f32
      %parallel_loop3A_1188 = vector.broadcast %parallel_loop3A_1187 : f32 to vector<16xf32>
      %parallel_loop3A_1189 = arith.mulf %parallel_loop3A_1160, %parallel_loop3A_1188 : vector<16xf32>
      %parallel_loop3A_1190 = arith.addf %parallel_loop3A_1189, %parallel_loop3A_1186 : vector<16xf32>
      %parallel_loop3A_1191 = arith.addf %parallel_loop3A_1055, %parallel_loop3A_1190 : vector<16xf32>
      %parallel_loop3A_1192 = arith.constant -1.000000e+00 : f32
      %parallel_loop3A_1193 = vector.broadcast %parallel_loop3A_1192 : f32 to vector<16xf32>
      %parallel_loop3A_1194 = arith.addf %parallel_loop3A_1193, %parallel_loop3A_1191 : vector<16xf32>
      %parallel_loop3A_1195 = arith.constant -1.000000e+00 : f32
      %parallel_loop3A_1196 = vector.broadcast %parallel_loop3A_1195 : f32 to vector<16xf32>
      %parallel_loop3A_1197 = arith.divf %parallel_loop3A_1196, %parallel_loop3A_1194 : vector<16xf32>
      %parallel_loop3A_1198 = arith.constant 1.000000e+00 : f32
      %parallel_loop3A_1199 = vector.broadcast %parallel_loop3A_1198 : f32 to vector<16xf32>
      %parallel_loop3A_1200 = arith.subf %parallel_loop3A_1199, %parallel_loop3A_1197 : vector<16xf32>
      %parallel_loop3A_1201 = arith.constant 16 : i32
      %parallel_loop3A_1202 = arith.muli %parallel_loop3A_19, %parallel_loop3A_1201 : i32
      %parallel_loop3A_1203 = arith.index_cast %parallel_loop3A_1202 : i32 to index
      %parallel_loop3A_1204 = tpu.vector_load %arg7[%parallel_loop3A_1203] {strides = array<i32>} : memref<32xf32, #tpu.memory_space<vmem>>, vector<16xf32>,
      tpu.vector_store %arg7[%parallel_loop3A_1203], %parallel_loop3A_1200 {strides = array<i32>} : memref<32xf32, #tpu.memory_space<vmem>>, vector<16xf32>,
    } {sc.loop_unroll_factor = 2 : i64, sc.parallel_access}
    "tpu.region"() ({
      %run_scoped3A = tpu.sem_alloc : memref<!tpu.dma_semaphore, #tpu.memory_space<semaphore_mem>>
      %dma_start3A_19 = tpu.memref_slice %arg4[%mul3A_2] : memref<1024xf32, #tpu.memory_space<hbm>> -> memref<32xf32, #tpu.memory_space<hbm>>
      %dma_start3A_20 = tpu.memref_slice %arg4[%mul3A_2] : memref<1024xf32, #tpu.memory_space<hbm>> -> memref<32xf32, #tpu.memory_space<hbm>>
      tpu.enqueue_dma source(%arg7 : memref<32xf32, #tpu.memory_space<vmem>>) target(%dma_start3A_20 : memref<32xf32, #tpu.memory_space<hbm>>) target_semaphore(%run_scoped3A : memref<!tpu.dma_semaphore, #tpu.memory_space<semaphore_mem>>)
      %dma_wait3A_21 = tpu.memref_slice %arg4[%mul3A_2] : memref<1024xf32, #tpu.memory_space<hbm>> -> memref<32xf32, #tpu.memory_space<hbm>>
      %dma_wait3A_22 = tpu.memref_slice %arg4[%mul3A_2] : memref<1024xf32, #tpu.memory_space<hbm>> -> memref<32xf32, #tpu.memory_space<hbm>>
      tpu.wait_dma2 semaphore(%run_scoped3A : memref<!tpu.dma_semaphore, #tpu.memory_space<semaphore_mem>>) src(%arg7 : memref<32xf32, #tpu.memory_space<vmem>>) dst(%dma_wait3A_22 : memref<32xf32, #tpu.memory_space<hbm>>)
      tpu.yield
    }) : () -> ()
    return
  }
}

module attributes {stable_mosaic.version = 14 : i64} {
  func.func @_tc_body(%arg0: i32, %arg1: memref<3840x128xf32, #tpu.memory_space<vmem>>, %arg2: memref<64x3840xf32, #tpu.memory_space<vmem>>, %arg3: memref<1x3840xf32, #tpu.memory_space<vmem>>) attributes {dimension_semantics = [#tpu.dimension_semantics<arbitrary>], iteration_bounds = array<i64: 4>, scalar_prefetch = 0 : i64, scratch_operands = 0 : i64, tpu.core_type = #tpu.core_type<tc>, window_params = [{transform_indices = @transform_0, window_bounds = array<i64: 3840, 128>}, {transform_indices = @transform_1, window_bounds = array<i64: 64, 3840>}, {transform_indices = @transform_2, window_bounds = array<i64: 1, 3840>}]} {
    %get3A = arith.constant 0 : index
    %get3A_0 = arith.constant 0 : index
    %get3A_1 = vector.load %arg1[%get3A, %get3A_0] : memref<3840x128xf32, #tpu.memory_space<vmem>>, vector<3840x128xf32>
    %get3A_2 = arith.constant 0 : index
    %get3A_3 = arith.constant 0 : index
    %get3A_4 = vector.load %arg2[%get3A_2, %get3A_3] : memref<64x3840xf32, #tpu.memory_space<vmem>>, vector<64x3840xf32>
    %transpose3A = tpu.transpose %get3A_4, [1, 0] : vector<64x3840xf32> -> vector<3840x64xf32>
    %concatenate3A = tpu.concatenate %transpose3A, %transpose3A in 1 : vector<3840x64xf32>, vector<3840x64xf32> -> vector<3840x128xf32>
    %mul3A = arith.mulf %get3A_1, %concatenate3A : vector<3840x128xf32>
    %iota3A = tpu.iota {dimensions = array<i32: 0>} : vector<2x128xi32>
    %iota3A_5 = tpu.iota {dimensions = array<i32: 1>} : vector<2x128xi32>
    %jit3A = arith.constant 64 : i32
    %div3A = vector.broadcast %jit3A : i32 to vector<2x128xi32>
    %div3A_6 = arith.divsi %iota3A_5, %div3A : vector<2x128xi32>
    %sign3A = arith.constant 0 : i32
    %sign3A_7 = vector.broadcast %sign3A : i32 to vector<2x128xi32>
    %sign3A_8 = arith.cmpi sgt, %iota3A_5, %sign3A_7 : vector<2x128xi32>
    %sign3A_9 = arith.extui %sign3A_8 : vector<2x128xi1> to vector<2x128xi32>
    %sign3A_10 = arith.constant 0 : i32
    %sign3A_11 = vector.broadcast %sign3A_10 : i32 to vector<2x128xi32>
    %sign3A_12 = arith.cmpi slt, %iota3A_5, %sign3A_11 : vector<2x128xi32>
    %sign3A_13 = arith.extui %sign3A_12 : vector<2x128xi1> to vector<2x128xi32>
    %sign3A_14 = arith.subi %sign3A_9, %sign3A_13 : vector<2x128xi32>
    %sign3A_15 = arith.constant 0 : i32
    %sign3A_16 = arith.cmpi sgt, %jit3A, %sign3A_15 : i32
    %sign3A_17 = arith.extui %sign3A_16 : i1 to i32
    %sign3A_18 = arith.constant 0 : i32
    %sign3A_19 = arith.cmpi slt, %jit3A, %sign3A_18 : i32
    %sign3A_20 = arith.extui %sign3A_19 : i1 to i32
    %sign3A_21 = arith.subi %sign3A_17, %sign3A_20 : i32
    %ne3A = vector.broadcast %sign3A_21 : i32 to vector<2x128xi32>
    %ne3A_22 = arith.cmpi ne, %sign3A_14, %ne3A : vector<2x128xi32>
    %rem3A = vector.broadcast %jit3A : i32 to vector<2x128xi32>
    %rem3A_23 = arith.remsi %iota3A_5, %rem3A : vector<2x128xi32>
    %ne3A_24 = arith.constant 0 : i32
    %ne3A_25 = vector.broadcast %ne3A_24 : i32 to vector<2x128xi32>
    %ne3A_26 = arith.cmpi ne, %rem3A_23, %ne3A_25 : vector<2x128xi32>
    %and3A = arith.andi %ne3A_22, %ne3A_26 : vector<2x128xi1>
    %sub3A = arith.constant 1 : i32
    %sub3A_27 = vector.broadcast %sub3A : i32 to vector<2x128xi32>
    %sub3A_28 = arith.subi %div3A_6, %sub3A_27 : vector<2x128xi32>
    %select_n3A = arith.select %and3A, %sub3A_28, %div3A_6 : vector<2x128xi1>, vector<2x128xi32>
    %eq3A = arith.cmpi eq, %iota3A, %select_n3A : vector<2x128xi32>
    %convert_element_type3A = arith.extui %eq3A : vector<2x128xi1> to vector<2x128xi32>
    %convert_element_type3A_29 = arith.sitofp %convert_element_type3A : vector<2x128xi32> to vector<2x128xf32>
    %dot_general3A = arith.constant dense<0.000000e+00> : vector<2x3840xf32>
    %dot_general3A_30 = tpu.matmul %convert_element_type3A_29, %mul3A, %dot_general3A {dimension_numbers = #tpu.dot_dimension_numbers<[1], [1], [0], [0], [0, 0, 1, 0], [], []>, transpose_lhs_hint = false} : vector<2x128xf32>, vector<3840x128xf32>, vector<2x3840xf32> -> vector<2x3840xf32>
    %neg3A = arith.constant 0.000000e+00 : f32
    %neg3A_31 = vector.broadcast %neg3A : f32 to vector<2x3840xf32>
    %neg3A_32 = arith.subf %neg3A_31, %dot_general3A_30 : vector<2x3840xf32>
    %exp3A = math.exp %neg3A_32 : vector<2x3840xf32>
    %add3A = arith.constant 1.000000e+00 : f32
    %add3A_33 = vector.broadcast %add3A : f32 to vector<2x3840xf32>
    %add3A_34 = arith.addf %add3A_33, %exp3A : vector<2x3840xf32>
    %div3A_35 = arith.constant 1.000000e+00 : f32
    %div3A_36 = vector.broadcast %div3A_35 : f32 to vector<2x3840xf32>
    %div3A_37 = arith.divf %div3A_36, %add3A_34 : vector<2x3840xf32>
    %sub3A_38 = arith.constant 1.000000e+00 : f32
    %sub3A_39 = vector.broadcast %sub3A_38 : f32 to vector<2x3840xf32>
    %sub3A_40 = arith.subf %sub3A_39, %div3A_37 : vector<2x3840xf32>
    %add3A_41 = arith.constant 9.999940e-41 : f32
    %add3A_42 = vector.broadcast %add3A_41 : f32 to vector<2x3840xf32>
    %add3A_43 = arith.addf %sub3A_40, %add3A_42 : vector<2x3840xf32>
    %log3A = math.log %add3A_43 : vector<2x3840xf32>
    %reduce_sum3A = arith.constant dense<0.000000e+00> : vector<3840xf32>
    %reduce_sum3A_44 = vector.multi_reduction <add>, %log3A, %reduce_sum3A [0] : vector<2x3840xf32> to vector<3840xf32>
    %broadcast_in_dim3A = vector.shape_cast %reduce_sum3A_44 : vector<3840xf32> to vector<1x3840xf32>
    %add3A_45 = arith.constant -1.000000e+00 : f32
    %add3A_46 = vector.broadcast %add3A_45 : f32 to vector<1x3840xf32>
    %add3A_47 = arith.addf %add3A_46, %broadcast_in_dim3A : vector<1x3840xf32>
    %div3A_48 = arith.constant -1.000000e+00 : f32
    %div3A_49 = vector.broadcast %div3A_48 : f32 to vector<1x3840xf32>
    %div3A_50 = arith.divf %div3A_49, %add3A_47 : vector<1x3840xf32>
    %sub3A_51 = arith.constant 1.000000e+00 : f32
    %sub3A_52 = vector.broadcast %sub3A_51 : f32 to vector<1x3840xf32>
    %sub3A_53 = arith.subf %sub3A_52, %div3A_50 : vector<1x3840xf32>
    %swap3A = arith.constant 0 : index
    %swap3A_54 = arith.constant 0 : index
    %swap3A_55 = vector.load %arg3[%swap3A, %swap3A_54] : memref<1x3840xf32, #tpu.memory_space<vmem>>, vector<1x3840xf32>
    tpu.vector_store %arg3[%swap3A, %swap3A_54], %sub3A_53 {strides = array<i32>} : memref<1x3840xf32, #tpu.memory_space<vmem>>, vector<1x3840xf32>,
    return
  }
  func.func @transform_0(%arg0: i32) -> (i32, i32) {
    %c0_i32 = arith.constant 0 : i32
    %c0_i32_0 = arith.constant 0 : i32
    return %arg0, %c0_i32 : i32, i32
  }
  func.func @transform_1(%arg0: i32) -> (i32, i32) {
    %c0_i32 = arith.constant 0 : i32
    %c0_i32_0 = arith.constant 0 : i32
    return %c0_i32, %arg0 : i32, i32
  }
  func.func @transform_2(%arg0: i32) -> (i32, i32) {
    %c0_i32 = arith.constant 0 : i32
    %c0_i32_0 = arith.constant 0 : i32
    return %c0_i32, %arg0 : i32, i32
  }
}

</mosaic_0001>

<sc_bundles>
// kernel: kernel.4.cloned.1.call-start
scs
__scs_entry_jumppad:
0x0: {  	(pc) =	sbr.rel $0x88, $3  }
0x1: {  	(tag) =	ssettag $0x0;
	lr =	simm.s32 $0x1  }
0x2: {  	[smem:$0x3F9F] =	sst lr;
	_ =	strace $0xD0000000  }
0x3: {  	_ = 	snop  }
0x4: {  	_ = 	snop  }
0x5: {  	_ = 	snop  }
0x6: {  	_ = 	snop  }
0x7: {  	_ = 	snop  }
__scs_overlays_trampoline_lowered:
0x8: {  	[smem:$0x3FAE] =	sst s0  }
0x9: {  	[smem:$0x3FAF] =	sst s1  }
0xa: {  	[smem:$0x3FB0] =	sst s2  }
0xb: {  	[smem:$0x3FB1] =	sst s3  }
0xc: {  	[smem:$0x3FB2] =	sst s4  }
0xd: {  	[smem:$0x3FB3] =	sst s5  }
0xe: {  	[smem:$0x3FB4] =	sst s6  }
0xf: {  	[smem:$0x3FB5] =	sst s7  }
0x10: {  	[smem:$0x3FB6] =	sst s8  }
0x11: {  	[smem:$0x3FB7] =	sst s9;
	s0 =	simm.s32 @!p0 $0x0  }
0x12: {  	s1 =	sld [smem:$0x3F9D];
	s0 =	simm.s32 @p0 $0x1  }
0x13: {  	[smem:$0x3FB8] =	sst s0;
	s0 =	simm.s32 @!p1 $0x0  }
0x14: {  	s2 =	sld [smem:$0x3F9C];
	s0 =	simm.s32 @p1 $0x1  }
0x15: {  	[smem:$0x3FB9] =	sst s0;
	s0 =	simm.s32 @!p2 $0x0  }
0x16: {  	s3 =	sld [smem:$0x3FDB];
	s0 =	simm.s32 @p2 $0x1  }
0x17: {  	s4 =	simm.s32 $0x1BF5;
	[smem:$0x3FBB] =	sst s0  }
0x18: {  	s0 =	sld [smem:$0x3F9E];
	_ =	swait.ge [sflag:s4], $0x0  }
0x19: {  	s7 =	sld [smem:$0x3F9F]  }
0x1a: {  	s8 =	sadd.s32 $0xFFFFE003, lr  }
0x1b: {  	s9 =	sadd.s32 $0xFFFFFEF7, lr;
	s5 =	simm.s32 $0xFFFFFFFF;
	p2 =	slt.u32 s8, $0xFFFFF086  }
0x1c: {  	p1 =	slt.u32 s9, $0xF7A;
	s5 =	simm.s32 @!p2 $0x0  }
0x1d: {  	s5 =	simm.s32 @p1 $0x1;
	p0 =	seq.s32 s7, s2  }
0x1e: {  	s7 =	smul.u32 @!p0 $0xF7A, s2;
	p2 =	seq.s32 @!p0 s5, $0x0  }
0x1f: {  	s9 =	smul.u32 $0xF7A, s1;
	s8 =	simm.s32 @!p0 $0x1BF5;
	p2 =	por !p2, p0  }
0x20: {  	[sflag:s8] =	ssyncset.s32 @!p0 $0xFFFFF086;
	s6 =	sadd.s32 @!p0 s3, s7;
	s7 =	simm.s32 @!p0 $0x108  }
0x21: {  	s3 =	sadd.s32 s3, s9;
	s6 =	sadd.s32 @!p0 $0x88, s6;
	s7 =	simm.s32 @p2 $0x1082  }
0x22: {  	[simem:s7], [sflag:s8] =	dma.local @!p0 [hbm:s6], $0xF7A  }
0x23: {  	s9 =	sor.u32 $0xD0000000, s2;
	s6 =	simm.s32 $0x108;
	_ =	swait.ge @!p0 [sflag:s8], $0x0  }
0x24: {  	s3 =	sadd.s32 $0x88, s3;
	s6 =	simm.s32 @!p1 $0x1082;
	[sflag:s4] =	ssyncset.s32 $0xFFFFF086  }
0x25: {  	[simem:s6], [sflag:s4] =	dma.local [hbm:s3], $0xF7A  }
0x26: {  	[smem:$0x3F9F] =	sst s1;
	(tag) =	ssettag s2;
	_ =	strace s9  }
0x27: {  	s1 =	sld [smem:$0x3FAF]  }
0x28: {  	s2 =	sld [smem:$0x3FB0]  }
0x29: {  	s4 =	sld [smem:$0x3FB2]  }
0x2a: {  	p0 =	seq.s32 s5, $0x0;
	s5 =	sld [smem:$0x3FB3]  }
0x2b: {  	s6 =	sld [smem:$0x3FB4]  }
0x2c: {  	s7 =	sld [smem:$0x3FB5]  }
0x2d: {  	s3 =	simm.s32 $0x108;
	s8 =	sld [smem:$0x3FB6]  }
0x2e: {  	s3 =	simm.s32 @!p0 $0x1082;
	s9 =	sld [smem:$0x3FB7]  }
0x2f: {  	lr =	sadd.s32 s0, s3;
	s0 =	sld [smem:$0x3FAE]  }
0x30: {  	s3 =	sld [smem:$0x3FB1]  }
0x31: {  	[smem:$0x3FBA] =	sst s10  }
0x32: {  	s10 =	sld [smem:$0x3FB8];
	_ =	sdelay $0x3  }
0x33: {  	p0 =	seq.s32 s10, $0x1;
	s10 =	sld [smem:$0x3FBA];
	_ =	sdelay $0x3  }
0x34: {  	[smem:$0x3FBA] =	sst s10  }
0x35: {  	s10 =	sld [smem:$0x3FB9];
	_ =	sdelay $0x3  }
0x36: {  	p1 =	seq.s32 s10, $0x1;
	s10 =	sld [smem:$0x3FBA];
	_ =	sdelay $0x3  }
0x37: {  	[smem:$0x3FBA] =	sst s10  }
0x38: {  	s10 =	sld [smem:$0x3FBB]  }
0x39: {  	_ = 	snop;
	(pc) =	sbr.ind lr, $3  }
0x3a: {  	_ = 	snop  }
0x3b: {  	_ = 	snop  }
0x3c: {  	p2 =	seq.s32 s10, $0x1;
	s10 =	sld [smem:$0x3FBA]  }
0x3d: {  	_ =	shalt  }
0x3e: {  	_ =	shalt  }
0x3f: {  	_ =	shalt  }
0x40: {  	_ =	shalt  }
0x41: {  	_ =	shalt  }
0x42: {  	_ =	shalt  }
0x43: {  	_ =	shalt  }
0x44: {  	_ =	shalt  }
0x45: {  	_ =	shalt  }
0x46: {  	_ =	shalt  }
0x47: {  	_ =	shalt  }
0x48: {  	_ =	shalt  }
0x49: {  	_ =	shalt  }
0x4a: {  	_ =	shalt  }
0x4b: {  	_ =	shalt  }
0x4c: {  	_ =	shalt  }
0x4d: {  	_ =	shalt  }
0x4e: {  	_ =	shalt  }
0x4f: {  	_ =	shalt  }
0x50: {  	_ =	shalt  }
0x51: {  	_ =	shalt  }
0x52: {  	_ =	shalt  }
0x53: {  	_ =	shalt  }
0x54: {  	_ =	shalt  }
0x55: {  	_ =	shalt  }
0x56: {  	_ =	shalt  }
0x57: {  	_ =	shalt  }
0x58: {  	_ =	shalt  }
0x59: {  	_ =	shalt  }
0x5a: {  	_ =	shalt  }
0x5b: {  	_ =	shalt  }
0x5c: {  	_ =	shalt  }
0x5d: {  	_ =	shalt  }
0x5e: {  	_ =	shalt  }
0x5f: {  	_ =	shalt  }
0x60: {  	_ =	shalt  }
0x61: {  	_ =	shalt  }
0x62: {  	_ =	shalt  }
0x63: {  	_ =	shalt  }
0x64: {  	_ =	shalt  }
0x65: {  	_ =	shalt  }
0x66: {  	_ =	shalt  }
0x67: {  	_ =	shalt  }
0x68: {  	_ =	shalt  }
0x69: {  	_ =	shalt  }
0x6a: {  	_ =	shalt  }
0x6b: {  	_ =	shalt  }
0x6c: {  	_ =	shalt  }
0x6d: {  	_ =	shalt  }
0x6e: {  	_ =	shalt  }
0x6f: {  	_ =	shalt  }
0x70: {  	_ =	shalt  }
0x71: {  	_ =	shalt  }
0x72: {  	_ =	shalt  }
0x73: {  	_ =	shalt  }
0x74: {  	_ =	shalt  }
0x75: {  	_ =	shalt  }
0x76: {  	_ =	shalt  }
0x77: {  	_ =	shalt  }
0x78: {  	_ =	shalt  }
0x79: {  	_ =	shalt  }
0x7a: {  	_ =	shalt  }
0x7b: {  	_ =	shalt  }
0x7c: {  	_ =	shalt  }
0x7d: {  	_ =	shalt  }
0x7e: {  	_ =	shalt  }
0x7f: {  	_ =	shalt  }
0x80: {  	_ =	shalt  }
0x81: {  	_ =	shalt  }
0x82: {  	_ =	shalt  }
0x83: {  	_ =	shalt  }
0x84: {  	_ =	shalt  }
0x85: {  	_ =	shalt  }
0x86: {  	_ =	shalt  }
0x87: {  	_ =	shalt  }
.Lfunc_end0:
.L_simem_size_0:
called_computation_lowered:
.L_overlay_start_0:
0x88: {  	s2 =	sld [smem:$0x3FD9]  }
0x89: {  	s3 =	sld [smem:$0x3FFE];
	_ =	sdelay $0x1  }
0x8a: {  	s1 =	srdreg.scid  }
0x8b: {  	s0 =	sand.u32 $0x1, s1  }
0x8c: {  	s16 =	sshll.u32 s0, $0xA;
	s2 =	sadd.s32 s3, s2  }
0x8d: {  	s2 =	sadd.s32 s2, s16  }
0x8e: {  	[smem:$0x3FC6] =	sst s2  }
0x8f: {  	_ = 	snop  }
0x90: {  	(tm) =	ssettm $0x1  }
0x91: {  	s17 =	sld [smem:$0x3FFB];
	_ =	sdelay $0x3  }
0x92: {  	_ =	strace s17  }
0x93: {  	s2 =	sld [smem:$0x3FFC];
	_ =	sdelay $0x3  }
0x94: {  	_ =	strace s2  }
0x95: {  	s2 =	sld [smem:$0x3FFD];
	_ =	sdelay $0x3  }
0x96: {  	_ =	strace s2  }
0x97: {  	_ =	strace $0x8FFFFFFF  }
0x98: {  	s18 =	sld [smem:$0x3FDB];
	_ =	sdelay $0x1  }
0x99: {  	s19 =	simm.s32 $_scs_section_size  }
0x9a: {  	s4 =	simm.s32 $_size__tile_overlayer_lowered;
	s5 =	simm.s32 $_tile_overlayer_lowered  }
0x9b: {  	s22 =	simm.s32 $0x1BFF;
	s21 =	sshll.u32 s5, $0x1;
	s2 =	sadd.s32 s19, s18  }
0x9c: {  	s6 =	simm.s32 $0x0;
	s20 =	sshll.u32 s4, $0x1;
	s4 =	sadd.s32 s21, s2  }
0x9d: {  	[timem:s6], [sflag:s22] =	dma.local [hbm:s4], s20  }
0x9e: {  	_ =	swait.ge [sflag:s22], s20  }
0x9f: {  	s3 =	ssub.s32 $0x0, s20;
	[sflag:s22] =	ssyncset.done $0x0  }
0xa0: {  	[sflag:s22] =	ssyncadd.s32 s3;
	_ =	sdelay $0x1  }
0xa1: {  	s23 =	simm.s32 $0x1B8B  }
0xa2: {  	_ =	swait.ge [sflag:s23], $0x1  }
0xa3: {  	[sflag:s23] =	ssyncset.done $0x0  }
0xa4: {  	s25 =	simm.s32 $0x1B8E;
	s24 =	sld [smem:$0x3FFE];
	[sflag:s23] =	ssyncadd.s32 $0xFFFFFFFF  }
0xa5: {  	s26 =	simm.s32 $execute0_lowered;
	[smem:$0x3FD2] =	sst s25  }
0xa6: {  	s4 =	sshll.u32 s26, $0x1;
	_ =	strace $0x80000046;
	[dreg:$0x1] =	wrdreg $0xFFFFFFFF  }
0xa7: {  	s28 =	simm.s32 $_size_execute0_lowered;
	s2 =	sadd.s32 s2, s4;
	[dreg:$0x0] =	wrdreg $0x0  }
0xa8: {  	s4 =	sshll.u32 s28, $0x1;
	[dreg:$0x2] =	wrdreg s2  }
0xa9: {  	[dreg:$0x3] =	wrdreg s4  }
0xaa: {  	[dreg:$0x4] =	wrdreg $0xC0  }
0xab: {  	_ =	task [dreg:s6], $0x5FFFF  }
0xac: {  	[dreg:$0x1] =	wrdreg $0xFFFFFFFF  }
0xad: {  	[dreg:$0x0] =	wrdreg $0x60  }
0xae: {  	[dreg:$0x2] =	wrdreg s24  }
0xaf: {  	[dreg:$0x3] =	wrdreg $0x9  }
0xb0: {  	_ =	task.clear_ibuf [dreg:s6], $0x4FFFF;
	_ =	strace $0x90000046  }
0xb1: {  	s29 =	simm.s32 $0x9;
	_ =	strace $0x80000048  }
0xb2: {  	_ =	swait.ge [sflag:s29], $0x1  }
0xb3: {  	[sflag:s29] =	ssyncadd.s32 $0xFFFFFFFF  }
0xb4: {  	_ =	strace $0x90000048  }
0xb5: {  	_ =	sfence  }
0xb6: {  	s30 =	sld [smem:$0x0];
	_ =	sdelay $0x2  }
0xb7: {  	s31 =	sshll.u32 s1, $0xD;
	s1 =	sshrl.u32 s1, $0x2  }
0xb8: {  	s3 =	sand.u32 $0x4000, s31;
	s1 =	sadd.s32 s1, s30  }
0xb9: {  	s0 =	sor.u32 s3, s0;
	s1 =	sshll.u32 s1, $0x11  }
0xba: {  	s0 =	sor.u32 s1, s0  }
0xbb: {  	s0 =	sadd.s32 $0x8F2B, s0  }
0xbc: {  	[sflag:s0] =	ssyncadd.remote.s32 $0x1  }
0xbd: {  	_ =	sfence.sel $0xFFFF  }
0xbe: {  	[dreg:$0x0] =	wrdreg $0xFFFFFFFF;
	(pc) =	sbr.abs _section_cstart, $3  }
0xbf: {  	[dreg:$0x1] =	wrdreg $0xFFFFFFFF  }
0xc0: {  	_ =	task.clear_ibuf [dreg:s6], $0x2FFFF;
	_ =	strace $0x9FFFFFFF  }
0xc1: {  	(tm) =	ssettm $0x7FFFFFFF  }
tec
execute0_lowered:
.L_overlay_start_1:
0x0: {  	(tag) =	ssettag $0x1  }
0x1: {  	v0 =	vimm.s32 $0xF4B37231;
	vm15 =	vcmask $0xF00  }
0x2: {  	vm1 =	vcmask $0x1310;
	vm2 =	vcmask $0x1714;
	v1 =	vlaneseq.u32  }
0x3: {  	vm3 =	vcmask $0x1B18;
	vm4 =	vcmask $0x1F1C;
	vm5 =	vcmask $0x2320  }
0x4: {  	vm7 =	vcmask $0x2724;
	vm6 =	vcmask $0x300;
	v3 =	vimm.s32 $0x780  }
0x5: {  	vm10 =	vcmask $0x2B28;
	vm8 =	vcmask $0x704;
	vm9 =	vcmask $0xB08  }
0x6: {  	v4 =	vimm.s32 $0xF5B47332;
	vm0 =	vcmask $0xF0C;
	vm11 =	vcmask $0x2F2C  }
0x7: {  	vm12 =	vcmask $0x3330;
	vm13 =	vcmask $0x3734;
	vm14 =	vcmask $0x3B38  }
0x8: {  	v15 =	vimm.s32 $0x781;
	v5 =	vimm.s32 $0xF6B57433;
	v20 =	vimm.s32 $0x782  }
0x9: {  	v21 =	vimm.s32 $0xF7B67534;
	v26 =	vimm.s32 $0x783;
	v27 =	vimm.s32 $0xF8B77635  }
0xa: {  	v35 =	vimm.s32 $0x784;
	v36 =	vimm.s32 $0xF9B87736;
	v41 =	vimm.s32 $0x785  }
0xb: {  	v42 =	vimm.s32 $0xFAB97837;
	v47 =	vimm.s32 $0x786;
	v48 =	vimm.s32 $0xFBBA7938  }
0xc: {  	v56 =	vimm.s32 $0x787;
	v58 =	vimm.s32 $0xFCBB7A39;
	v63 =	vimm.s32 $0x788  }
0xd: {  	v8 =	vimm.s32 $0xFDBC7B3A;
	v9 =	vimm.s32 $0x789;
	v0 =	vunpack.c.0.s8.s32 v0  }
0xe: {  	v57 =	vmul.u32 $0x81, v1;
	v3 =	vsel vm6, $0x31, v3;
	v4 =	vunpack.c.0.s8.s32 v4  }
0xf: {  	v5 =	vunpack.c.0.s8.s32 v5;
	v3 =	vsel vm8, $0xB2, v3;
	v0 =	vand.u32 $0xFF, v0  }
0x10: {  	v10 =	vadd.s32 $0x40, v57;
	v3 =	vsel vm9, $0x133, v3;
	v4 =	vand.u32 $0xFF, v4  }
0x11: {  	v19 =	vand.u32 $0xFF, v5;
	v5 =	vunpack.c.0.s8.s32 v21;
	v21 =	vimm.s32 $0xFFBE7D3C  }
0x12: {  	v0 =	vnsel vm15, $0x3C0, v0;
	v3 =	vsel vm0, $0x1B4, v3;
	v4 =	vnsel vm15, $0x3C1, v4  }
0x13: {  	v0 =	vsel vm1, $0x135, v0;
	v3 =	vsel vm1, $0x235, v3;
	v4 =	vsel vm1, $0x136, v4  }
0x14: {  	v25 =	vand.u32 $0xFF, v5;
	v5 =	vunpack.c.0.s8.s32 v27;
	v2 =	vsel vm2, $0x176, v0  }
0x15: {  	v0 =	vmul.u32 $0x41, v1;
	v3 =	vsel vm2, $0x2B6, v3;
	v4 =	vsel vm2, $0x177, v4  }
0x16: {  	v2 =	vsel vm3, $0x1B7, v2;
	v3 =	vsel vm3, $0x337, v3;
	v4 =	vsel vm3, $0x1B8, v4  }
0x17: {  	v31 =	vand.u32 $0xFF, v5;
	v5 =	vunpack.c.0.s8.s32 v36;
	v2 =	vsel vm4, $0x1F8, v2  }
0x18: {  	v11 =	vadd.s32 $0x1, v0;
	v3 =	vsel vm4, $0x3B8, v3;
	v4 =	vsel vm4, $0x1F9, v4  }
0x19: {  	v2 =	vsel vm5, $0x239, v2;
	v3 =	vsel vm5, $0x439, v3;
	v4 =	vsel vm5, $0x23A, v4  }
0x1a: {  	v40 =	vand.u32 $0xFF, v5;
	v5 =	vunpack.c.0.s8.s32 v42;
	v42 =	vimm.s32 $0x78D  }
0x1b: {  	v2 =	vsel vm7, $0x27A, v2;
	v3 =	vsel vm7, $0x4BA, v3;
	v14 =	vsel vm7, $0x27B, v4  }
0x1c: {  	v4 =	vsel vm6, $0x32, v15;
	v2 =	vsel vm10, $0x2BB, v2;
	v3 =	vsel vm10, $0x53B, v3  }
0x1d: {  	v4 =	vsel vm8, $0xB3, v4;
	v46 =	vand.u32 $0xFF, v5;
	v5 =	vunpack.c.0.s8.s32 v48  }
0x1e: {  	v2 =	vsel vm11, $0x2FC, v2;
	v13 =	vsel vm11, $0x5BC, v3;
	v3 =	vsel vm10, $0x2BC, v14  }
0x1f: {  	v4 =	vsel vm9, $0x134, v4;
	v2 =	vsel vm12, $0x33D, v2;
	v3 =	vsel vm11, $0x2FD, v3  }
0x20: {  	v18 =	vsel vm0, $0x1B5, v4;
	v4 =	vsel vm6, $0x33, v20;
	v52 =	vand.u32 $0xFF, v5  }
0x21: {  	v5 =	vunpack.c.0.s8.s32 v58;
	v20 =	vimm.s32 $0x78A;
	v2 =	vsel vm13, $0x37E, v2  }
0x22: {  	v3 =	vsel vm12, $0x33E, v3;
	v4 =	vsel vm8, $0xB4, v4;
	v12 =	vsel vm14, $0x3BF, v2  }
0x23: {  	v2 =	vsel vm12, $0x63D, v13;
	v3 =	vsel vm13, $0x37F, v3;
	v4 =	vsel vm9, $0x135, v4  }
0x24: {  	v62 =	vand.u32 $0xFF, v5;
	v13 =	vimm.s32 $0xFEBD7C3B;
	v2 =	vsel vm13, $0x6BE, v2  }
0x25: {  	v17 =	vsel vm14, $0x380, v3;
	v3 =	vnsel vm15, $0x3C2, v19;
	v4 =	vsel vm0, $0x1B6, v4  }
0x26: {  	[tilespmem:$0x1F880] =	vst v12;
	v12 =	vsel vm6, $0x3A, v9;
	v9 =	vimm.s32 $0xFC3;
	v16 =	vsel vm14, $0x73F, v2  }
0x27: {  	v2 =	vsel vm1, $0x236, v18;
	v3 =	vsel vm1, $0x137, v3;
	v4 =	vsel vm1, $0x237, v4  }
0x28: {  	v2 =	vsel vm2, $0x2B7, v2;
	v3 =	vsel vm2, $0x178, v3;
	v4 =	vsel vm2, $0x2B8, v4  }
0x29: {  	v2 =	vsel vm3, $0x338, v2;
	v3 =	vsel vm3, $0x1B9, v3;
	v4 =	vsel vm3, $0x339, v4  }
0x2a: {  	v2 =	vsel vm4, $0x3B9, v2;
	v3 =	vsel vm4, $0x1FA, v3;
	v4 =	vsel vm4, $0x3BA, v4  }
0x2b: {  	v2 =	vsel vm5, $0x43A, v2;
	v3 =	vsel vm5, $0x23B, v3;
	v4 =	vsel vm5, $0x43B, v4  }
0x2c: {  	v2 =	vsel vm7, $0x4BB, v2;
	v3 =	vsel vm7, $0x27C, v3;
	v4 =	vsel vm7, $0x4BC, v4  }
0x2d: {  	v2 =	vsel vm10, $0x53C, v2;
	v3 =	vsel vm10, $0x2BD, v3;
	v4 =	vsel vm10, $0x53D, v4  }
0x2e: {  	v2 =	vsel vm11, $0x5BD, v2;
	v3 =	vsel vm11, $0x2FE, v3;
	v24 =	vsel vm11, $0x5BE, v4  }
0x2f: {  	v4 =	vsel vm6, $0x34, v26;
	v2 =	vsel vm12, $0x63E, v2;
	v3 =	vsel vm12, $0x33F, v3  }
0x30: {  	v4 =	vsel vm8, $0xB5, v4;
	v2 =	vsel vm13, $0x6BF, v2;
	v3 =	vsel vm13, $0x340, v3  }
0x31: {  	v4 =	vsel vm9, $0x136, v4;
	v22 =	vsel vm14, $0x700, v2;
	v23 =	vsel vm14, $0x381, v3  }
0x32: {  	v2 =	vsel vm12, $0x63F, v24;
	v3 =	vnsel vm15, $0x3C3, v25;
	v30 =	vsel vm0, $0x1B7, v4  }
0x33: {  	v4 =	vnsel vm15, $0x3C4, v31;
	v2 =	vsel vm13, $0x680, v2;
	v3 =	vsel vm1, $0x138, v3  }
0x34: {  	v4 =	vsel vm1, $0x139, v4;
	v3 =	vsel vm2, $0x179, v3;
	v28 =	vsel vm14, $0x701, v2  }
0x35: {  	v4 =	vsel vm2, $0x17A, v4;
	v29 =	vsel vm3, $0x1BA, v3;
	v3 =	vsel vm1, $0x238, v30  }
0x36: {  	[tilespmem:$0x1F8D0] =	vst v28;
	v4 =	vsel vm3, $0x1BB, v4;
	v28 =	vimm.s32 $0x78B;
	v2 =	vsel vm4, $0x1FB, v29  }
0x37: {  	v3 =	vsel vm2, $0x2B9, v3;
	v4 =	vsel vm4, $0x1FC, v4;
	v2 =	vsel vm5, $0x23C, v2  }
0x38: {  	v3 =	vsel vm3, $0x33A, v3;
	v4 =	vsel vm5, $0x23D, v4;
	v2 =	vsel vm7, $0x27D, v2  }
0x39: {  	v3 =	vsel vm4, $0x3BB, v3;
	v34 =	vsel vm7, $0x27E, v4;
	v4 =	vsel vm6, $0x35, v35  }
0x3a: {  	v2 =	vsel vm10, $0x2BE, v2;
	v3 =	vsel vm5, $0x43C, v3;
	v4 =	vsel vm8, $0xB6, v4  }
0x3b: {  	v2 =	vsel vm11, $0x2FF, v2;
	v3 =	vsel vm7, $0x4BD, v3;
	v4 =	vsel vm9, $0x137, v4  }
0x3c: {  	v2 =	vsel vm12, $0x300, v2;
	v3 =	vsel vm10, $0x53E, v3;
	v39 =	vsel vm0, $0x1B8, v4  }
0x3d: {  	v4 =	vsel vm6, $0x36, v41;
	v2 =	vsel vm13, $0x341, v2;
	v33 =	vsel vm11, $0x5BF, v3  }
0x3e: {  	v3 =	vsel vm10, $0x2BF, v34;
	v4 =	vsel vm8, $0xB7, v4;
	v34 =	vimm.s32 $0xC1807F3E  }
0x3f: {  	v32 =	vsel vm14, $0x382, v2;
	v2 =	vsel vm12, $0x600, v33;
	v3 =	vsel vm11, $0x2C0, v3  }
0x40: {  	v4 =	vsel vm9, $0x138, v4;
	v33 =	vimm.s32 $0x78C;
	v2 =	vsel vm13, $0x681, v2  }
0x41: {  	[tilespmem:$0x1F8E0] =	vst v32;
	v3 =	vsel vm12, $0x301, v3;
	v4 =	vsel vm0, $0x1B9, v4;
	v32 =	vimm.s32 $0xC0BF7E3D  }
0x42: {  	v3 =	vsel vm13, $0x342, v3;
	v37 =	vsel vm14, $0x702, v2;
	v2 =	vsel vm1, $0x239, v39  }
0x43: {  	v4 =	vsel vm1, $0x23A, v4;
	v38 =	vsel vm14, $0x383, v3;
	v2 =	vsel vm2, $0x2BA, v2  }
0x44: {  	v3 =	vnsel vm15, $0x3C5, v40;
	v4 =	vsel vm2, $0x2BB, v4;
	v2 =	vsel vm3, $0x33B, v2  }
0x45: {  	v3 =	vsel vm1, $0x13A, v3;
	v4 =	vsel vm3, $0x33C, v4;
	v2 =	vsel vm4, $0x3BC, v2  }
0x46: {  	v3 =	vsel vm2, $0x17B, v3;
	v4 =	vsel vm4, $0x3BD, v4;
	v2 =	vsel vm5, $0x43D, v2  }
0x47: {  	v3 =	vsel vm3, $0x1BC, v3;
	v4 =	vsel vm5, $0x43E, v4;
	v2 =	vsel vm7, $0x4BE, v2  }
0x48: {  	v3 =	vsel vm4, $0x1FD, v3;
	v4 =	vsel vm7, $0x4BF, v4;
	v2 =	vsel vm10, $0x53F, v2  }
0x49: {  	v3 =	vsel vm5, $0x23E, v3;
	v4 =	vsel vm10, $0x500, v4;
	v2 =	vsel vm11, $0x580, v2  }
0x4a: {  	v3 =	vsel vm7, $0x27F, v3;
	v45 =	vsel vm11, $0x581, v4;
	v4 =	vsel vm6, $0x37, v47  }
0x4b: {  	v2 =	vsel vm12, $0x601, v2;
	v3 =	vsel vm10, $0x280, v3;
	v4 =	vsel vm8, $0xB8, v4  }
0x4c: {  	v2 =	vsel vm13, $0x682, v2;
	v3 =	vsel vm11, $0x2C1, v3;
	v4 =	vsel vm9, $0x139, v4  }
0x4d: {  	v3 =	vsel vm12, $0x302, v3;
	v43 =	vsel vm14, $0x703, v2;
	v2 =	vsel vm12, $0x602, v45  }
0x4e: {  	v51 =	vsel vm0, $0x1BA, v4;
	v4 =	vnsel vm15, $0x3C7, v52;
	v52 =	vimm.s32 $0xF80  }
0x4f: {  	v3 =	vsel vm13, $0x343, v3;
	v2 =	vsel vm13, $0x683, v2;
	v4 =	vsel vm1, $0x13C, v4  }
0x50: {  	[tilespmem:$0x1F910] =	vst v43;
	v43 =	vimm.s32 $0xC281403F;
	v44 =	vsel vm14, $0x384, v3;
	v3 =	vnsel vm15, $0x3C6, v46  }
0x51: {  	v49 =	vsel vm14, $0x704, v2;
	v4 =	vsel vm2, $0x17D, v4;
	v3 =	vsel vm1, $0x13B, v3  }
0x52: {  	[tilespmem:$0x1F920] =	vst v44;
	v4 =	vsel vm3, $0x1BE, v4;
	v44 =	vimm.s32 $0x78E;
	v3 =	vsel vm2, $0x17C, v3  }
0x53: {  	v4 =	vsel vm4, $0x1FF, v4;
	v47 =	vsel vm6, $0x3F, v44;
	v44 =	vimm.s32 $0xF8B  }
0x54: {  	v50 =	vsel vm3, $0x1BD, v3;
	v3 =	vsel vm1, $0x23B, v51;
	v4 =	vsel vm5, $0x200, v4  }
0x55: {  	v2 =	vsel vm4, $0x1FE, v50;
	v3 =	vsel vm2, $0x2BC, v3;
	v55 =	vsel vm7, $0x241, v4  }
0x56: {  	v4 =	vsel vm6, $0x38, v56;
	v2 =	vsel vm5, $0x23F, v2;
	v3 =	vsel vm3, $0x33D, v3  }
0x57: {  	v4 =	vsel vm8, $0xB9, v4;
	v2 =	vsel vm7, $0x240, v2;
	v3 =	vsel vm4, $0x3BE, v3  }
0x58: {  	v4 =	vsel vm9, $0x13A, v4;
	v2 =	vsel vm10, $0x281, v2;
	v3 =	vsel vm5, $0x43F, v3  }
0x59: {  	v61 =	vsel vm0, $0x1BB, v4;
	v4 =	vsel vm6, $0x39, v63;
	v2 =	vsel vm11, $0x2C2, v2  }
0x5a: {  	v3 =	vsel vm7, $0x480, v3;
	v4 =	vsel vm8, $0xBA, v4;
	v2 =	vsel vm12, $0x303, v2  }
0x5b: {  	v3 =	vsel vm10, $0x501, v3;
	v4 =	vsel vm9, $0x13B, v4;
	v2 =	vsel vm13, $0x344, v2  }
0x5c: {  	v54 =	vsel vm11, $0x582, v3;
	v3 =	vsel vm10, $0x282, v55;
	v4 =	vsel vm0, $0x1BC, v4  }
0x5d: {  	v53 =	vsel vm14, $0x385, v2;
	v2 =	vsel vm12, $0x603, v54;
	v3 =	vsel vm11, $0x2C3, v3  }
0x5e: {  	v4 =	vsel vm1, $0x23D, v4;
	v54 =	vimm.s32 $0xF81;
	v2 =	vsel vm13, $0x684, v2  }
0x5f: {  	[tilespmem:$0x1F940] =	vst v53;
	v3 =	vsel vm12, $0x304, v3;
	v4 =	vsel vm2, $0x2BE, v4;
	v53 =	vimm.s32 $0xFC0  }
0x60: {  	v3 =	vsel vm13, $0x345, v3;
	v59 =	vsel vm14, $0x705, v2;
	v2 =	vsel vm1, $0x23C, v61  }
0x61: {  	v4 =	vsel vm3, $0x33F, v4;
	v61 =	vimm.s32 $0xF82;
	v60 =	vsel vm14, $0x386, v3  }
0x62: {  	v2 =	vsel vm2, $0x2BD, v2;
	v3 =	vnsel vm15, $0x3C8, v62;
	v4 =	vsel vm4, $0x380, v4  }
0x63: {  	v62 =	vimm.s32 $0xFC2;
	v2 =	vsel vm3, $0x33E, v2;
	v3 =	vsel vm1, $0x13D, v3  }
0x64: {  	[tilespmem:$0x1F960] =	vst v60;
	v4 =	vsel vm5, $0x401, v4;
	v60 =	vimm.s32 $0xFC1;
	v3 =	vsel vm2, $0x17E, v3  }
0x65: {  	v2 =	vsel vm4, $0x3BF, v2;
	v7 =	vsel vm7, $0x482, v4;
	v3 =	vsel vm3, $0x1BF, v3  }
0x66: {  	v4 =	vunpack.c.0.s8.s32 v8;
	v2 =	vsel vm5, $0x400, v2;
	v3 =	vsel vm4, $0x1C0, v3  }
0x67: {  	v8 =	vimm.s32 $0xF83;
	v2 =	vsel vm7, $0x481, v2;
	v3 =	vsel vm5, $0x201, v3  }
0x68: {  	v4 =	vand.u32 $0xFF, v4;
	v2 =	vsel vm10, $0x502, v2;
	v3 =	vsel vm7, $0x242, v3  }
0x69: {  	v4 =	vnsel vm15, $0x3C9, v4;
	v2 =	vsel vm11, $0x583, v2;
	v3 =	vsel vm10, $0x283, v3  }
0x6a: {  	v4 =	vsel vm1, $0x13E, v4;
	v2 =	vsel vm12, $0x604, v2;
	v3 =	vsel vm11, $0x2C4, v3  }
0x6b: {  	v2 =	vsel vm13, $0x685, v2;
	v6 =	vsel vm12, $0x305, v3;
	v3 =	vsel vm10, $0x503, v7  }
0x6c: {  	[tilespmem:$0x1F870] =	vst v11;
	v15 =	vsel vm2, $0x17F, v4;
	v5 =	vsel vm14, $0x706, v2;
	v3 =	vsel vm11, $0x584, v3  }
0x6d: {  	[tilespmem:$0x1F970] =	vst v5;
	v2 =	vsel vm13, $0x346, v6;
	v5 =	vunpack.c.0.s8.s32 v13;
	v11 =	vsel vm12, $0x605, v3  }
0x6e: {  	[tilespmem:$0x1F860] =	vst v10;
	v10 =	vsel vm14, $0x387, v2;
	v3 =	vsel vm8, $0xBB, v12;
	v2 =	vsel vm13, $0x686, v11  }
0x6f: {  	[tilespmem:$0x1F890] =	vst v16;
	v3 =	vsel vm9, $0x13C, v3;
	v16 =	vand.u32 $0xFF, v5;
	v5 =	vunpack.c.0.s8.s32 v21  }
0x70: {  	[tilespmem:$0x1F980] =	vst v10;
	v10 =	vimm.s32 $0xF84;
	v3 =	vsel vm0, $0x1BD, v3;
	v14 =	vsel vm14, $0x707, v2  }
0x71: {  	v2 =	vsel vm3, $0x180, v15;
	v4 =	vnsel vm15, $0x3CA, v16;
	v15 =	vimm.s32 $0xFC4  }
0x72: {  	v16 =	vimm.s32 $0xF85;
	v3 =	vsel vm1, $0x23E, v3;
	v2 =	vsel vm4, $0x1C1, v2  }
0x73: {  	v4 =	vsel vm1, $0x13F, v4;
	v27 =	vand.u32 $0xFF, v5;
	v5 =	vunpack.c.0.s8.s32 v34  }
0x74: {  	v3 =	vsel vm2, $0x2BF, v3;
	v2 =	vsel vm5, $0x202, v2;
	v4 =	vsel vm2, $0x140, v4  }
0x75: {  	v3 =	vsel vm3, $0x300, v3;
	v2 =	vsel vm7, $0x243, v2;
	v4 =	vsel vm3, $0x181, v4  }
0x76: {  	[tilespmem:$0x1F900] =	vst v38;
	v38 =	vand.u32 $0xFF, v5;
	v3 =	vsel vm4, $0x381, v3;
	v2 =	vsel vm10, $0x284, v2  }
0x77: {  	v4 =	vsel vm4, $0x1C2, v4;
	v3 =	vsel vm5, $0x402, v3;
	v2 =	vsel vm11, $0x2C5, v2  }
0x78: {  	v4 =	vsel vm5, $0x203, v4;
	v3 =	vsel vm7, $0x483, v3;
	v2 =	vsel vm12, $0x306, v2  }
0x79: {  	v4 =	vsel vm7, $0x244, v4;
	v3 =	vsel vm10, $0x504, v3;
	v2 =	vsel vm13, $0x347, v2  }
0x7a: {  	v19 =	vsel vm10, $0x285, v4;
	v4 =	vsel vm6, $0x3B, v20;
	v3 =	vsel vm11, $0x585, v3  }
0x7b: {  	[tilespmem:$0x1F8A0] =	vst v17;
	v17 =	vsel vm14, $0x388, v2;
	v24 =	vsel vm8, $0xBC, v4;
	v4 =	vsel vm6, $0x3C, v28  }
0x7c: {  	v3 =	vsel vm12, $0x606, v3;
	v26 =	vsel vm9, $0x13D, v24;
	v4 =	vsel vm8, $0xBD, v4  }
0x7d: {  	[tilespmem:$0x1F9A0] =	vst v17;
	v17 =	vimm.s32 $0xFC5;
	v24 =	vimm.s32 $0xF87;
	v18 =	vsel vm13, $0x687, v3  }
0x7e: {  	v3 =	vsel vm11, $0x2C6, v19;
	v2 =	vsel vm0, $0x1BE, v26;
	v4 =	vsel vm9, $0x13E, v4  }
0x7f: {  	[tilespmem:$0x1F8B0] =	vst v22;
	v3 =	vsel vm12, $0x307, v3;
	v22 =	vsel vm14, $0x708, v18;
	v2 =	vsel vm1, $0x23F, v2  }
0x80: {  	[tilespmem:$0x1F8C0] =	vst v23;
	v4 =	vsel vm0, $0x1BF, v4;
	v23 =	vsel vm13, $0x348, v3;
	v3 =	vnsel vm15, $0x3CB, v27  }
0x81: {  	[tilespmem:$0x1F9B0] =	vst v22;
	v2 =	vsel vm2, $0x280, v2;
	v4 =	vsel vm1, $0x200, v4;
	v22 =	vimm.s32 $0xF86  }
0x82: {  	v25 =	vsel vm14, $0x389, v23;
	v3 =	vsel vm1, $0x100, v3;
	v2 =	vsel vm3, $0x301, v2  }
0x83: {  	v4 =	vsel vm2, $0x281, v4;
	v23 =	vimm.s32 $0xFC6;
	v3 =	vsel vm2, $0x141, v3  }
0x84: {  	v2 =	vsel vm4, $0x382, v2;
	v4 =	vsel vm3, $0x302, v4;
	v3 =	vsel vm3, $0x182, v3  }
0x85: {  	v2 =	vsel vm5, $0x403, v2;
	v4 =	vsel vm4, $0x383, v4;
	v3 =	vsel vm4, $0x1C3, v3  }
0x86: {  	v2 =	vsel vm7, $0x484, v2;
	v4 =	vsel vm5, $0x404, v4;
	v3 =	vsel vm5, $0x204, v3  }
0x87: {  	v2 =	vsel vm10, $0x505, v2;
	v4 =	vsel vm7, $0x485, v4;
	v3 =	vsel vm7, $0x245, v3  }
0x88: {  	v2 =	vsel vm11, $0x586, v2;
	v31 =	vsel vm10, $0x506, v4;
	v4 =	vsel vm6, $0x3D, v33  }
0x89: {  	v3 =	vsel vm10, $0x286, v3;
	v2 =	vsel vm12, $0x607, v2;
	v4 =	vsel vm8, $0xBE, v4  }
0x8a: {  	v3 =	vsel vm11, $0x2C7, v3;
	v2 =	vsel vm13, $0x688, v2;
	v4 =	vsel vm9, $0x13F, v4  }
0x8b: {  	v3 =	vsel vm12, $0x308, v3;
	v29 =	vsel vm14, $0x709, v2;
	v2 =	vsel vm11, $0x587, v31  }
0x8c: {  	[tilespmem:$0x1F8F0] =	vst v37;
	v37 =	vsel vm0, $0x180, v4;
	v4 =	vnsel vm15, $0x3CD, v38;
	v31 =	vimm.s32 $0xFC8  }
0x8d: {  	v38 =	vimm.s32 $0xF8A;
	v3 =	vsel vm13, $0x349, v3;
	v2 =	vsel vm12, $0x608, v2  }
0x8e: {  	v4 =	vsel vm1, $0x102, v4;
	v30 =	vsel vm14, $0x38A, v3;
	v3 =	vunpack.c.0.s8.s32 v32  }
0x8f: {  	[tilespmem:$0x1F9D0] =	vst v29;
	v29 =	vimm.s32 $0xFC7;
	v2 =	vsel vm13, $0x689, v2;
	v4 =	vsel vm2, $0x143, v4  }
0x90: {  	v35 =	vsel vm14, $0x70A, v2;
	v4 =	vsel vm3, $0x184, v4;
	v3 =	vand.u32 $0xFF, v3  }
0x91: {  	[tilespmem:$0x1F9E0] =	vst v30;
	v30 =	vimm.s32 $0xF88;
	v4 =	vsel vm4, $0x1C5, v4;
	v36 =	vnsel vm15, $0x3CC, v3  }
0x92: {  	v3 =	vsel vm1, $0x201, v37;
	v4 =	vsel vm5, $0x206, v4;
	v37 =	vimm.s32 $0xFC9  }
0x93: {  	v2 =	vsel vm1, $0x101, v36;
	v3 =	vsel vm2, $0x282, v3;
	v4 =	vsel vm7, $0x247, v4  }
0x94: {  	v36 =	vimm.s32 $0xF89;
	v2 =	vsel vm2, $0x142, v2;
	v3 =	vsel vm3, $0x303, v3  }
0x95: {  	v4 =	vsel vm10, $0x288, v4;
	v2 =	vsel vm3, $0x183, v2;
	v3 =	vsel vm4, $0x384, v3  }
0x96: {  	v4 =	vsel vm11, $0x2C9, v4;
	v2 =	vsel vm4, $0x1C4, v2;
	v3 =	vsel vm5, $0x405, v3  }
0x97: {  	v41 =	vsel vm12, $0x30A, v4;
	v4 =	vunpack.c.0.s8.s32 v43;
	v2 =	vsel vm5, $0x205, v2  }
0x98: {  	v43 =	vimm.s32 $0xFCA;
	v3 =	vsel vm7, $0x486, v3;
	v2 =	vsel vm7, $0x246, v2  }
0x99: {  	v3 =	vsel vm10, $0x507, v3;
	v4 =	vand.u32 $0xFF, v4;
	v2 =	vsel vm10, $0x287, v2  }
0x9a: {  	v3 =	vsel vm11, $0x588, v3;
	v4 =	vnsel vm15, $0x3CE, v4;
	v2 =	vsel vm11, $0x2C8, v2  }
0x9b: {  	v3 =	vsel vm12, $0x609, v3;
	v4 =	vsel vm1, $0x103, v4;
	v2 =	vsel vm12, $0x309, v2  }
0x9c: {  	v3 =	vsel vm13, $0x68A, v3;
	v4 =	vsel vm2, $0x144, v4;
	v2 =	vsel vm13, $0x34A, v2  }
0x9d: {  	v40 =	vsel vm14, $0x70B, v3;
	v3 =	vsel vm6, $0x3E, v42;
	v4 =	vsel vm3, $0x185, v4  }
0x9e: {  	v39 =	vsel vm14, $0x38B, v2;
	v2 =	vsel vm13, $0x34B, v41;
	v46 =	vsel vm8, $0xBF, v3  }
0x9f: {  	v3 =	vsel vm8, $0x80, v47;
	v4 =	vsel vm4, $0x1C6, v4;
	v45 =	vsel vm14, $0x38C, v2  }
0xa0: {  	v2 =	vsel vm9, $0x100, v46;
	v3 =	vsel vm9, $0x101, v3;
	v4 =	vsel vm5, $0x207, v4  }
0xa1: {  	v2 =	vsel vm0, $0x181, v2;
	v3 =	vsel vm0, $0x182, v3;
	v4 =	vsel vm7, $0x248, v4  }
0xa2: {  	[tilespmem:$0x1FA20] =	vst v45;
	v45 =	vimm.s32 $0xFCB;
	v2 =	vsel vm1, $0x202, v2;
	v3 =	vsel vm1, $0x203, v3  }
0xa3: {  	v4 =	vsel vm10, $0x289, v4;
	v2 =	vsel vm2, $0x283, v2;
	v3 =	vsel vm2, $0x284, v3  }
0xa4: {  	v4 =	vsel vm11, $0x2CA, v4;
	v2 =	vsel vm3, $0x304, v2;
	v3 =	vsel vm3, $0x305, v3  }
0xa5: {  	v4 =	vsel vm12, $0x30B, v4;
	v2 =	vsel vm4, $0x385, v2;
	v3 =	vsel vm4, $0x386, v3  }
0xa6: {  	v4 =	vsel vm13, $0x34C, v4;
	v2 =	vsel vm5, $0x406, v2;
	v3 =	vsel vm5, $0x407, v3  }
0xa7: {  	[tilespmem:$0x1F930] =	vst v49;
	v49 =	vsel vm14, $0x38D, v4;
	v4 =	vsel vm6, $0x832, v54;
	v2 =	vsel vm7, $0x487, v2  }
0xa8: {  	v3 =	vsel vm7, $0x488, v3;
	v4 =	vsel vm8, $0x8B3, v4;
	v2 =	vsel vm10, $0x508, v2  }
0xa9: {  	v3 =	vsel vm10, $0x509, v3;
	v4 =	vsel vm9, $0x934, v4;
	v2 =	vsel vm11, $0x589, v2  }
0xaa: {  	v3 =	vsel vm11, $0x58A, v3;
	v4 =	vsel vm0, $0x9B5, v4;
	v2 =	vsel vm12, $0x60A, v2  }
0xab: {  	v3 =	vsel vm12, $0x60B, v3;
	v4 =	vsel vm1, $0xA36, v4;
	v2 =	vsel vm13, $0x68B, v2  }
0xac: {  	v50 =	vsel vm13, $0x68C, v3;
	v3 =	vsel vm6, $0x871, v53;
	v4 =	vsel vm2, $0xAB7, v4  }
0xad: {  	v48 =	vsel vm14, $0x70C, v2;
	v51 =	vsel vm14, $0x70D, v50;
	v2 =	vsel vm6, $0x831, v52  }
0xae: {  	v3 =	vsel vm8, $0x8F2, v3;
	v4 =	vsel vm3, $0xB38, v4;
	v50 =	vimm.s32 $0xF8C  }
0xaf: {  	v52 =	vimm.s32 $0xF8D;
	v2 =	vsel vm8, $0x8B2, v2;
	v3 =	vsel vm9, $0x973, v3  }
0xb0: {  	[tilespmem:$0x1FA50] =	vst v51;
	v4 =	vsel vm4, $0xBB9, v4;
	v51 =	vimm.s32 $0xFCC;
	v2 =	vsel vm9, $0x933, v2  }
0xb1: {  	v3 =	vsel vm0, $0x9F4, v3;
	v4 =	vsel vm5, $0xC3A, v4;
	v2 =	vsel vm0, $0x9B4, v2  }
0xb2: {  	v3 =	vsel vm1, $0xA75, v3;
	v4 =	vsel vm7, $0xCBB, v4;
	v2 =	vsel vm1, $0xA35, v2  }
0xb3: {  	v3 =	vsel vm2, $0xAF6, v3;
	v4 =	vsel vm10, $0xD3C, v4;
	v2 =	vsel vm2, $0xAB6, v2  }
0xb4: {  	v3 =	vsel vm3, $0xB77, v3;
	v4 =	vsel vm11, $0xDBD, v4;
	v2 =	vsel vm3, $0xB37, v2  }
0xb5: {  	v3 =	vsel vm4, $0xBF8, v3;
	v4 =	vsel vm12, $0xE3E, v4;
	v2 =	vsel vm4, $0xBB8, v2  }
0xb6: {  	v3 =	vsel vm5, $0xC79, v3;
	v58 =	vsel vm13, $0xEBF, v4;
	v4 =	vsel vm6, $0x873, v62  }
0xb7: {  	[tilespmem:$0x1F950] =	vst v59;
	v2 =	vsel vm5, $0xC39, v2;
	v3 =	vsel vm7, $0xCFA, v3;
	v59 =	vsel vm14, $0xF00, v58  }
0xb8: {  	v4 =	vsel vm8, $0x8F4, v4;
	v58 =	vimm.s32 $0xFCD;
	v2 =	vsel vm7, $0xCBA, v2  }
0xb9: {  	v3 =	vsel vm10, $0xD7B, v3;
	[tilespmem:$0x1FA80] =	vst v59;
	v4 =	vsel vm9, $0x975, v4;
	v59 =	vimm.s32 $0xF8E  }
0xba: {  	v2 =	vsel vm10, $0xD3B, v2;
	v3 =	vsel vm11, $0xDFC, v3;
	v4 =	vsel vm0, $0x9F6, v4  }
0xbb: {  	v2 =	vsel vm11, $0xDBC, v2;
	v3 =	vsel vm12, $0xE7D, v3;
	v4 =	vsel vm1, $0xA77, v4  }
0xbc: {  	v2 =	vsel vm12, $0xE3D, v2;
	v3 =	vsel vm13, $0xEFE, v3;
	v4 =	vsel vm2, $0xAF8, v4  }
0xbd: {  	v2 =	vsel vm13, $0xEBE, v2;
	v56 =	vsel vm14, $0xF7F, v3;
	v3 =	vsel vm6, $0x833, v61  }
0xbe: {  	v4 =	vsel vm3, $0xB79, v4;
	v55 =	vsel vm14, $0xF3F, v2;
	v2 =	vsel vm6, $0x872, v60  }
0xbf: {  	v3 =	vsel vm8, $0x8B4, v3;
	v4 =	vsel vm4, $0xBFA, v4;
	v60 =	vimm.s32 $0xFCE  }
0xc0: {  	v2 =	vsel vm8, $0x8F3, v2;
	v3 =	vsel vm9, $0x935, v3;
	v4 =	vsel vm5, $0xC7B, v4  }
0xc1: {  	v2 =	vsel vm9, $0x974, v2;
	v3 =	vsel vm0, $0x9B6, v3;
	v4 =	vsel vm7, $0xCFC, v4  }
0xc2: {  	v2 =	vsel vm0, $0x9F5, v2;
	v3 =	vsel vm1, $0xA37, v3;
	v4 =	vsel vm10, $0xD7D, v4  }
0xc3: {  	v2 =	vsel vm1, $0xA76, v2;
	v3 =	vsel vm2, $0xAB8, v3;
	v4 =	vsel vm11, $0xDFE, v4  }
0xc4: {  	v2 =	vsel vm2, $0xAF7, v2;
	v3 =	vsel vm3, $0xB39, v3;
	v4 =	vsel vm12, $0xE7F, v4  }
0xc5: {  	v2 =	vsel vm3, $0xB78, v2;
	v3 =	vsel vm4, $0xBBA, v3;
	v6 =	vsel vm13, $0xEC0, v4  }
0xc6: {  	v4 =	vsel vm6, $0x835, v10;
	v10 =	vadd.s32 $0x3, v0;
	v2 =	vsel vm4, $0xBF9, v2  }
0xc7: {  	v3 =	vsel vm5, $0xC3B, v3;
	v7 =	vsel vm14, $0xF41, v6;
	v4 =	vsel vm8, $0x8B6, v4  }
0xc8: {  	v6 =	vadd.s32 $0x41, v57;
	v2 =	vsel vm5, $0xC7A, v2;
	v3 =	vsel vm7, $0xCBC, v3  }
0xc9: {  	[tilespmem:$0x1FAB0] =	vst v7;
	v4 =	vsel vm9, $0x937, v4;
	v7 =	vadd.s32 $0x2, v0;
	v2 =	vsel vm7, $0xCFB, v2  }
0xca: {  	v3 =	vsel vm10, $0xD3D, v3;
	v4 =	vsel vm0, $0x9B8, v4;
	v2 =	vsel vm10, $0xD7C, v2  }
0xcb: {  	v3 =	vsel vm11, $0xDBE, v3;
	v4 =	vsel vm1, $0xA39, v4;
	v2 =	vsel vm11, $0xDFD, v2  }
0xcc: {  	v3 =	vsel vm12, $0xE3F, v3;
	v4 =	vsel vm2, $0xABA, v4;
	v2 =	vsel vm12, $0xE7E, v2  }
0xcd: {  	v3 =	vsel vm13, $0xE80, v3;
	v4 =	vsel vm3, $0xB3B, v4;
	v2 =	vsel vm13, $0xEFF, v2  }
0xce: {  	v5 =	vsel vm14, $0xF01, v3;
	v3 =	vsel vm6, $0x874, v9;
	v4 =	vsel vm4, $0xBBC, v4  }
0xcf: {  	v9 =	vadd.s32 $0x42, v57;
	v63 =	vsel vm14, $0xF40, v2;
	v2 =	vsel vm6, $0x834, v8  }
0xd0: {  	[tilespmem:$0x1FAA0] =	vst v5;
	v3 =	vsel vm8, $0x8F5, v3;
	v4 =	vsel vm5, $0xC3D, v4;
	v5 =	vadd.s32 $0x1, v57  }
0xd1: {  	v8 =	vadd.s32 $0x2, v57;
	v2 =	vsel vm8, $0x8B5, v2;
	v3 =	vsel vm9, $0x976, v3  }
0xd2: {  	v4 =	vsel vm7, $0xCBE, v4;
	v2 =	vsel vm9, $0x936, v2;
	v3 =	vsel vm0, $0x9F7, v3  }
0xd3: {  	v4 =	vsel vm10, $0xD3F, v4;
	v2 =	vsel vm0, $0x9B7, v2;
	v3 =	vsel vm1, $0xA78, v3  }
0xd4: {  	v4 =	vsel vm11, $0xD80, v4;
	v2 =	vsel vm1, $0xA38, v2;
	v3 =	vsel vm2, $0xAF9, v3  }
0xd5: {  	v4 =	vsel vm12, $0xE01, v4;
	v2 =	vsel vm2, $0xAB9, v2;
	v3 =	vsel vm3, $0xB7A, v3  }
0xd6: {  	v13 =	vsel vm13, $0xE82, v4;
	v4 =	vsel vm6, $0x876, v17;
	v17 =	vadd.s32 $0x5, v57  }
0xd7: {  	[tilespmem:$0x1F990] =	vst v14;
	v2 =	vsel vm3, $0xB3A, v2;
	v3 =	vsel vm4, $0xBFB, v3;
	v14 =	vsel vm14, $0xF03, v13  }
0xd8: {  	v4 =	vsel vm8, $0x8F7, v4;
	v13 =	vadd.s32 $0x4, v0;
	v2 =	vsel vm4, $0xBBB, v2  }
0xd9: {  	v3 =	vsel vm5, $0xC7C, v3;
	[tilespmem:$0x1FAE0] =	vst v14;
	v4 =	vsel vm9, $0x978, v4;
	v14 =	vadd.s32 $0x4, v57  }
0xda: {  	v2 =	vsel vm5, $0xC3C, v2;
	v3 =	vsel vm7, $0xCFD, v3;
	v4 =	vsel vm0, $0x9F9, v4  }
0xdb: {  	v2 =	vsel vm7, $0xCBD, v2;
	v3 =	vsel vm10, $0xD7E, v3;
	v4 =	vsel vm1, $0xA7A, v4  }
0xdc: {  	v2 =	vsel vm10, $0xD3E, v2;
	v3 =	vsel vm11, $0xDFF, v3;
	v4 =	vsel vm2, $0xAFB, v4  }
0xdd: {  	v2 =	vsel vm11, $0xDBF, v2;
	v3 =	vsel vm12, $0xE40, v3;
	v4 =	vsel vm3, $0xB7C, v4  }
0xde: {  	v2 =	vsel vm12, $0xE00, v2;
	v3 =	vsel vm13, $0xEC1, v3;
	v4 =	vsel vm4, $0xBFD, v4  }
0xdf: {  	v2 =	vsel vm13, $0xE81, v2;
	v12 =	vsel vm14, $0xF42, v3;
	v3 =	vsel vm6, $0x836, v16  }
0xe0: {  	v4 =	vsel vm5, $0xC7E, v4;
	v16 =	vadd.s32 $0x5, v0;
	v11 =	vsel vm14, $0xF02, v2  }
0xe1: {  	v2 =	vsel vm6, $0x875, v15;
	v3 =	vsel vm8, $0x8B7, v3;
	v4 =	vsel vm7, $0xCFF, v4  }
0xe2: {  	[tilespmem:$0x1FAD0] =	vst v12;
	v12 =	vadd.s32 $0x43, v57;
	v15 =	vadd.s32 $0x44, v57;
	v2 =	vsel vm8, $0x8F6, v2  }
0xe3: {  	[tilespmem:$0x1FAC0] =	vst v11;
	v3 =	vsel vm9, $0x938, v3;
	v4 =	vsel vm10, $0xD40, v4;
	v11 =	vadd.s32 $0x3, v57  }
0xe4: {  	v2 =	vsel vm9, $0x977, v2;
	v3 =	vsel vm0, $0x9B9, v3;
	v4 =	vsel vm11, $0xDC1, v4  }
0xe5: {  	v2 =	vsel vm0, $0x9F8, v2;
	v3 =	vsel vm1, $0xA3A, v3;
	v4 =	vsel vm12, $0xE42, v4  }
0xe6: {  	v2 =	vsel vm1, $0xA79, v2;
	v3 =	vsel vm2, $0xABB, v3;
	v20 =	vsel vm13, $0xEC3, v4  }
0xe7: {  	v4 =	vsel vm6, $0x838, v24;
	v24 =	vadd.s32 $0x47, v57;
	v2 =	vsel vm2, $0xAFA, v2  }
0xe8: {  	v3 =	vsel vm3, $0xB3C, v3;
	v21 =	vsel vm14, $0xF44, v20;
	v4 =	vsel vm8, $0x8B9, v4  }
0xe9: {  	v20 =	vadd.s32 $0x6, v57;
	v2 =	vsel vm3, $0xB7B, v2;
	v3 =	vsel vm4, $0xBBD, v3  }
0xea: {  	[tilespmem:$0x1FB10] =	vst v21;
	v4 =	vsel vm9, $0x93A, v4;
	v21 =	vadd.s32 $0x46, v57;
	v2 =	vsel vm4, $0xBFC, v2  }
0xeb: {  	v3 =	vsel vm5, $0xC3E, v3;
	v4 =	vsel vm0, $0x9BB, v4;
	v2 =	vsel vm5, $0xC7D, v2  }
0xec: {  	v3 =	vsel vm7, $0xCBF, v3;
	v4 =	vsel vm1, $0xA3C, v4;
	v2 =	vsel vm7, $0xCFE, v2  }
0xed: {  	v3 =	vsel vm10, $0xD00, v3;
	v4 =	vsel vm2, $0xABD, v4;
	v2 =	vsel vm10, $0xD7F, v2  }
0xee: {  	v3 =	vsel vm11, $0xD81, v3;
	v4 =	vsel vm3, $0xB3E, v4;
	v2 =	vsel vm11, $0xDC0, v2  }
0xef: {  	v3 =	vsel vm12, $0xE02, v3;
	v4 =	vsel vm4, $0xBBF, v4;
	v2 =	vsel vm12, $0xE41, v2  }
0xf0: {  	v3 =	vsel vm13, $0xE83, v3;
	v4 =	vsel vm5, $0xC00, v4;
	v2 =	vsel vm13, $0xEC2, v2  }
0xf1: {  	v19 =	vsel vm14, $0xF04, v3;
	v3 =	vsel vm6, $0x877, v23;
	v4 =	vsel vm7, $0xC81, v4  }
0xf2: {  	v23 =	vadd.s32 $0x7, v57;
	v18 =	vsel vm14, $0xF43, v2;
	v2 =	vsel vm6, $0x837, v22  }
0xf3: {  	[tilespmem:$0x1FB00] =	vst v19;
	v3 =	vsel vm8, $0x8F8, v3;
	v4 =	vsel vm10, $0xD02, v4;
	v19 =	vadd.s32 $0x6, v0  }
0xf4: {  	v22 =	vadd.s32 $0x7, v0;
	v2 =	vsel vm8, $0x8B8, v2;
	v3 =	vsel vm9, $0x979, v3  }
0xf5: {  	[tilespmem:$0x1FAF0] =	vst v18;
	v4 =	vsel vm11, $0xD83, v4;
	v18 =	vadd.s32 $0x45, v57;
	v2 =	vsel vm9, $0x939, v2  }
0xf6: {  	v3 =	vsel vm0, $0x9FA, v3;
	v4 =	vsel vm12, $0xE04, v4;
	v2 =	vsel vm0, $0x9BA, v2  }
0xf7: {  	v3 =	vsel vm1, $0xA7B, v3;
	v27 =	vsel vm13, $0xE85, v4;
	v4 =	vsel vm6, $0x879, v31  }
0xf8: {  	v31 =	vadd.s32 $0xA, v0;
	v2 =	vsel vm1, $0xA3B, v2;
	v3 =	vsel vm2, $0xAFC, v3  }
0xf9: {  	v28 =	vsel vm14, $0xF06, v27;
	v4 =	vsel vm8, $0x8FA, v4;
	v27 =	vadd.s32 $0x48, v57  }
0xfa: {  	v2 =	vsel vm2, $0xABC, v2;
	v3 =	vsel vm3, $0xB7D, v3;
	v4 =	vsel vm9, $0x97B, v4  }
0xfb: {  	[tilespmem:$0x1FB40] =	vst v28;
	v28 =	vadd.s32 $0x9, v0;
	v2 =	vsel vm3, $0xB3D, v2;
	v3 =	vsel vm4, $0xBFE, v3  }
0xfc: {  	v4 =	vsel vm0, $0x9FC, v4;
	v2 =	vsel vm4, $0xBBE, v2;
	v3 =	vsel vm5, $0xC7F, v3  }
0xfd: {  	v4 =	vsel vm1, $0xA7D, v4;
	v2 =	vsel vm5, $0xC3F, v2;
	v3 =	vsel vm7, $0xCC0, v3  }
0xfe: {  	v4 =	vsel vm2, $0xAFE, v4;
	v2 =	vsel vm7, $0xC80, v2;
	v3 =	vsel vm10, $0xD41, v3  }
0xff: {  	v4 =	vsel vm3, $0xB7F, v4;
	v2 =	vsel vm10, $0xD01, v2;
	v3 =	vsel vm11, $0xDC2, v3  }
0x100: {  	v4 =	vsel vm4, $0xBC0, v4;
	v2 =	vsel vm11, $0xD82, v2;
	v3 =	vsel vm12, $0xE43, v3  }
0x101: {  	v4 =	vsel vm5, $0xC41, v4;
	v2 =	vsel vm12, $0xE03, v2;
	v3 =	vsel vm13, $0xEC4, v3  }
0x102: {  	v4 =	vsel vm7, $0xCC2, v4;
	v2 =	vsel vm13, $0xE84, v2;
	v26 =	vsel vm14, $0xF45, v3  }
0x103: {  	v3 =	vsel vm6, $0x839, v30;
	v4 =	vsel vm10, $0xD43, v4;
	v30 =	vadd.s32 $0x49, v57  }
0x104: {  	[tilespmem:$0x1F9C0] =	vst v25;
	v25 =	vsel vm14, $0xF05, v2;
	v2 =	vsel vm6, $0x878, v29;
	v3 =	vsel vm8, $0x8BA, v3  }
0x105: {  	[tilespmem:$0x1FB30] =	vst v26;
	v4 =	vsel vm11, $0xDC4, v4;
	v26 =	vadd.s32 $0x8, v57;
	v29 =	vadd.s32 $0x9, v57  }
0x106: {  	v2 =	vsel vm8, $0x8F9, v2;
	v3 =	vsel vm9, $0x93B, v3;
	v4 =	vsel vm12, $0xE45, v4  }
0x107: {  	[tilespmem:$0x1FB20] =	vst v25;
	v25 =	vadd.s32 $0x8, v0;
	v2 =	vsel vm9, $0x97A, v2;
	v3 =	vsel vm0, $0x9BC, v3  }
0x108: {  	v34 =	vsel vm13, $0xEC6, v4;
	v4 =	vsel vm6, $0x83B, v38;
	v38 =	vadd.s32 $0xC, v57  }
0x109: {  	[tilespmem:$0x1F9F0] =	vst v35;
	v2 =	vsel vm0, $0x9FB, v2;
	v3 =	vsel vm1, $0xA3D, v3;
	v35 =	vsel vm14, $0xF47, v34  }
0x10a: {  	v4 =	vsel vm8, $0x8BC, v4;
	v34 =	vadd.s32 $0xB, v0;
	v2 =	vsel vm1, $0xA7C, v2  }
0x10b: {  	v3 =	vsel vm2, $0xABE, v3;
	[tilespmem:$0x1FB70] =	vst v35;
	v4 =	vsel vm9, $0x93D, v4;
	v35 =	vadd.s32 $0xB, v57  }
0x10c: {  	[tilespmem:$0x1FA10] =	vst v40;
	v2 =	vsel vm2, $0xAFD, v2;
	v3 =	vsel vm3, $0xB3F, v3;
	v4 =	vsel vm0, $0x9BE, v4  }
0x10d: {  	[tilespmem:$0x1FA00] =	vst v39;
	v2 =	vsel vm3, $0xB7E, v2;
	v3 =	vsel vm4, $0xB80, v3;
	v4 =	vsel vm1, $0xA3F, v4  }
0x10e: {  	[tilespmem:$0x1FA40] =	vst v49;
	v2 =	vsel vm4, $0xBFF, v2;
	v3 =	vsel vm5, $0xC01, v3;
	v4 =	vsel vm2, $0xA80, v4  }
0x10f: {  	[tilespmem:$0x1FA30] =	vst v48;
	v2 =	vsel vm5, $0xC40, v2;
	v3 =	vsel vm7, $0xC82, v3;
	v4 =	vsel vm3, $0xB01, v4  }
0x110: {  	[tilespmem:$0x1FA70] =	vst v56;
	v2 =	vsel vm7, $0xCC1, v2;
	v3 =	vsel vm10, $0xD03, v3;
	v4 =	vsel vm4, $0xB82, v4  }
0x111: {  	[tilespmem:$0x1FA60] =	vst v55;
	v2 =	vsel vm10, $0xD42, v2;
	v3 =	vsel vm11, $0xD84, v3;
	v4 =	vsel vm5, $0xC03, v4  }
0x112: {  	[tilespmem:$0x1FC90] =	vst v10;
	v2 =	vsel vm11, $0xDC3, v2;
	v3 =	vsel vm12, $0xE05, v3;
	v4 =	vsel vm7, $0xC84, v4  }
0x113: {  	[tilespmem:$0x1FC50] =	vst v6;
	v2 =	vsel vm12, $0xE44, v2;
	v3 =	vsel vm13, $0xE86, v3;
	v4 =	vsel vm10, $0xD05, v4  }
0x114: {  	[tilespmem:$0x1FC60] =	vst v7;
	v2 =	vsel vm13, $0xEC5, v2;
	v33 =	vsel vm14, $0xF07, v3;
	v3 =	vsel vm6, $0x87A, v37  }
0x115: {  	[tilespmem:$0x1FC80] =	vst v9;
	v4 =	vsel vm11, $0xD86, v4;
	v37 =	vadd.s32 $0xC, v0;
	v32 =	vsel vm14, $0xF46, v2  }
0x116: {  	[tilespmem:$0x1FA90] =	vst v63;
	v2 =	vsel vm6, $0x83A, v36;
	v3 =	vsel vm8, $0x8FB, v3;
	v4 =	vsel vm12, $0xE07, v4  }
0x117: {  	[tilespmem:$0x1FB60] =	vst v33;
	v33 =	vadd.s32 $0x4A, v57;
	v36 =	vadd.s32 $0x4B, v57;
	v2 =	vsel vm8, $0x8BB, v2  }
0x118: {  	[tilespmem:$0x1FC40] =	vst v5;
	v3 =	vsel vm9, $0x97C, v3;
	v41 =	vsel vm13, $0xE88, v4;
	v4 =	vsel vm6, $0x87C, v45  }
0x119: {  	[tilespmem:$0x1FB50] =	vst v32;
	v32 =	vadd.s32 $0xA, v57;
	v45 =	vadd.s32 $0x4E, v57;
	v2 =	vsel vm9, $0x93C, v2  }
0x11a: {  	[tilespmem:$0x1FC70] =	vst v8;
	v3 =	vsel vm0, $0x9FD, v3;
	v42 =	vsel vm14, $0xF09, v41;
	v4 =	vsel vm8, $0x8FD, v4  }
0x11b: {  	[tilespmem:$0x1FD00] =	vst v17;
	v41 =	vadd.s32 $0xD, v57;
	v2 =	vsel vm0, $0x9BD, v2;
	v3 =	vsel vm1, $0xA7E, v3  }
0x11c: {  	[tilespmem:$0x1FBA0] =	vst v42;
	v4 =	vsel vm9, $0x97E, v4;
	v42 =	vadd.s32 $0x4D, v57;
	v2 =	vsel vm1, $0xA3E, v2  }
0x11d: {  	[tilespmem:$0x1FCC0] =	vst v13;
	v3 =	vsel vm2, $0xAFF, v3;
	v4 =	vsel vm0, $0x9FF, v4;
	v2 =	vsel vm2, $0xABF, v2  }
0x11e: {  	[tilespmem:$0x1FCD0] =	vst v14;
	v3 =	vsel vm3, $0xB40, v3;
	v4 =	vsel vm1, $0xA40, v4;
	v2 =	vsel vm3, $0xB00, v2  }
0x11f: {  	[tilespmem:$0x1FCF0] =	vst v16;
	v3 =	vsel vm4, $0xBC1, v3;
	v4 =	vsel vm2, $0xAC1, v4;
	v2 =	vsel vm4, $0xB81, v2  }
0x120: {  	[tilespmem:$0x1FCB0] =	vst v12;
	v3 =	vsel vm5, $0xC42, v3;
	v4 =	vsel vm3, $0xB42, v4;
	v2 =	vsel vm5, $0xC02, v2  }
0x121: {  	[tilespmem:$0x1FCE0] =	vst v15;
	v3 =	vsel vm7, $0xCC3, v3;
	v4 =	vsel vm4, $0xBC3, v4;
	v2 =	vsel vm7, $0xC83, v2  }
0x122: {  	[tilespmem:$0x1FCA0] =	vst v11;
	v3 =	vsel vm10, $0xD44, v3;
	v4 =	vsel vm5, $0xC44, v4;
	v2 =	vsel vm10, $0xD04, v2  }
0x123: {  	[tilespmem:$0x1FD70] =	vst v24;
	v3 =	vsel vm11, $0xDC5, v3;
	v4 =	vsel vm7, $0xCC5, v4;
	v2 =	vsel vm11, $0xD85, v2  }
0x124: {  	[tilespmem:$0x1FD30] =	vst v20;
	v3 =	vsel vm12, $0xE46, v3;
	v4 =	vsel vm10, $0xD46, v4;
	v2 =	vsel vm12, $0xE06, v2  }
0x125: {  	[tilespmem:$0x1FD40] =	vst v21;
	v3 =	vsel vm13, $0xEC7, v3;
	v4 =	vsel vm11, $0xDC7, v4;
	v2 =	vsel vm13, $0xE87, v2  }
0x126: {  	[tilespmem:$0x1FD60] =	vst v23;
	v40 =	vsel vm14, $0xF48, v3;
	v3 =	vsel vm6, $0x83C, v44;
	v4 =	vsel vm12, $0xE48, v4  }
0x127: {  	[tilespmem:$0x1FD20] =	vst v19;
	v44 =	vadd.s32 $0xE, v57;
	v39 =	vsel vm14, $0xF08, v2;
	v2 =	vsel vm6, $0x87B, v43  }
0x128: {  	[tilespmem:$0x1FD50] =	vst v22;
	v3 =	vsel vm8, $0x8BD, v3;
	v48 =	vsel vm13, $0xEC9, v4;
	v4 =	vsel vm6, $0x83E, v52  }
0x129: {  	[tilespmem:$0x1FB90] =	vst v40;
	v40 =	vadd.s32 $0xD, v0;
	v43 =	vadd.s32 $0xE, v0;
	v52 =	vadd.s32 $0x11, v0  }
0x12a: {  	[tilespmem:$0x1FD10] =	vst v18;
	v2 =	vsel vm8, $0x8FC, v2;
	v3 =	vsel vm9, $0x93E, v3;
	v49 =	vsel vm14, $0xF4A, v48  }
0x12b: {  	[tilespmem:$0x1FB80] =	vst v39;
	v4 =	vsel vm8, $0x8BF, v4;
	v39 =	vadd.s32 $0x4C, v57;
	v48 =	vadd.s32 $0x4F, v57  }
0x12c: {  	[tilespmem:$0x1FDE0] =	vst v31;
	v2 =	vsel vm9, $0x97D, v2;
	v3 =	vsel vm0, $0x9BF, v3;
	v4 =	vsel vm9, $0x900, v4  }
0x12d: {  	[tilespmem:$0x1FBD0] =	vst v49;
	v49 =	vadd.s32 $0x10, v0;
	v2 =	vsel vm0, $0x9FE, v2;
	v3 =	vsel vm1, $0xA00, v3  }
0x12e: {  	[tilespmem:$0x1FDA0] =	vst v27;
	v4 =	vsel vm0, $0x981, v4;
	v2 =	vsel vm1, $0xA7F, v2;
	v3 =	vsel vm2, $0xA81, v3  }
0x12f: {  	[tilespmem:$0x1FDB0] =	vst v28;
	v4 =	vsel vm1, $0xA02, v4;
	v2 =	vsel vm2, $0xAC0, v2;
	v3 =	vsel vm3, $0xB02, v3  }
0x130: {  	[tilespmem:$0x1FDD0] =	vst v30;
	v4 =	vsel vm2, $0xA83, v4;
	v2 =	vsel vm3, $0xB41, v2;
	v3 =	vsel vm4, $0xB83, v3  }
0x131: {  	[tilespmem:$0x1FD90] =	vst v26;
	v4 =	vsel vm3, $0xB04, v4;
	v2 =	vsel vm4, $0xBC2, v2;
	v3 =	vsel vm5, $0xC04, v3  }
0x132: {  	[tilespmem:$0x1FDC0] =	vst v29;
	v4 =	vsel vm4, $0xB85, v4;
	v2 =	vsel vm5, $0xC43, v2;
	v3 =	vsel vm7, $0xC85, v3  }
0x133: {  	[tilespmem:$0x1FD80] =	vst v25;
	v4 =	vsel vm5, $0xC06, v4;
	v2 =	vsel vm7, $0xCC4, v2;
	v3 =	vsel vm10, $0xD06, v3  }
0x134: {  	[tilespmem:$0x1FE50] =	vst v38;
	v4 =	vsel vm7, $0xC87, v4;
	v2 =	vsel vm10, $0xD45, v2;
	v3 =	vsel vm11, $0xD87, v3  }
0x135: {  	[tilespmem:$0x1FE10] =	vst v34;
	v4 =	vsel vm10, $0xD08, v4;
	v2 =	vsel vm11, $0xDC6, v2;
	v3 =	vsel vm12, $0xE08, v3  }
0x136: {  	[tilespmem:$0x1FE20] =	vst v35;
	v4 =	vsel vm11, $0xD89, v4;
	v2 =	vsel vm12, $0xE47, v2;
	v3 =	vsel vm13, $0xE89, v3  }
0x137: {  	[tilespmem:$0x1FE40] =	vst v37;
	v4 =	vsel vm12, $0xE0A, v4;
	v2 =	vsel vm13, $0xEC8, v2;
	v47 =	vsel vm14, $0xF0A, v3  }
0x138: {  	[tilespmem:$0x1FE00] =	vst v33;
	v3 =	vsel vm6, $0x87D, v51;
	v55 =	vsel vm13, $0xE8B, v4;
	v4 =	vsel vm6, $0x87F, v60  }
0x139: {  	[tilespmem:$0x1FE30] =	vst v36;
	v51 =	vadd.s32 $0x50, v57;
	v60 =	vadd.s32 $0x13, v57;
	v46 =	vsel vm14, $0xF49, v2  }
0x13a: {  	[tilespmem:$0x1FDF0] =	vst v32;
	v2 =	vsel vm6, $0x83D, v50;
	v3 =	vsel vm8, $0x8FE, v3;
	v56 =	vsel vm14, $0xF0C, v55  }
0x13b: {  	[tilespmem:$0x1FEC0] =	vst v45;
	v4 =	vsel vm8, $0x8C0, v4;
	v2 =	vsel vm8, $0x8BE, v2;
	v3 =	vsel vm9, $0x97F, v3  }
0x13c: {  	[tilespmem:$0x1FBC0] =	vst v47;
	v47 =	vadd.s32 $0xF, v57;
	v2 =	vsel vm9, $0x93F, v2;
	v3 =	vsel vm0, $0x9C0, v3  }
0x13d: {  	[tilespmem:$0x1FE80] =	vst v41;
	v50 =	vadd.s32 $0x10, v57;
	v2 =	vsel vm0, $0x980, v2;
	v3 =	vsel vm1, $0xA41, v3  }
0x13e: {  	[tilespmem:$0x1FE90] =	vst v42;
	v55 =	vadd.s32 $0x12, v0;
	v2 =	vsel vm1, $0xA01, v2;
	v3 =	vsel vm2, $0xAC2, v3  }
0x13f: {  	[tilespmem:$0x1FEB0] =	vst v44;
	v4 =	vsel vm9, $0x941, v4;
	v2 =	vsel vm2, $0xA82, v2;
	v3 =	vsel vm3, $0xB43, v3  }
0x140: {  	[tilespmem:$0x1FBB0] =	vst v46;
	v46 =	vadd.s32 $0xF, v0;
	v2 =	vsel vm3, $0xB03, v2;
	v3 =	vsel vm4, $0xBC4, v3  }
0x141: {  	[tilespmem:$0x1FC00] =	vst v56;
	v56 =	vadd.s32 $0x12, v57;
	v2 =	vsel vm4, $0xB84, v2;
	v3 =	vsel vm5, $0xC45, v3  }
0x142: {  	[tilespmem:$0x1FE70] =	vst v40;
	v4 =	vsel vm0, $0x9C2, v4;
	v2 =	vsel vm5, $0xC05, v2;
	v3 =	vsel vm7, $0xCC6, v3  }
0x143: {  	[tilespmem:$0x1FEA0] =	vst v43;
	v4 =	vsel vm1, $0xA43, v4;
	v2 =	vsel vm7, $0xC86, v2;
	v3 =	vsel vm10, $0xD47, v3  }
0x144: {  	[tilespmem:$0x1FF30] =	vst v52;
	v4 =	vsel vm2, $0xAC4, v4;
	v2 =	vsel vm10, $0xD07, v2;
	v3 =	vsel vm11, $0xDC8, v3  }
0x145: {  	[tilespmem:$0x1FE60] =	vst v39;
	v4 =	vsel vm3, $0xB45, v4;
	v2 =	vsel vm11, $0xD88, v2;
	v3 =	vsel vm12, $0xE49, v3  }
0x146: {  	[tilespmem:$0x1FEF0] =	vst v48;
	v4 =	vsel vm4, $0xBC6, v4;
	v2 =	vsel vm12, $0xE09, v2;
	v3 =	vsel vm13, $0xECA, v3  }
0x147: {  	[tilespmem:$0x1FF00] =	vst v49;
	v2 =	vsel vm13, $0xE8A, v2;
	v54 =	vsel vm14, $0xF4B, v3;
	v3 =	vsel vm6, $0x83F, v59  }
0x148: {  	[tilespmem:$0x1FF20] =	vst v51;
	v53 =	vsel vm14, $0xF0B, v2;
	v2 =	vsel vm6, $0x87E, v58;
	v3 =	vsel vm8, $0x880, v3  }
0x149: {  	[tilespmem:$0x1FFA0] =	vst v60;
	v4 =	vsel vm5, $0xC47, v4;
	v2 =	vsel vm8, $0x8FF, v2;
	v3 =	vsel vm9, $0x901, v3  }
0x14a: {  	[tilespmem:$0x1FEE0] =	vst v47;
	v4 =	vsel vm7, $0xCC8, v4;
	v2 =	vsel vm9, $0x940, v2;
	v3 =	vsel vm0, $0x982, v3  }
0x14b: {  	[tilespmem:$0x1FF10] =	vst v50;
	v4 =	vsel vm10, $0xD49, v4;
	v2 =	vsel vm0, $0x9C1, v2;
	v3 =	vsel vm1, $0xA03, v3  }
0x14c: {  	[tilespmem:$0x1FF60] =	vst v55;
	v4 =	vsel vm11, $0xDCA, v4;
	v2 =	vsel vm1, $0xA42, v2;
	v3 =	vsel vm2, $0xA84, v3  }
0x14d: {  	[tilespmem:$0x1FED0] =	vst v46;
	v4 =	vsel vm12, $0xE4B, v4;
	v2 =	vsel vm2, $0xAC3, v2;
	v3 =	vsel vm3, $0xB05, v3  }
0x14e: {  	[tilespmem:$0x1FF70] =	vst v56;
	v63 =	vsel vm13, $0xECC, v4;
	v2 =	vsel vm3, $0xB44, v2;
	v3 =	vsel vm4, $0xB86, v3  }
0x14f: {  	v4 =	vsel vm14, $0xF4D, v63;
	[tilespmem:$0x1FBF0] =	vst v54;
	v2 =	vsel vm4, $0xBC5, v2;
	v3 =	vsel vm5, $0xC07, v3  }
0x150: {  	v59 =	vadd.s32 $0x13, v0;
	[tilespmem:$0x1FC30] =	vst v4;
	v2 =	vsel vm5, $0xC46, v2;
	v3 =	vsel vm7, $0xC88, v3  }
0x151: {  	[tilespmem:$0x1FF90] =	vst v59;
	v2 =	vsel vm7, $0xCC7, v2;
	v3 =	vsel vm10, $0xD09, v3  }
0x152: {  	v54 =	vadd.s32 $0x51, v57;
	[tilespmem:$0x1FBE0] =	vst v53;
	v2 =	vsel vm10, $0xD48, v2;
	v3 =	vsel vm11, $0xD8A, v3  }
0x153: {  	s1 =	srdreg.scid;
	v58 =	vadd.s32 $0x52, v57;
	[tilespmem:$0x1FF50] =	vst v54;
	v2 =	vsel vm11, $0xDC9, v2;
	v3 =	vsel vm12, $0xE0B, v3  }
0x154: {  	s0 =	stileid.u32;
	s4 =	rddreg [dreg:$0x0];
	s2 =	simm.s32 $0x0;
	v53 =	vadd.s32 $0x11, v57;
	[tilespmem:$0x1FF80] =	vst v58;
	v2 =	vsel vm12, $0xE4A, v2;
	v3 =	vsel vm13, $0xE8C, v3  }
0x155: {  	s9 =	simm.s32 $0x1800;
	s3 =	sand.u32 $0x1, s1;
	s5 =	sshll.u32 s0, $0x6;
	[tilespmem:$0x1FF40] =	vst v53;
	v2 =	vsel vm13, $0xECB, v2;
	v62 =	vsel vm14, $0xF0D, v3  }
0x156: {  	s1 =	rddreg [dreg:$0x1];
	s6 =	sshll.u32 s3, $0x5;
	s3 =	ssub.s32 $0x2, s3;
	v61 =	vsel vm14, $0xF4C, v2;
	[tilespmem:$0x1FC20] =	vst v62  }
0x157: {  	[smem:$0x7FF] =	sst s2;
	s5 =	sor.u32 s6, s5;
	s31 =	sshrl.u32 s3, $0x1;
	v63 =	vadd.s32 $0x54, v57;
	vm8 =	vcmask $0x300;
	[tilespmem:$0x1FC10] =	vst v61;
	v61 =	vadd.s32 $0x53, v57  }
0x158: {  	s6 =	sshll.u32 s5, $0x4;
	s7 =	sshll.u32 s5, $0x3;
	s5 =	sshrl.u32 s5, $0x3;
	vm9 =	vcmask $0x704;
	vm0 =	vcmask $0xF0C;
	vm1 =	vcmask $0x1310;
	[tilespmem:$0x1FFB0] =	vst v61  }
0x159: {  	s8 =	ssub.s32 s3, s31;
	s6 =	sadd.s32 s6, s4;
	vm2 =	vcmask $0x1714;
	vm3 =	vcmask $0x1B18;
	v62 =	vadd.s32 $0x14, v57;
	_ =	strace $0x80000047;
	[tilespmem:$0x1FFC0] =	vst v0  }
0x15a: {  	s7 =	sadd.s32 s7, s4;
	s5 =	sadd.s32 s5, s4;
	s3 =	sadd.s32 $0x2800, s6;
	vm4 =	vcmask $0x1F1C;
	vm5 =	vcmask $0x2320;
	vm7 =	vcmask $0x2724;
	[tilespmem:$0x1FFE0] =	vst v62  }
0x15b: {  	s10 =	simm.s32 $0x2;
	s4 =	sadd.s32 $0x800, s7;
	s5 =	sadd.s32 $0x6800, s5;
	vm10 =	vcmask $0xB08;
	vm11 =	vcmask $0x2B28;
	v0 =	vadd.s32 $0x14, v0;
	[tilespmem:$0x1FFF0] =	vst v63  }
0x15c: {  	s6 =	smax.u32 s8, $0x1;
	s7 =	simm.s32 $0x1000;
	s8 =	simm.s32 $0x1;
	vm12 =	vcmask $0x2F2C;
	vm13 =	vcmask $0x3330;
	vm14 =	vcmask $0x3734;
	[tilespmem:$0x1FFD0] =	vst v0  }
.LBB2_1:
0x15d: {  	[tilespmem:s2], [sflag:$0x1] =	stream.linear.gather [hbm4b:s3+s2], $0x1000, $0x38;
	[tilespmem:$0x1820] =	vst v63  }
0x15e: {  	_ = 	snop  }
0x15f: {  	[tilespmem:s7], [sflag:$0x1] =	stream.linear.gather [hbm4b:s4+s2], $0x800, $0x38;
	[tilespmem:$0x1820] =	vst v63  }
0x160: {  	_ =	swait.ge [sflag:s8], $0x1000  }
0x161: {  	[sflag:s8] =	ssyncset.done $0x0  }
0x162: {  	[sflag:s8] =	ssyncadd.s32 $0xFFFFF000  }
0x163: {  	_ =	swait.ge [sflag:s8], $0x800  }
0x164: {  	v0 =	vld [tilespmem:$0x1FFC0]  }
0x165: {  	v1 =	vld [tilespmem:$0x1F860]  }
0x166: {  	v14 =	vld [tilespmem:$0x1F870]  }
0x167: {  	v15 =	vld [tilespmem:$0x1FC40]  }
0x168: {  	v16 =	vld [tilespmem:$0x1FC50]  }
0x169: {  	v17 =	vld [tilespmem:$0x1FC60]  }
0x16a: {  	v18 =	vld [tilespmem:$0x1FC70]  }
0x16b: {  	v6 =	vadd.s32 $0x15, v57;
	v3 =	vld [tilespmem:$0x1FD00]  }
0x16c: {  	v8 =	vadd.s32 $0x16, v57;
	v4 =	vld [tilespmem:$0x1FD30]  }
0x16d: {  	v19 =	vadd.s32 $0x17, v57;
	[sflag:s8] =	ssyncset.done $0x0;
	v10 =	vld [tilespmem:$0x1FDA0]  }
0x16e: {  	v22 =	vadd.s32 $0x18, v57;
	v11 =	vld [tilespmem:$0x1FDB0];
	[sflag:s8] =	ssyncadd.s32 $0xFFFFF800  }
0x16f: {  	v26 =	vadd.s32 $0x19, v57;
	v50 =	vld.idx.msk [tilespmem:v57+s2+$0x0], $0xffff  }
0x170: {  	v30 =	vadd.s32 $0x1A, v57;
	v20 =	vld.idx.msk [tilespmem:v6+s2+$0x0], $0xffff  }
0x171: {  	v34 =	vadd.s32 $0x1B, v57;
	v23 =	vld.idx.msk [tilespmem:v8+s2+$0x0], $0xffff  }
0x172: {  	v38 =	vadd.s32 $0x1C, v57;
	v27 =	vld.idx.msk [tilespmem:v19+s2+$0x0], $0xffff  }
0x173: {  	v42 =	vadd.s32 $0x1D, v57;
	v31 =	vld.idx.msk [tilespmem:v22+s2+$0x0], $0xffff  }
0x174: {  	v13 =	vadd.s32 $0x20, v57;
	v35 =	vld.idx.msk [tilespmem:v26+s2+$0x0], $0xffff  }
0x175: {  	v39 =	vld.idx.msk [tilespmem:v30+s2+$0x0], $0xffff  }
0x176: {  	v43 =	vld.idx.msk [tilespmem:v34+s2+$0x0], $0xffff  }
0x177: {  	v53 =	vld.idx.msk [tilespmem:v38+s2+$0x0], $0xffff  }
0x178: {  	v59 =	vld.idx.msk [tilespmem:v42+s2+$0x0], $0xffff  }
0x179: {  	v22 =	vld.idx.msk [tilespmem:v13+s2+$0x0], $0xffff  }
0x17a: {  	v8 =	vld [tilespmem:$0x1FD80]  }
0x17b: {  	v46 =	vld.idx.msk [tilespmem:v0+s7+$0x0], $0xffff  }
0x17c: {  	v58 =	vld.idx.msk [tilespmem:v1+s2+$0x0], $0xffff  }
0x17d: {  	v52 =	vadd.s32 $0x1E, v57;
	v45 =	vld.idx.msk [tilespmem:v14+s7+$0x0], $0xffff  }
0x17e: {  	v56 =	vadd.s32 $0x1F, v57;
	v49 =	vld.idx.msk [tilespmem:v15+s2+$0x0], $0xffff  }
0x17f: {  	v51 =	vld.idx.msk [tilespmem:v16+s2+$0x0], $0xffff  }
0x180: {  	v62 =	vld.idx.msk [tilespmem:v17+s7+$0x0], $0xffff  }
0x181: {  	v5 =	vadd.s32 $0x15, v0;
	v47 =	vld.idx.msk [tilespmem:v18+s2+$0x0], $0xffff  }
0x182: {  	v7 =	vadd.s32 $0x16, v0;
	v14 =	vld.idx.msk [tilespmem:v52+s2+$0x0], $0xffff  }
0x183: {  	v9 =	vadd.s32 $0x17, v0;
	v18 =	vld.idx.msk [tilespmem:v56+s2+$0x0], $0xffff  }
0x184: {  	v21 =	vadd.s32 $0x18, v0;
	v6 =	vld.idx.msk [tilespmem:v11+s7+$0x0], $0xffff  }
0x185: {  	v24 =	vadd.s32 $0x19, v0;
	v11 =	vld [tilespmem:$0x1FE80]  }
0x186: {  	v28 =	vadd.s32 $0x1A, v0;
	v60 =	vld.idx.msk [tilespmem:v5+s7+$0x0], $0xffff  }
0x187: {  	v32 =	vadd.s32 $0x1B, v0;
	v63 =	vld.idx.msk [tilespmem:v7+s7+$0x0], $0xffff  }
0x188: {  	v36 =	vadd.s32 $0x1C, v0;
	v25 =	vld.idx.msk [tilespmem:v9+s7+$0x0], $0xffff  }
0x189: {  	v40 =	vadd.s32 $0x1D, v0;
	v29 =	vld.idx.msk [tilespmem:v21+s7+$0x0], $0xffff  }
0x18a: {  	v44 =	vadd.s32 $0x1E, v0;
	v33 =	vld.idx.msk [tilespmem:v24+s7+$0x0], $0xffff  }
0x18b: {  	v54 =	vadd.s32 $0x1F, v0;
	v37 =	vld.idx.msk [tilespmem:v28+s7+$0x0], $0xffff  }
0x18c: {  	v61 =	vadd.s32 $0x20, v0;
	v41 =	vld.idx.msk [tilespmem:v32+s7+$0x0], $0xffff  }
0x18d: {  	v19 =	vadd.s32 $0x22, v0;
	v48 =	vld.idx.msk [tilespmem:v36+s7+$0x0], $0xffff  }
0x18e: {  	v55 =	vld.idx.msk [tilespmem:v40+s7+$0x0], $0xffff  }
0x18f: {  	[tilespmem:$0x1ECA0] =	vst v20;
	v12 =	vld.idx.msk [tilespmem:v44+s7+$0x0], $0xffff  }
0x190: {  	[tilespmem:$0x1ECB0] =	vst v23;
	v23 =	vadd.s32 $0x23, v0;
	v16 =	vld.idx.msk [tilespmem:v54+s7+$0x0], $0xffff  }
0x191: {  	[tilespmem:$0x1ECD0] =	vst v27;
	v27 =	vadd.s32 $0x24, v0;
	v20 =	vld.idx.msk [tilespmem:v61+s7+$0x0], $0xffff  }
0x192: {  	[tilespmem:$0x1ECF0] =	vst v31;
	v31 =	vadd.s32 $0x25, v0;
	v28 =	vld.idx.msk [tilespmem:v19+s7+$0x0], $0xffff  }
0x193: {  	[tilespmem:$0x1ED00] =	vst v35;
	v35 =	vadd.s32 $0x26, v0;
	v5 =	vld.idx.msk [tilespmem:v8+s7+$0x0], $0xffff  }
0x194: {  	[tilespmem:$0x1ED10] =	vst v39;
	v39 =	vadd.s32 $0x27, v0;
	v9 =	vld [tilespmem:$0x1FD90]  }
0x195: {  	[tilespmem:$0x1ED40] =	vst v53;
	v53 =	vadd.s32 $0x29, v0;
	v32 =	vld.idx.msk [tilespmem:v23+s7+$0x0], $0xffff  }
0x196: {  	v36 =	vld.idx.msk [tilespmem:v27+s7+$0x0], $0xffff  }
0x197: {  	v40 =	vld.idx.msk [tilespmem:v31+s7+$0x0], $0xffff  }
0x198: {  	v44 =	vld.idx.msk [tilespmem:v35+s7+$0x0], $0xffff  }
0x199: {  	v15 =	vadd.s32 $0x21, v0;
	v54 =	vld.idx.msk [tilespmem:v39+s7+$0x0], $0xffff  }
0x19a: {  	v17 =	vadd.s32 $0x21, v57;
	v61 =	vld.idx.msk [tilespmem:v53+s7+$0x0], $0xffff  }
0x19b: {  	v31 =	vld [tilespmem:$0x1FC80]  }
0x19c: {  	v35 =	vld [tilespmem:$0x1FCC0]  }
0x19d: {  	v21 =	vadd.s32 $0x22, v57;
	v39 =	vld [tilespmem:$0x1FD10]  }
0x19e: {  	[tilespmem:$0x1ED20] =	vst v43;
	v43 =	vadd.s32 $0x28, v0;
	v24 =	vld.idx.msk [tilespmem:v15+s7+$0x0], $0xffff  }
0x19f: {  	v13 =	vadd.s32 $0x2A, v57;
	v26 =	vld.idx.msk [tilespmem:v17+s2+$0x0], $0xffff  }
0x1a0: {  	[tilespmem:$0x1ED90] =	vst v18;
	v50 =	vmul.f32 v50, v46;
	v46 =	vmul.f32 v58, v46;
	v58 =	vld [tilespmem:$0x1FF50]  }
0x1a1: {  	v49 =	vmul.f32 v49, v45;
	v45 =	vmul.f32 v51, v45;
	v51 =	vld [tilespmem:$0x1FFA0];
	[tilespmem:$0x1ECC0] =	vst v25  }
0x1a2: {  	[tilespmem:$0x1ECE0] =	vst v29;
	v30 =	vld.idx.msk [tilespmem:v21+s2+$0x0], $0xffff  }
0x1a3: {  	[tilespmem:$0x1ED60] =	vst v12;
	v12 =	vld.idx.msk [tilespmem:v43+s7+$0x0], $0xffff  }
0x1a4: {  	v18 =	vadd.s32 $0x2C, v0;
	[tilespmem:$0x1EDA0] =	vst v20;
	v20 =	vld.idx.msk [tilespmem:v13+s2+$0x0], $0xffff  }
0x1a5: {  	v19 =	vadd.s32 $0x2C, v57;
	[tilespmem:$0x1EF30] =	vst v33;
	v13 =	vld [tilespmem:$0x1FDD0]  }
0x1a6: {  	[tilespmem:$0x1EF90] =	vst v32;
	v32 =	vld [tilespmem:$0x1FC90]  }
0x1a7: {  	[tilespmem:$0x1EFA0] =	vst v36;
	v36 =	vld [tilespmem:$0x1FCD0]  }
0x1a8: {  	v25 =	vadd.s32 $0x23, v57;
	[tilespmem:$0x1EFC0] =	vst v44;
	v44 =	vld [tilespmem:$0x1FD60]  }
0x1a9: {  	v29 =	vadd.s32 $0x24, v57;
	[tilespmem:$0x1EF70] =	vst v24;
	v24 =	vld.idx.msk [tilespmem:v18+s7+$0x0], $0xffff  }
0x1aa: {  	v33 =	vadd.s32 $0x25, v57;
	[tilespmem:$0x1EDC0] =	vst v26;
	v26 =	vld.idx.msk [tilespmem:v19+s2+$0x0], $0xffff  }
0x1ab: {  	[tilespmem:$0x1EF40] =	vst v37;
	v37 =	vadd.s32 $0x26, v57;
	v18 =	vld.idx.msk [tilespmem:v10+s2+$0x0], $0xffff  }
0x1ac: {  	[tilespmem:$0x1EF50] =	vst v41;
	v41 =	vadd.s32 $0x27, v57;
	v10 =	vld [tilespmem:$0x1FE50]  }
0x1ad: {  	[tilespmem:$0x1ED30] =	vst v48;
	v48 =	vadd.s32 $0x28, v57;
	v34 =	vld.idx.msk [tilespmem:v25+s2+$0x0], $0xffff  }
0x1ae: {  	[tilespmem:$0x1EF60] =	vst v55;
	v55 =	vadd.s32 $0x29, v57;
	v38 =	vld.idx.msk [tilespmem:v29+s2+$0x0], $0xffff  }
0x1af: {  	[tilespmem:$0x1ED50] =	vst v59;
	v59 =	vadd.s32 $0x2A, v0;
	v42 =	vld.idx.msk [tilespmem:v33+s2+$0x0], $0xffff  }
0x1b0: {  	v15 =	vadd.s32 $0x2B, v0;
	v52 =	vld.idx.msk [tilespmem:v37+s2+$0x0], $0xffff  }
0x1b1: {  	[tilespmem:$0x1ED80] =	vst v16;
	v16 =	vadd.s32 $0x2B, v57;
	v56 =	vld.idx.msk [tilespmem:v41+s2+$0x0], $0xffff  }
0x1b2: {  	[tilespmem:$0x1ED70] =	vst v14;
	v21 =	vadd.s32 $0x2D, v0;
	v14 =	vld.idx.msk [tilespmem:v48+s2+$0x0], $0xffff  }
0x1b3: {  	v43 =	vadd.s32 $0x2F, v57;
	v17 =	vld.idx.msk [tilespmem:v55+s2+$0x0], $0xffff  }
0x1b4: {  	[tilespmem:$0x1EF80] =	vst v28;
	v28 =	vadd.s32 $0x30, v0;
	v48 =	vld.idx.msk [tilespmem:v59+s7+$0x0], $0xffff  }
0x1b5: {  	v59 =	vld.idx.msk [tilespmem:v15+s7+$0x0], $0xffff  }
0x1b6: {  	[tilespmem:$0x1EDB0] =	vst v22;
	v22 =	vld.idx.msk [tilespmem:v16+s2+$0x0], $0xffff  }
0x1b7: {  	v55 =	vld.idx.msk [tilespmem:v21+s7+$0x0], $0xffff  }
0x1b8: {  	v29 =	vld.idx.msk [tilespmem:v43+s2+$0x0], $0xffff  }
0x1b9: {  	v1 =	vld.idx.msk [tilespmem:v28+s7+$0x0], $0xffff  }
0x1ba: {  	v33 =	vld [tilespmem:$0x1FCA0]  }
0x1bb: {  	v37 =	vld [tilespmem:$0x1FCE0]  }
0x1bc: {  	[tilespmem:$0x1EFB0] =	vst v40;
	v28 =	vld.idx.msk [tilespmem:v39+s2+$0x0], $0xffff  }
0x1bd: {  	[tilespmem:$0x1EFD0] =	vst v54;
	v40 =	vadd.s32 $0x2D, v57;
	v43 =	vld [tilespmem:$0x1FD50]  }
0x1be: {  	v54 =	vadd.s32 $0x30, v57;
	[tilespmem:$0x1EFE0] =	vst v12;
	v12 =	vld [tilespmem:$0x1FDC0]  }
0x1bf: {  	v39 =	vld [tilespmem:$0x1FED0]  }
0x1c0: {  	[tilespmem:$0x1F060] =	vst v46;
	v46 =	vld.idx.msk [tilespmem:v58+s2+$0x0], $0xffff  }
0x1c1: {  	v58 =	vld [tilespmem:$0x1FF70]  }
0x1c2: {  	v27 =	vld.idx.msk [tilespmem:v40+s2+$0x0], $0xffff  }
0x1c3: {  	[tilespmem:$0x1EDD0] =	vst v30;
	v30 =	vld.idx.msk [tilespmem:v54+s2+$0x0], $0xffff  }
0x1c4: {  	v23 =	vadd.s32 $0x2E, v0;
	v40 =	vld.idx.msk [tilespmem:v31+s2+$0x0], $0xffff  }
0x1c5: {  	v25 =	vadd.s32 $0x2E, v57;
	v21 =	vld.idx.msk [tilespmem:v13+s2+$0x0], $0xffff  }
0x1c6: {  	v41 =	vadd.s32 $0x2F, v0;
	[tilespmem:$0x1EE70] =	vst v24;
	v24 =	vld [tilespmem:$0x1FE00]  }
0x1c7: {  	[tilespmem:$0x1EE80] =	vst v26;
	v26 =	vld [tilespmem:$0x1FE10]  }
0x1c8: {  	v13 =	vld [tilespmem:$0x1FEE0]  }
0x1c9: {  	[tilespmem:$0x1EE10] =	vst v52;
	v52 =	vld.idx.msk [tilespmem:v23+s7+$0x0], $0xffff  }
0x1ca: {  	v2 =	vld.idx.msk [tilespmem:v25+s2+$0x0], $0xffff  }
0x1cb: {  	v53 =	vld.idx.msk [tilespmem:v41+s7+$0x0], $0xffff  }
0x1cc: {  	v54 =	vld.idx.msk [tilespmem:v32+s7+$0x0], $0xffff  }
0x1cd: {  	[tilespmem:$0x1EDE0] =	vst v34;
	v34 =	vld [tilespmem:$0x1FCB0]  }
0x1ce: {  	[tilespmem:$0x1EEC0] =	vst v1;
	v1 =	vld.idx.msk [tilespmem:v35+s7+$0x0], $0xffff  }
0x1cf: {  	v16 =	vld.idx.msk [tilespmem:v36+s2+$0x0], $0xffff  }
0x1d0: {  	[tilespmem:$0x1EDF0] =	vst v38;
	v38 =	vld [tilespmem:$0x1FCF0]  }
0x1d1: {  	v25 =	vld.idx.msk [tilespmem:v3+s2+$0x0], $0xffff  }
0x1d2: {  	v41 =	vld [tilespmem:$0x1FD20]  }
0x1d3: {  	[tilespmem:$0x1EE00] =	vst v42;
	v42 =	vld [tilespmem:$0x1FD40]  }
0x1d4: {  	[tilespmem:$0x1EE20] =	vst v56;
	v56 =	vld [tilespmem:$0x1FD70]  }
0x1d5: {  	[tilespmem:$0x1EE40] =	vst v17;
	v17 =	vld.idx.msk [tilespmem:v9+s2+$0x0], $0xffff  }
0x1d6: {  	[tilespmem:$0x1EE30] =	vst v14;
	v14 =	vld [tilespmem:$0x1FDE0]  }
0x1d7: {  	v23 =	vld [tilespmem:$0x1FDF0]  }
0x1d8: {  	[tilespmem:$0x1EEB0] =	vst v29;
	v29 =	vld [tilespmem:$0x1FE30]  }
0x1d9: {  	v32 =	vld [tilespmem:$0x1FE60]  }
0x1da: {  	v35 =	vld [tilespmem:$0x1FE90]  }
0x1db: {  	v36 =	vld [tilespmem:$0x1FEA0]  }
0x1dc: {  	[tilespmem:$0x1EE90] =	vst v27;
	v27 =	vld [tilespmem:$0x1FE20]  }
0x1dd: {  	[tilespmem:$0x1EED0] =	vst v30;
	v30 =	vld [tilespmem:$0x1FE40]  }
0x1de: {  	v47 =	vmul.f32 v47, v62;
	v40 =	vmul.f32 v40, v62;
	v62 =	vld [tilespmem:$0x1FF80]  }
0x1df: {  	[tilespmem:$0x1EE60] =	vst v22;
	v22 =	vld.idx.msk [tilespmem:v33+s2+$0x0], $0xffff  }
0x1e0: {  	v19 =	vld.idx.msk [tilespmem:v37+s2+$0x0], $0xffff  }
0x1e1: {  	[tilespmem:$0x1EE50] =	vst v20;
	v20 =	vld.idx.msk [tilespmem:v12+s2+$0x0], $0xffff  }
0x1e2: {  	v33 =	vld [tilespmem:$0x1FE70]  }
0x1e3: {  	v12 =	vld [tilespmem:$0x1FEB0]  }
0x1e4: {  	[tilespmem:$0x1F080] =	vst v40;
	v40 =	vld.idx.msk [tilespmem:v58+s2+$0x0], $0xffff  }
0x1e5: {  	v17 =	vmul.f32 v17, v5;
	v5 =	vmul.f32 v18, v5;
	v18 =	vld [tilespmem:$0x1F880]  }
0x1e6: {  	v24 =	vld.idx.msk [tilespmem:v24+s2+$0x0], $0xffff  }
0x1e7: {  	v8 =	vld.idx.msk [tilespmem:v26+s7+$0x0], $0xffff  }
0x1e8: {  	v31 =	vld.idx.msk [tilespmem:v34+s2+$0x0], $0xffff  }
0x1e9: {  	[tilespmem:$0x1EEA0] =	vst v2;
	v2 =	vld.idx.msk [tilespmem:v38+s7+$0x0], $0xffff  }
0x1ea: {  	v3 =	vld.idx.msk [tilespmem:v41+s7+$0x0], $0xffff  }
0x1eb: {  	v34 =	vld.idx.msk [tilespmem:v4+s2+$0x0], $0xffff  }
0x1ec: {  	v37 =	vld.idx.msk [tilespmem:v42+s2+$0x0], $0xffff  }
0x1ed: {  	v4 =	vld.idx.msk [tilespmem:v43+s7+$0x0], $0xffff  }
0x1ee: {  	v43 =	vld.idx.msk [tilespmem:v44+s2+$0x0], $0xffff  }
0x1ef: {  	v15 =	vld.idx.msk [tilespmem:v56+s2+$0x0], $0xffff  }
0x1f0: {  	v7 =	vld.idx.msk [tilespmem:v14+s7+$0x0], $0xffff  }
0x1f1: {  	v23 =	vld.idx.msk [tilespmem:v23+s2+$0x0], $0xffff  }
0x1f2: {  	v38 =	vld [tilespmem:$0x1FEC0]  }
0x1f3: {  	v41 =	vld [tilespmem:$0x1FEF0]  }
0x1f4: {  	v42 =	vld [tilespmem:$0x1FF00]  }
0x1f5: {  	v14 =	vld [tilespmem:$0x1FF10]  }
0x1f6: {  	v44 =	vld [tilespmem:$0x1FF20]  }
0x1f7: {  	v56 =	vld [tilespmem:$0x1FF30]  }
0x1f8: {  	v16 =	vmul.f32 v16, v1;
	v1 =	vmul.f32 v19, v1;
	v19 =	vld [tilespmem:$0x1FF90]  }
0x1f9: {  	[tilespmem:$0x1F0E0] =	vst v5;
	v5 =	vmul.f32 v20, v6;
	v20 =	vmul.f32 v21, v6;
	v21 =	vld [tilespmem:$0x1F890]  }
0x1fa: {  	v26 =	vld.idx.msk [tilespmem:v27+s2+$0x0], $0xffff  }
0x1fb: {  	v27 =	vld.idx.msk [tilespmem:v29+s2+$0x0], $0xffff  }
0x1fc: {  	v9 =	vld.idx.msk [tilespmem:v30+s7+$0x0], $0xffff  }
0x1fd: {  	v29 =	vld.idx.msk [tilespmem:v10+s2+$0x0], $0xffff  }
0x1fe: {  	v30 =	vld.idx.msk [tilespmem:v32+s2+$0x0], $0xffff  }
0x1ff: {  	v32 =	vld.idx.msk [tilespmem:v11+s2+$0x0], $0xffff  }
0x200: {  	v11 =	vld.idx.msk [tilespmem:v36+s7+$0x0], $0xffff  }
0x201: {  	[tilespmem:$0x1F0A0] =	vst v1;
	v1 =	vld [tilespmem:$0x1FFE0]  }
0x202: {  	v10 =	vld.idx.msk [tilespmem:v33+s7+$0x0], $0xffff  }
0x203: {  	v33 =	vld.idx.msk [tilespmem:v35+s2+$0x0], $0xffff  }
0x204: {  	v35 =	vld.idx.msk [tilespmem:v12+s2+$0x0], $0xffff  }
0x205: {  	v12 =	vld.idx.msk [tilespmem:v39+s7+$0x0], $0xffff;
	v31 =	vmul.f32 v31, v54  }
0x206: {  	v22 =	vmul.f32 v22, v54;
	v54 =	vmul.f32 v37, v3;
	v37 =	vld [tilespmem:$0x1F8B0]  }
0x207: {  	[tilespmem:$0x1F090] =	vst v31;
	v31 =	vld.idx.msk [tilespmem:v62+s2+$0x0], $0xffff  }
0x208: {  	v36 =	vld.idx.msk [tilespmem:v38+s2+$0x0], $0xffff  }
0x209: {  	v38 =	vld.idx.msk [tilespmem:v13+s2+$0x0], $0xffff  }
0x20a: {  	v39 =	vld.idx.msk [tilespmem:v41+s2+$0x0], $0xffff  }
0x20b: {  	v13 =	vld.idx.msk [tilespmem:v42+s7+$0x0], $0xffff  }
0x20c: {  	v41 =	vld.idx.msk [tilespmem:v14+s2+$0x0], $0xffff  }
0x20d: {  	v42 =	vld.idx.msk [tilespmem:v44+s2+$0x0], $0xffff  }
0x20e: {  	v14 =	vld.idx.msk [tilespmem:v56+s7+$0x0], $0xffff  }
0x20f: {  	v44 =	vld [tilespmem:$0x1FF40]  }
0x210: {  	v56 =	vld [tilespmem:$0x1FF60]  }
0x211: {  	v28 =	vmul.f32 v28, v2;
	v58 =	vld.idx.msk [tilespmem:v19+s7+$0x0], $0xffff  }
0x212: {  	v62 =	vmul.f32 v15, v4;
	v19 =	vmul.f32 v25, v2;
	v25 =	vld.idx.msk [tilespmem:v51+s2+$0x0], $0xffff  }
0x213: {  	[tilespmem:$0x1F0B0] =	vst v28;
	v28 =	vmul.f32 v34, v3;
	v34 =	vmul.f32 v27, v8;
	v6 =	vld.idx.msk [tilespmem:v21+s2+$0x0], $0xffff  }
0x214: {  	v3 =	vmul.f32 v43, v4;
	[tilespmem:$0x1F0D0] =	vst v62;
	v62 =	vmul.f32 v32, v10;
	v32 =	vld [tilespmem:$0x1F8D0]  }
0x215: {  	[tilespmem:$0x1F110] =	vst v34;
	v34 =	vld [tilespmem:$0x1F8E0]  }
0x216: {  	v28 =	vadd.f32 v3, v28;
	v3 =	vld [tilespmem:$0x1ED30]  }
0x217: {  	v15 =	vld.idx.msk [tilespmem:v1+s2+$0x0], $0xffff;
	v19 =	vadd.f32 v19, v16;
	v16 =	vadd.f32 v5, v17  }
0x218: {  	v43 =	vmul.f32 v30, v9;
	v30 =	vmul.f32 v33, v10;
	v1 =	vld [tilespmem:$0x1F920]  }
0x219: {  	v33 =	vmul.f32 v35, v11;
	[tilespmem:$0x1EF00] =	vst v16;
	v16 =	vld [tilespmem:$0x1ED00];
	v11 =	vmul.f32 v36, v11  }
0x21a: {  	v36 =	vmul.f32 v38, v12;
	v12 =	vmul.f32 v39, v12;
	v39 =	vld [tilespmem:$0x1F900]  }
0x21b: {  	v38 =	vmul.f32 v41, v13;
	v13 =	vmul.f32 v42, v13;
	v42 =	vld [tilespmem:$0x1ED20]  }
0x21c: {  	v44 =	vld.idx.msk [tilespmem:v44+s2+$0x0], $0xffff  }
0x21d: {  	[tilespmem:$0x1F070] =	vst v45;
	v45 =	vld.idx.msk [tilespmem:v56+s7+$0x0], $0xffff  }
0x21e: {  	v56 =	vld [tilespmem:$0x1FFD0]  }
0x21f: {  	v10 =	vld.idx.msk [tilespmem:v32+s2+$0x0], $0xffff  }
0x220: {  	v35 =	vld.idx.msk [tilespmem:v34+s7+$0x0], $0xffff  }
0x221: {  	v32 =	vld [tilespmem:$0x1ECA0]  }
0x222: {  	v34 =	vld [tilespmem:$0x1F950]  }
0x223: {  	[tilespmem:$0x1F0F0] =	vst v20;
	v20 =	vld.idx.msk [tilespmem:v39+s7+$0x0], $0xffff  }
0x224: {  	v41 =	vmul.f32 v44, v14;
	v14 =	vmul.f32 v46, v14;
	v46 =	vadd.f32 v49, v50;
	v49 =	vld [tilespmem:$0x1F910]  }
0x225: {  	v4 =	vmul.f32 v31, v45;
	v31 =	vld [tilespmem:$0x1F940]  }
0x226: {  	v39 =	vld [tilespmem:$0x1ED10]  }
0x227: {  	v50 =	vmul.f32 v40, v45;
	v45 =	vld [tilespmem:$0x1F980]  }
0x228: {  	[tilespmem:$0x1EEE0] =	vst v35;
	v35 =	vld [tilespmem:$0x1ECB0]  }
0x229: {  	[tilespmem:$0x1F140] =	vst v11;
	v11 =	vadd.f32 v36, v33;
	v44 =	vmov v60;
	v33 =	vmul.f32 v32, v60;
	v60 =	vld [tilespmem:$0x1ECE0]  }
0x22a: {  	[tilespmem:$0x1F170] =	vst v14;
	v14 =	vld.idx.msk [tilespmem:v1+s7+$0x0], $0xffff  }
0x22b: {  	[tilespmem:$0x1EEF0] =	vst v46;
	v46 =	vld [tilespmem:$0x1ECD0]  }
0x22c: {  	[tilespmem:$0x1F160] =	vst v13;
	v13 =	vadd.f32 v41, v38;
	v38 =	vld [tilespmem:$0x1EF40]  }
0x22d: {  	v41 =	vld [tilespmem:$0x1EF50]  }
0x22e: {  	v2 =	vld.idx.msk [tilespmem:v56+s7+$0x0], $0xffff  }
0x22f: {  	v56 =	vld.idx.msk [tilespmem:v18+s7+$0x0], $0xffff  }
0x230: {  	v18 =	vmul.f32 v23, v7;
	v23 =	vmul.f32 v24, v7;
	v24 =	vld [tilespmem:$0x1F8A0]  }
0x231: {  	[tilespmem:$0x1F130] =	vst v30;
	v30 =	vmul.f32 v25, v58;
	v7 =	vmul.f32 v26, v8;
	v8 =	vld.idx.msk [tilespmem:v37+s2+$0x0], $0xffff  }
0x232: {  	v37 =	vld [tilespmem:$0x1F8F0];
	[tilespmem:$0x1F100] =	vst v23;
	v23 =	vmul.f32 v29, v9  }
0x233: {  	v29 =	vadd.f32 v30, v50;
	v50 =	vld [tilespmem:$0x1ECF0]  }
0x234: {  	v9 =	vadd.f32 v62, v23;
	v23 =	vld.idx.msk [tilespmem:v34+s2+$0x0], $0xffff  }
0x235: {  	v62 =	vld [tilespmem:$0x1ECC0]  }
0x236: {  	v21 =	vadd.f32 v7, v18;
	v7 =	vmov v58;
	v58 =	vld [tilespmem:$0x1EF30]  }
0x237: {  	v40 =	vmul.f32 v39, v38;
	v38 =	vld [tilespmem:$0x1ED90]  }
0x238: {  	v39 =	vld [tilespmem:$0x1F9A0]  }
0x239: {  	[tilespmem:$0x1F120] =	vst v43;
	v43 =	vmul.f32 v42, v41;
	v41 =	vld [tilespmem:$0x1EF70]  }
0x23a: {  	v42 =	vld [tilespmem:$0x1EDC0]  }
0x23b: {  	v27 =	vld.idx.msk [tilespmem:v49+s2+$0x0], $0xffff  }
0x23c: {  	v5 =	vld.idx.msk [tilespmem:v31+s7+$0x0], $0xffff  }
0x23d: {  	v49 =	vld [tilespmem:$0x1F960]  }
0x23e: {  	[tilespmem:$0x1EF20] =	vst v2;
	v15 =	vmul.f32 v15, v2;
	v2 =	vld.idx.msk [tilespmem:v45+s7+$0x0], $0xffff  }
0x23f: {  	v45 =	vld [tilespmem:$0x1EF80]  }
0x240: {  	v18 =	vadd.f32 v43, v40;
	v40 =	vld [tilespmem:$0x1EDB0]  }
0x241: {  	v43 =	vld [tilespmem:$0x1F9B0]  }
0x242: {  	v51 =	vld.idx.msk [tilespmem:v24+s7+$0x0], $0xffff  }
0x243: {  	[tilespmem:$0x1F150] =	vst v12;
	v12 =	vld.idx.msk [tilespmem:v37+s2+$0x0], $0xffff  }
0x244: {  	v37 =	vld [tilespmem:$0x1F970]  }
0x245: {  	v22 =	vadd.f32 v22, v47;
	v47 =	vmul.f32 v46, v62;
	v46 =	vld [tilespmem:$0x1ED40]  }
0x246: {  	v36 =	vmul.f32 v35, v63;
	[tilespmem:$0x1EF10] =	vst v21;
	v21 =	vmul.f32 v16, v58;
	v58 =	vld [tilespmem:$0x1ED80]  }
0x247: {  	v16 =	vld [tilespmem:$0x1F9C0]  }
0x248: {  	v26 =	vmul.f32 v50, v60;
	v24 =	vadd.f32 v47, v36;
	v47 =	vld [tilespmem:$0x1EF60]  }
0x249: {  	v36 =	vld [tilespmem:$0x1F990]  }
0x24a: {  	v35 =	vadd.f32 v21, v26;
	v21 =	vld [tilespmem:$0x1ED60]  }
0x24b: {  	v26 =	vld [tilespmem:$0x1EDA0]  }
0x24c: {  	[tilespmem:$0x1F190] =	vst v4;
	v4 =	vld.idx.msk [tilespmem:v49+s7+$0x0], $0xffff  }
0x24d: {  	v49 =	vld [tilespmem:$0x1ED50]  }
0x24e: {  	v25 =	vmul.f32 v46, v3;
	v46 =	vld.idx.msk [tilespmem:v39+s7+$0x0], $0xffff  }
0x24f: {  	v31 =	vld.idx.msk [tilespmem:v37+s2+$0x0], $0xffff  }
0x250: {  	v1 =	vld.idx.msk [tilespmem:v16+s7+$0x0], $0xffff  }
0x251: {  	v16 =	vld [tilespmem:$0x1F9D0]  }
0x252: {  	v50 =	vmul.f32 v49, v47;
	v47 =	vld [tilespmem:$0x1EDD0]  }
0x253: {  	v49 =	vld [tilespmem:$0x1EF90]  }
0x254: {  	v25 =	vadd.f32 v50, v25;
	v50 =	vld [tilespmem:$0x1EDE0]  }
0x255: {  	v37 =	vld [tilespmem:$0x1ED70]  }
0x256: {  	v34 =	vld.idx.msk [tilespmem:v36+s2+$0x0], $0xffff  }
0x257: {  	v15 =	vadd.f32 v33, v15;
	v33 =	vmul.f32 v47, v45;
	v45 =	vld [tilespmem:$0x1EFA0]  }
0x258: {  	v47 =	vld [tilespmem:$0x1EDF0]  }
0x259: {  	v39 =	vmul.f32 v50, v49;
	v49 =	vld [tilespmem:$0x1EFB0]  }
0x25a: {  	v36 =	vmul.f32 v38, v58;
	v50 =	vld [tilespmem:$0x1EE00]  }
0x25b: {  	v30 =	vmul.f32 v37, v21;
	v37 =	vmul.f32 v42, v41;
	v41 =	vld.idx.msk [tilespmem:v16+s2+$0x0], $0xffff  }
0x25c: {  	v16 =	vld [tilespmem:$0x1F9E0]  }
0x25d: {  	v36 =	vadd.f32 v36, v30;
	v30 =	vmul.f32 v47, v45;
	v45 =	vld [tilespmem:$0x1EFC0]  }
0x25e: {  	v47 =	vld [tilespmem:$0x1EE10]  }
0x25f: {  	v32 =	vmul.f32 v40, v26;
	v40 =	vmul.f32 v50, v49;
	v49 =	vld [tilespmem:$0x1EFD0]  }
0x260: {  	v50 =	vld [tilespmem:$0x1EE20];
	_ =	sdelay $0x2  }
0x261: {  	v38 =	vld.idx.msk [tilespmem:v43+s2+$0x0], $0xffff  }
0x262: {  	v32 =	vadd.f32 v37, v32;
	v37 =	vmul.f32 v47, v45;
	v45 =	vld [tilespmem:$0x1EFE0]  }
0x263: {  	v43 =	vmul.f32 v50, v49;
	v50 =	vld.idx.msk [tilespmem:v16+s7+$0x0], $0xffff  }
0x264: {  	v16 =	vld [tilespmem:$0x1F9F0]  }
0x265: {  	v47 =	vld [tilespmem:$0x1EE30]  }
0x266: {  	v49 =	vld [tilespmem:$0x1EE40];
	_ =	sdelay $0x3  }
0x267: {  	v33 =	vadd.f32 v39, v33;
	v39 =	vmul.f32 v47, v45;
	v47 =	vld [tilespmem:$0x1EE50]  }
0x268: {  	v45 =	vmul.f32 v49, v61;
	v49 =	vld [tilespmem:$0x1EE60]  }
0x269: {  	[tilespmem:$0x1EFF0] =	vst v61;
	v61 =	vld.idx.msk [tilespmem:v16+s2+$0x0], $0xffff  }
0x26a: {  	v16 =	vld [tilespmem:$0x1FA00];
	_ =	sdelay $0x1  }
0x26b: {  	[tilespmem:$0x1F0C0] =	vst v54;
	v54 =	vld [tilespmem:$0x1F8C0]  }
0x26c: {  	v42 =	vld [tilespmem:$0x1EE70]  }
0x26d: {  	v40 =	vadd.f32 v40, v30;
	v30 =	vmul.f32 v47, v48;
	v47 =	vld [tilespmem:$0x1EE80]  }
0x26e: {  	[tilespmem:$0x1F000] =	vst v48;
	v48 =	vmul.f32 v49, v59;
	v49 =	vld [tilespmem:$0x1EE90]  }
0x26f: {  	v17 =	vld [tilespmem:$0x1F930];
	_ =	sdelay $0x1  }
0x270: {  	[tilespmem:$0x1F010] =	vst v59;
	v59 =	vld.idx.msk [tilespmem:v16+s7+$0x0], $0xffff  }
0x271: {  	v16 =	vld [tilespmem:$0x1FA10]  }
0x272: {  	v37 =	vadd.f32 v43, v37;
	v43 =	vmul.f32 v47, v42;
	v47 =	vld [tilespmem:$0x1EEA0];
	v49 =	vmul.f32 v49, v55;
	_ =	sdelay $0x1  }
0x273: {  	v43 =	vadd.f32 v49, v43;
	v49 =	vld [tilespmem:$0x1FA40]  }
0x274: {  	v54 =	vld.idx.msk [tilespmem:v54+s7+$0x0], $0xffff  }
0x275: {  	v17 =	vld.idx.msk [tilespmem:v17+s2+$0x0], $0xffff  }
0x276: {  	[tilespmem:$0x1F030] =	vst v52;
	v39 =	vadd.f32 v45, v39;
	v45 =	vmul.f32 v47, v52;
	v52 =	vld [tilespmem:$0x1EEB0]  }
0x277: {  	[tilespmem:$0x1F050] =	vst v56;
	v6 =	vmul.f32 v6, v56;
	v56 =	vld [tilespmem:$0x1FA30]  }
0x278: {  	[tilespmem:$0x1F020] =	vst v55;
	v55 =	vld.idx.msk [tilespmem:v16+s2+$0x0], $0xffff  }
0x279: {  	v16 =	vld [tilespmem:$0x1FA20]  }
0x27a: {  	[tilespmem:$0x1F1B0] =	vst v5;
	v23 =	vmul.f32 v23, v5;
	v5 =	vld [tilespmem:$0x1FFB0]  }
0x27b: {  	v48 =	vadd.f32 v48, v30;
	v52 =	vmul.f32 v52, v53;
	v30 =	vld.idx.msk [tilespmem:v49+s7+$0x0], $0xffff  }
0x27c: {  	v49 =	vld [tilespmem:$0x1FA50]  }
0x27d: {  	v45 =	vadd.f32 v52, v45;
	v52 =	vld [tilespmem:$0x1EEE0];
	_ =	sdelay $0x1  }
0x27e: {  	[tilespmem:$0x1F040] =	vst v53;
	v10 =	vmul.f32 v10, v54;
	v56 =	vld.idx.msk [tilespmem:v56+s2+$0x0], $0xffff;
	v8 =	vmul.f32 v8, v51  }
0x27f: {  	v17 =	vmul.f32 v17, v14;
	[tilespmem:$0x1F1E0] =	vst v2;
	v27 =	vmul.f32 v27, v20;
	v53 =	vld [tilespmem:$0x1EED0]  }
0x280: {  	v8 =	vadd.f32 v10, v8;
	v10 =	vmul.f32 v31, v4;
	v31 =	vmul.f32 v34, v2;
	v47 =	vld.idx.msk [tilespmem:v16+s7+$0x0], $0xffff  }
0x281: {  	[tilespmem:$0x1F200] =	vst v1;
	v1 =	vmul.f32 v41, v1;
	v12 =	vmul.f32 v12, v52;
	v16 =	vld [tilespmem:$0x1EEC0]  }
0x282: {  	[tilespmem:$0x1F1D0] =	vst v4;
	v41 =	vld.idx.msk [tilespmem:v5+s2+$0x0], $0xffff;
	v2 =	vmul.f32 v61, v50;
	v4 =	vmul.f32 v55, v59;
	v55 =	vadd.s32 $0x56, v57  }
0x283: {  	v12 =	vadd.f32 v27, v12;
	v27 =	vmul.f32 v38, v46;
	v38 =	vadd.s32 $0x57, v57;
	v49 =	vld.idx.msk [tilespmem:v49+s2+$0x0], $0xffff  }
0x284: {  	v19 =	vadd.f32 v28, v19;
	[tilespmem:$0x1F1F0] =	vst v46;
	v46 =	vadd.s32 $0x58, v57  }
0x285: {  	v17 =	vadd.f32 v23, v17;
	v61 =	vld [tilespmem:$0x1EF10];
	v23 =	vadd.f32 v4, v2  }
0x286: {  	[tilespmem:$0x1F220] =	vst v59;
	v59 =	vld [tilespmem:$0x1EF00];
	v2 =	vadd.f32 v11, v9;
	v9 =	vadd.f32 v24, v15;
	v53 =	vmul.f32 v53, v16  }
0x287: {  	[tilespmem:$0x1F180] =	vst v14;
	v24 =	vld.idx.msk [tilespmem:v55+s2+$0x0], $0xffff;
	v55 =	vadd.s32 $0x5A, v57;
	v14 =	vmul.f32 v56, v47;
	v56 =	vmul.f32 v41, v7  }
0x288: {  	v7 =	vadd.f32 v29, v13;
	v29 =	vadd.f32 v33, v32;
	v32 =	vld.idx.msk [tilespmem:v38+s2+$0x0], $0xffff;
	v49 =	vmul.f32 v49, v30  }
0x289: {  	v28 =	vld.idx.msk [tilespmem:v46+s2+$0x0], $0xffff;
	v6 =	vadd.f32 v6, v53;
	v53 =	vadd.s32 $0x55, v57;
	[tilespmem:$0x1F1A0] =	vst v56;
	v56 =	vadd.f32 v37, v40  }
0x28a: {  	v40 =	vadd.f32 v45, v43;
	v45 =	vld [tilespmem:$0x1FFF0];
	v34 =	vadd.f32 v49, v14;
	v49 =	vadd.s32 $0x59, v57  }
0x28b: {  	vm6 =	vcmask $0x3B38;
	v10 =	vadd.f32 v31, v10;
	v14 =	vld [tilespmem:$0x1EEF0]  }
0x28c: {  	v27 =	vadd.f32 v1, v27;
	v1 =	vadd.f32 v61, v59;
	v59 =	vadd.s32 $0x5B, v57;
	v5 =	vld.idx.msk [tilespmem:v55+s2+$0x0], $0xffff  }
0x28d: {  	[tilespmem:$0x1F210] =	vst v50;
	v50 =	vadd.f32 v18, v35;
	v35 =	vadd.s32 $0x66, v57;
	v41 =	vadd.s32 $0x5C, v57;
	v37 =	vld [tilespmem:$0x1EF20]  }
0x28e: {  	v61 =	vadd.f32 v48, v39;
	v10 =	vadd.f32 v27, v10;
	v46 =	vadd.s32 $0x5D, v57;
	v11 =	vld.idx.msk [tilespmem:v53+s2+$0x0], $0xffff  }
0x28f: {  	v48 =	vadd.s32 $0x5E, v57;
	v1 =	vadd.f32 v2, v1;
	v53 =	vadd.f32 v36, v25;
	v13 =	vld.idx.msk [tilespmem:v49+s2+$0x0], $0xffff  }
0x290: {  	v33 =	vadd.s32 $0x64, v57;
	v43 =	vadd.f32 v17, v12;
	v22 =	vadd.f32 v22, v14;
	v14 =	vld [tilespmem:$0x1EF70]  }
0x291: {  	v7 =	vadd.f32 v9, v7;
	v55 =	vadd.s32 $0x60, v57;
	v50 =	vadd.f32 v53, v50;
	v53 =	vld.idx.msk [tilespmem:v59+s2+$0x0], $0xffff  }
0x292: {  	v24 =	vmul.f32 v24, v63;
	v63 =	vimm.s32 $0x7C0;
	v59 =	vadd.f32 v40, v61;
	v61 =	vld.idx.msk [tilespmem:v41+s2+$0x0], $0xffff  }
0x293: {  	v17 =	vimm.s32 $0x7C1;
	v4 =	vsel vm8, $0x71, v63;
	v36 =	vadd.s32 $0x61, v57;
	v40 =	vld.idx.msk [tilespmem:v46+s2+$0x0], $0xffff  }
0x294: {  	v18 =	vsel vm8, $0x72, v17;
	v56 =	vadd.f32 v56, v29;
	v49 =	vadd.s32 $0x5F, v57;
	v41 =	vld.idx.msk [tilespmem:v48+s2+$0x0], $0xffff  }
0x295: {  	v6 =	vadd.f32 v8, v6;
	v29 =	vimm.s32 $0x7C2;
	v23 =	vadd.f32 v34, v23;
	v12 =	vld.idx.msk [tilespmem:v45+s2+$0x0], $0xffff  }
0x296: {  	v31 =	vsel vm8, $0x73, v29;
	v19 =	vadd.f32 v19, v22;
	v46 =	vadd.f32 v59, v56;
	v56 =	vld [tilespmem:$0x1EF40]  }
0x297: {  	v34 =	vadd.s32 $0x65, v57;
	v38 =	vadd.f32 v43, v6;
	v39 =	vadd.f32 v23, v10;
	v59 =	vld [tilespmem:$0x1EF50]  }
0x298: {  	v43 =	vadd.s32 $0x62, v57;
	v7 =	vadd.f32 v50, v7;
	v1 =	vadd.f32 v1, v19;
	v50 =	vld.idx.msk [tilespmem:v36+s2+$0x0], $0xffff  }
0x299: {  	v23 =	vmul.f32 v32, v62;
	v25 =	vmul.f32 v28, v60;
	v32 =	vadd.s32 $0x63, v57;
	v48 =	vld.idx.msk [tilespmem:v49+s2+$0x0], $0xffff  }
0x29a: {  	v45 =	vmul.f32 v11, v44;
	v36 =	vimm.s32 $0x7C3;
	v49 =	vld.idx.msk [tilespmem:v55+s2+$0x0], $0xffff;
	v7 =	vadd.f32 v7, v1  }
0x29b: {  	v62 =	vld [tilespmem:$0x1EF60];
	v2 =	vmul.f32 v12, v37;
	v37 =	vsel vm8, $0x74, v36;
	v15 =	vmul.f32 v5, v56  }
0x29c: {  	v55 =	vld [tilespmem:$0x1EF30];
	v22 =	vmul.f32 v53, v59;
	v53 =	vmul.f32 v61, v3;
	v12 =	vsel vm9, $0xF5, v37  }
0x29d: {  	v61 =	vld.idx.msk [tilespmem:v43+s2+$0x0], $0xffff;
	v43 =	vadd.s32 $0x69, v57;
	v56 =	vadd.s32 $0x6C, v57;
	[tilespmem:$0x1F1C0] =	vst v2;
	v2 =	vadd.f32 v39, v38  }
0x29e: {  	v38 =	vadd.s32 $0x67, v57;
	v39 =	vimm.s32 $0x7C4;
	v27 =	vmul.f32 v48, v58  }
0x29f: {  	v12 =	vsel vm10, $0x176, v12;
	v59 =	vmul.f32 v49, v26;
	v48 =	vmul.f32 v50, v14  }
0x2a0: {  	v12 =	vsel vm0, $0x1F7, v12;
	v49 =	vadd.s32 $0x6A, v57;
	v50 =	vadd.s32 $0x6B, v57  }
0x2a1: {  	v19 =	vld [tilespmem:$0x1EF80];
	v58 =	vadd.s32 $0x6D, v57;
	v11 =	vadd.f32 v2, v46;
	v2 =	vmul.f32 v13, v55  }
0x2a2: {  	v46 =	vmul.f32 v40, v62;
	v55 =	vmul.f32 v41, v21;
	v13 =	vsel vm9, $0xF2, v4  }
0x2a3: {  	v21 =	vsel vm9, $0xF3, v18;
	v40 =	vsel vm8, $0x75, v39;
	v41 =	vadd.s32 $0x68, v57  }
0x2a4: {  	v12 =	vsel vm1, $0x278, v12;
	v62 =	vadd.s32 $0x70, v57;
	v6 =	vsel vm10, $0x173, v13  }
0x2a5: {  	v28 =	vsel vm10, $0x174, v21;
	v17 =	vsel vm9, $0xF6, v40;
	v12 =	vsel vm2, $0x2F9, v12  }
0x2a6: {  	v9 =	vld.idx.msk [tilespmem:v33+s2+$0x0], $0xffff;
	v60 =	vadd.f32 v11, v7;
	v6 =	vsel vm0, $0x1F4, v6;
	v44 =	vmul.f32 v61, v19  }
0x2a7: {  	v10 =	vld.idx.msk [tilespmem:v34+s2+$0x0], $0xffff;
	v7 =	vsel vm9, $0xF4, v31;
	v17 =	vsel vm10, $0x177, v17;
	v12 =	vsel vm3, $0x37A, v12  }
0x2a8: {  	v34 =	vld [tilespmem:$0x1EFA0];
	v61 =	vadd.s32 $0x6F, v57;
	v6 =	vsel vm1, $0x275, v6;
	v7 =	vsel vm10, $0x175, v7  }
0x2a9: {  	v8 =	vld.idx.msk [tilespmem:v32+s2+$0x0], $0xffff;
	v17 =	vsel vm0, $0x1F8, v17;
	v12 =	vsel vm4, $0x3FB, v12;
	v5 =	vsub.f32 $0.0e+00, v60  }
0x2aa: {  	v21 =	vld [tilespmem:$0x1EF90];
	v26 =	vsel vm2, $0x2F6, v6;
	v6 =	vsel vm0, $0x1F5, v28;
	v7 =	vsel vm0, $0x1F6, v7  }
0x2ab: {  	v11 =	vld.idx.msk [tilespmem:v35+s2+$0x0], $0xffff;
	v17 =	vsel vm1, $0x279, v17;
	v12 =	vsel vm5, $0x47C, v12;
	v60 =	vadd.s32 $0x6E, v57  }
0x2ac: {  	v19 =	vld.idx.msk [tilespmem:v43+s2+$0x0], $0xffff;
	v6 =	vsel vm1, $0x276, v6;
	v7 =	vsel vm1, $0x277, v7;
	v17 =	vsel vm2, $0x2FA, v17  }
0x2ad: {  	v35 =	vld [tilespmem:$0x1EFB0];
	v12 =	vsel vm7, $0x4FD, v12;
	v5 =	vmul.f32 $1.442695020e+00, v5;
	v6 =	vsel vm2, $0x2F7, v6  }
0x2ae: {  	v13 =	vld.idx.msk [tilespmem:v38+s2+$0x0], $0xffff;
	v7 =	vsel vm2, $0x2F8, v7;
	v12 =	vsel vm11, $0x57E, v12;
	v6 =	vsel vm3, $0x378, v6  }
0x2af: {  	v38 =	vld.idx.msk [tilespmem:v56+s2+$0x0], $0xffff;
	(erf) = vpow2.f32 v5;
	v5 =	vsel vm3, $0x377, v26;
	v6 =	vsel vm4, $0x3F9, v6  }
0x2b0: {  	v36 =	vld.idx.msk [tilespmem:v49+s2+$0x0], $0xffff;
	v7 =	vsel vm3, $0x379, v7;
	v5 =	vsel vm4, $0x3F8, v5;
	v6 =	vsel vm5, $0x47A, v6  }
0x2b1: {  	v37 =	vld.idx.msk [tilespmem:v50+s2+$0x0], $0xffff;
	v7 =	vsel vm4, $0x3FA, v7;
	v5 =	vsel vm5, $0x479, v5;
	v6 =	vsel vm7, $0x4FB, v6  }
0x2b2: {  	v39 =	vld.idx.msk [tilespmem:v58+s2+$0x0], $0xffff;
	v7 =	vsel vm5, $0x47B, v7;
	v5 =	vsel vm7, $0x4FA, v5;
	v6 =	vsel vm11, $0x57C, v6  }
0x2b3: {  	v49 =	vld [tilespmem:$0x1EFC0];
	v7 =	vsel vm7, $0x4FC, v7;
	v5 =	vsel vm11, $0x57B, v5;
	v6 =	vsel vm12, $0x5FD, v6  }
0x2b4: {  	v50 =	vld [tilespmem:$0x1EFD0];
	v7 =	vsel vm11, $0x57D, v7;
	v5 =	vsel vm12, $0x5FC, v5;
	v6 =	vsel vm13, $0x67E, v6  }
0x2b5: {  	v58 =	vld [tilespmem:$0x1EFE0];
	v7 =	vsel vm12, $0x5FE, v7;
	v5 =	vsel vm13, $0x67D, v5;
	v6 =	vsel vm14, $0x6FF, v6  }
0x2b6: {  	v18 =	vld.idx.msk [tilespmem:v41+s2+$0x0], $0xffff;
	v7 =	vsel vm13, $0x67F, v7;
	v5 =	vsel vm14, $0x6FE, v5;
	v6 =	vsel vm6, $0x740, v6  }
0x2b7: {  	v28 =	vmul.f32 v8, v21;
	v8 =	vld.idx.msk [tilespmem:v62+s2+$0x0], $0xffff;
	v7 =	vsel vm14, $0x6C0, v7;
	v5 =	vsel vm6, $0x77F, v5  }
0x2b8: {  	v17 =	vsel vm3, $0x37B, v17;
	v12 =	vsel vm12, $0x5FF, v12;
	v41 =	vld.idx.msk [tilespmem:v61+s2+$0x0], $0xffff;
	v7 =	vsel vm6, $0x741, v7  }
0x2b9: {  	v17 =	vsel vm4, $0x3FC, v17;
	v12 =	vsel vm13, $0x640, v12;
	v40 =	vld.idx.msk [tilespmem:v60+s2+$0x0], $0xffff  }
0x2ba: {  	v63 =	vimm.s32 $0x7C5;
	v17 =	vsel vm5, $0x47D, v17;
	v12 =	vsel vm14, $0x6C1, v12;
	v60 =	vld [tilespmem:$0x1EFF0]  }
0x2bb: {  	v23 =	vadd.f32 v23, v24;
	v17 =	vsel vm7, $0x4FE, v17;
	v12 =	vsel vm6, $0x742, v12;
	v56 =	vld.idx.msk [tilespmem:v6+s2+$0x0], $0xffff  }
0x2bc: {  	v29 =	vmul.f32 v9, v34;
	v4 =	vsel vm8, $0x76, v63;
	v17 =	vsel vm11, $0x57F, v17;
	v9 =	vld.idx.msk [tilespmem:v5+s2+$0x0], $0xffff  }
0x2bd: {  	v15 =	vadd.f32 v22, v15;
	v31 =	vsel vm9, $0xF7, v4;
	v17 =	vsel vm12, $0x5C0, v17;
	v7 =	vld.idx.msk [tilespmem:v7+s2+$0x0], $0xffff  }
0x2be: {  	v2 =	vadd.f32 v2, v25;
	v25 =	vadd.f32 v46, v53;
	v17 =	vsel vm13, $0x641, v17;
	v61 =	vld [tilespmem:$0x1F000]  }
0x2bf: {  	v27 =	vadd.f32 v27, v55;
	v46 =	vadd.f32 v48, v59;
	v17 =	vsel vm14, $0x6C2, v17;
	v62 =	vld [tilespmem:$0x1F010]  }
0x2c0: {  	v26 =	vsel vm10, $0x178, v31;
	v31 =	vmul.f32 v10, v35;
	v17 =	vsel vm6, $0x743, v17;
	v63 =	vld.idx.msk [tilespmem:v12+s2+$0x0], $0xffff  }
0x2c1: {  	v2 =	vadd.f32 v15, v2;
	v38 =	vmul.f32 v38, v42;
	v32 =	vmul.f32 v11, v49;
	v14 =	vld [tilespmem:$0x1F020]  }
0x2c2: {  	v43 =	vsel vm0, $0x1F9, v26;
	v33 =	vmul.f32 v13, v50;
	v35 =	vmul.f32 v19, v60;
	v19 =	vld [tilespmem:$0x1F030]  }
0x2c3: {  	v28 =	vadd.f32 v28, v44;
	v34 =	vmul.f32 v18, v58;
	v5 =	vsel vm1, $0x27A, v43;
	v21 =	vld [tilespmem:$0x1F040]  }
0x2c4: {  	v29 =	vadd.f32 v31, v29;
	v31 =	vadd.f32 v33, v32;
	v43 =	vld [tilespmem:$0x1F050];
	v5 =	vsel vm2, $0x2FB, v5  }
0x2c5: {  	v60 =	vimm.s32 $0x7C6;
	v17 =	vld.idx.msk [tilespmem:v17+s2+$0x0], $0xffff;
	v5 =	vsel vm3, $0x37C, v5;
	v4 =	vmul.f32 v56, v51  }
0x2c6: {  	v58 =	vld [tilespmem:$0x1F070];
	v18 =	vsel vm4, $0x3FD, v5;
	v36 =	vmul.f32 v36, v61;
	v37 =	vmul.f32 v37, v62  }
0x2c7: {  	v50 =	vpop (erf);
	v42 =	vld [tilespmem:$0x1F0C0];
	v26 =	vsel vm5, $0x47E, v18;
	v39 =	vmul.f32 v39, v14;
	v5 =	vmul.f32 v40, v19  }
0x2c8: {  	v51 =	vadd.f32 $1.000000000e+00, v50;
	v56 =	vld [tilespmem:$0x1F060];
	v40 =	vmul.f32 v41, v21;
	v41 =	vmul.f32 v8, v16  }
0x2c9: {  	v18 =	vld [tilespmem:$0x1F0B0];
	v6 =	vmul.f32 v9, v43;
	v49 =	vsel vm7, $0x4FF, v26;
	v10 =	vmul.f32 v7, v54  }
0x2ca: {  	v9 =	vmul.f32 v63, v52;
	v12 =	vmul.f32 v17, v20;
	v61 =	vsel vm8, $0x77, v60;
	v62 =	vld [tilespmem:$0x1F080]  }
0x2cb: {  	v63 =	vld [tilespmem:$0x1F090];
	v19 =	vimm.s32 $0x7C7;
	v8 =	vsel vm11, $0x540, v49;
	(erf) = vrcp.f32 v51  }
0x2cc: {  	v16 =	vld [tilespmem:$0x1F0A0];
	v3 =	vsel vm9, $0xF8, v61;
	v21 =	vsel vm8, $0x78, v19;
	v49 =	vimm.s32 $0x7C8  }
0x2cd: {  	v43 =	vld [tilespmem:$0x1F0D0];
	v54 =	vsel vm12, $0x5C1, v8;
	v14 =	vsel vm10, $0x179, v3;
	v26 =	vsel vm9, $0xF9, v21  }
0x2ce: {  	v50 =	vsel vm8, $0x79, v49;
	v6 =	vadd.f32 v6, v41;
	v4 =	vadd.f32 v10, v4  }
0x2cf: {  	v8 =	vsel vm13, $0x642, v54;
	v17 =	vsel vm0, $0x1FA, v14;
	v19 =	vsel vm9, $0xFA, v50  }
0x2d0: {  	v7 =	vadd.f32 v58, v56;
	v8 =	vsel vm14, $0x6C3, v8;
	v17 =	vsel vm1, $0x27B, v17  }
0x2d1: {  	v19 =	vsel vm10, $0x17B, v19;
	v56 =	vimm.s32 $0x7C9;
	v13 =	vadd.f32 v63, v62  }
0x2d2: {  	v20 =	vsel vm6, $0x744, v8;
	v8 =	vadd.f32 v18, v16;
	v11 =	vadd.f32 v43, v42  }
0x2d3: {  	v18 =	vsel vm10, $0x17A, v26;
	v17 =	vsel vm2, $0x2FC, v17;
	v19 =	vsel vm0, $0x1FC, v19  }
0x2d4: {  	v58 =	vsel vm8, $0x7A, v56;
	v63 =	vimm.s32 $0x7CA;
	v16 =	vimm.s32 $0x7CE  }
0x2d5: {  	v18 =	vsel vm0, $0x1FB, v18;
	v17 =	vsel vm3, $0x37D, v17;
	v19 =	vsel vm1, $0x27D, v19  }
0x2d6: {  	v60 =	vsel vm9, $0xFB, v58;
	v14 =	vsel vm8, $0x7B, v63;
	v58 =	vimm.s32 $0x7CB  }
0x2d7: {  	v63 =	vimm.s32 $0x7CD;
	v18 =	vsel vm1, $0x27C, v18;
	v17 =	vsel vm4, $0x3FE, v17  }
0x2d8: {  	v19 =	vsel vm2, $0x2FE, v19;
	v43 =	vsel vm10, $0x17C, v60;
	v26 =	vsel vm9, $0xFC, v14  }
0x2d9: {  	v60 =	vsel vm8, $0x7C, v58;
	v14 =	vsel vm8, $0x7E, v63;
	v7 =	vadd.f32 v13, v7  }
0x2da: {  	v8 =	vadd.f32 v11, v8;
	v18 =	vsel vm2, $0x2FD, v18;
	v17 =	vsel vm5, $0x47F, v17  }
0x2db: {  	v19 =	vsel vm3, $0x37F, v19;
	v43 =	vsel vm0, $0x1FD, v43;
	v58 =	vsel vm9, $0xFF, v14  }
0x2dc: {  	v18 =	vsel vm3, $0x37E, v18;
	v17 =	vsel vm7, $0x4C0, v17;
	v19 =	vsel vm4, $0x3C0, v19  }
0x2dd: {  	v43 =	vsel vm1, $0x27E, v43;
	v58 =	vsel vm10, $0x140, v58;
	v18 =	vsel vm4, $0x3FF, v18  }
0x2de: {  	v17 =	vsel vm11, $0x541, v17;
	v19 =	vsel vm5, $0x441, v19;
	v43 =	vsel vm2, $0x2FF, v43  }
0x2df: {  	v52 =	vld [tilespmem:$0x1F0E0];
	v58 =	vsel vm0, $0x1C1, v58;
	v18 =	vsel vm5, $0x440, v18;
	v17 =	vsel vm12, $0x5C2, v17  }
0x2e0: {  	v54 =	vld [tilespmem:$0x1F0F0];
	v19 =	vsel vm7, $0x4C2, v19;
	v43 =	vsel vm3, $0x340, v43;
	v58 =	vsel vm1, $0x242, v58  }
0x2e1: {  	v18 =	vsel vm7, $0x4C1, v18;
	v17 =	vsel vm13, $0x643, v17;
	v19 =	vsel vm11, $0x543, v19  }
0x2e2: {  	v43 =	vsel vm4, $0x3C1, v43;
	v58 =	vsel vm2, $0x2C3, v58;
	v18 =	vsel vm11, $0x542, v18  }
0x2e3: {  	v17 =	vsel vm14, $0x6C4, v17;
	v19 =	vsel vm12, $0x5C4, v19;
	v43 =	vsel vm5, $0x442, v43  }
0x2e4: {  	v58 =	vsel vm3, $0x344, v58;
	v18 =	vsel vm12, $0x5C3, v18;
	v21 =	vsel vm6, $0x745, v17  }
0x2e5: {  	v61 =	vld [tilespmem:$0x1F100];
	v51 =	vsel vm13, $0x645, v19;
	v17 =	vadd.f32 v54, v52;
	v52 =	vsel vm9, $0xFD, v60  }
0x2e6: {  	v62 =	vld [tilespmem:$0x1F110];
	v43 =	vsel vm7, $0x4C3, v43;
	v58 =	vsel vm4, $0x3C5, v58;
	v18 =	vsel vm13, $0x644, v18  }
0x2e7: {  	v19 =	vsel vm14, $0x6C6, v51;
	v51 =	vsel vm10, $0x17D, v26;
	v52 =	vsel vm10, $0x17E, v52  }
0x2e8: {  	v43 =	vsel vm11, $0x544, v43;
	v26 =	vsel vm8, $0x7F, v16;
	v58 =	vsel vm5, $0x446, v58  }
0x2e9: {  	v56 =	vld [tilespmem:$0x1F130];
	v18 =	vsel vm14, $0x6C5, v18;
	v50 =	vsel vm6, $0x747, v19;
	v51 =	vsel vm0, $0x1FE, v51  }
0x2ea: {  	v54 =	vld [tilespmem:$0x1F120];
	v52 =	vsel vm0, $0x1FF, v52;
	v43 =	vsel vm12, $0x5C5, v43;
	v58 =	vsel vm7, $0x4C7, v58  }
0x2eb: {  	v49 =	vsel vm6, $0x746, v18;
	v18 =	vadd.f32 v62, v61;
	v51 =	vsel vm1, $0x27F, v51  }
0x2ec: {  	v52 =	vsel vm1, $0x240, v52;
	v43 =	vsel vm13, $0x646, v43;
	v61 =	vimm.s32 $0x7CC  }
0x2ed: {  	v58 =	vsel vm11, $0x548, v58;
	v51 =	vsel vm2, $0x2C0, v51;
	v52 =	vsel vm2, $0x2C1, v52  }
0x2ee: {  	v43 =	vsel vm14, $0x6C7, v43;
	v62 =	vsel vm8, $0x7D, v61;
	v61 =	vsel vm9, $0xC0, v26  }
0x2ef: {  	v55 =	vld [tilespmem:$0x1F1F0];
	v58 =	vsel vm12, $0x5C9, v58;
	v19 =	vadd.f32 v56, v54;
	v51 =	vsel vm3, $0x341, v51  }
0x2f0: {  	v14 =	vld [tilespmem:$0x1F150];
	v42 =	vpop (erf);
	v52 =	vsel vm3, $0x342, v52;
	v43 =	vsel vm6, $0x748, v43;
	v56 =	vsel vm9, $0xFE, v62  }
0x2f1: {  	v20 =	vld.idx.msk [tilespmem:v20+s2+$0x0], $0xffff;
	v61 =	vsel vm10, $0x141, v61;
	v58 =	vsel vm13, $0x64A, v58;
	v62 =	vsub.f32 $1.000000000e+00, v42  }
0x2f2: {  	v16 =	vld [tilespmem:$0x1F160];
	v51 =	vsel vm4, $0x3C2, v51;
	v52 =	vsel vm4, $0x3C3, v52;
	v56 =	vsel vm10, $0x17F, v56  }
0x2f3: {  	v26 =	vld [tilespmem:$0x1F170];
	v61 =	vsel vm0, $0x1C2, v61;
	v58 =	vsel vm14, $0x6CB, v58;
	v51 =	vsel vm5, $0x443, v51  }
0x2f4: {  	v54 =	vld [tilespmem:$0x1F140];
	v52 =	vsel vm5, $0x444, v52;
	v56 =	vsel vm0, $0x1C0, v56;
	v61 =	vsel vm1, $0x243, v61  }
0x2f5: {  	v42 =	vld [tilespmem:$0x1F180];
	v58 =	vsel vm6, $0x74C, v58;
	v51 =	vsel vm7, $0x4C4, v51;
	v52 =	vsel vm7, $0x4C5, v52  }
0x2f6: {  	v44 =	vld [tilespmem:$0x1F220];
	v56 =	vsel vm1, $0x241, v56;
	v61 =	vsel vm2, $0x2C4, v61;
	v51 =	vsel vm11, $0x545, v51  }
0x2f7: {  	v60 =	vld [tilespmem:$0x1F1A0];
	v52 =	vsel vm11, $0x546, v52;
	v56 =	vsel vm2, $0x2C2, v56;
	v61 =	vsel vm3, $0x345, v61  }
0x2f8: {  	v21 =	vld.idx.msk [tilespmem:v21+s2+$0x0], $0xffff;
	v1 =	vadd.f32 v26, v16;
	v51 =	vsel vm12, $0x5C6, v51;
	v52 =	vsel vm12, $0x5C7, v52  }
0x2f9: {  	v49 =	vld.idx.msk [tilespmem:v49+s2+$0x0], $0xffff;
	v56 =	vsel vm3, $0x343, v56;
	v61 =	vsel vm4, $0x3C6, v61;
	v63 =	vadd.f32 v14, v54  }
0x2fa: {  	v16 =	vld [tilespmem:$0x1F1B0];
	v20 =	vmul.f32 v20, v42;
	v51 =	vsel vm13, $0x647, v51;
	v56 =	vsel vm4, $0x3C4, v56  }
0x2fb: {  	v42 =	vld [tilespmem:$0x1F1D0];
	v52 =	vsel vm13, $0x648, v52;
	v61 =	vsel vm5, $0x447, v61;
	v56 =	vsel vm5, $0x445, v56  }
0x2fc: {  	v54 =	vld [tilespmem:$0x1F190];
	v51 =	vsel vm14, $0x6C8, v51;
	v52 =	vsel vm14, $0x6C9, v52;
	v56 =	vsel vm7, $0x4C6, v56  }
0x2fd: {  	v50 =	vld.idx.msk [tilespmem:v50+s2+$0x0], $0xffff;
	v61 =	vsel vm7, $0x4C8, v61;
	v51 =	vsel vm6, $0x749, v51;
	v56 =	vsel vm11, $0x547, v56  }
0x2fe: {  	v26 =	vld [tilespmem:$0x1F1C0];
	v52 =	vsel vm6, $0x74A, v52;
	v61 =	vsel vm11, $0x549, v61;
	v56 =	vsel vm12, $0x5C8, v56  }
0x2ff: {  	v43 =	vld.idx.msk [tilespmem:v43+s2+$0x0], $0xffff;
	v61 =	vsel vm12, $0x5CA, v61;
	v21 =	vmul.f32 v21, v16;
	v56 =	vsel vm13, $0x649, v56  }
0x300: {  	v61 =	vsel vm13, $0x64B, v61;
	v16 =	vmul.f32 v49, v42;
	v49 =	vld [tilespmem:$0x1F1E0];
	v56 =	vsel vm14, $0x6CA, v56  }
0x301: {  	v14 =	vadd.f32 v60, v54;
	v54 =	vld.idx.msk [tilespmem:v58+s2+$0x0], $0xffff;
	v61 =	vsel vm14, $0x6CC, v61;
	v56 =	vsel vm6, $0x74B, v56  }
0x302: {  	v5 =	vadd.f32 v40, v5;
	v9 =	vadd.f32 v12, v9;
	v58 =	vld [tilespmem:$0x1F200];
	v61 =	vsel vm6, $0x74D, v61  }
0x303: {  	v4 =	vadd.f32 v4, v6;
	v7 =	vadd.f32 v8, v7;
	v60 =	vld [tilespmem:$0x1F210]  }
0x304: {  	v62 =	vadd.f32 $9.999946100e-41, v62;
	v45 =	vadd.f32 v45, v26;
	v26 =	vmul.f32 v43, v55;
	v51 =	vld.idx.msk [tilespmem:v51+s2+$0x0], $0xffff  }
0x305: {  	v42 =	vadd.f32 v37, v36;
	v55 =	vadd.f32 v63, v19;
	v52 =	vld.idx.msk [tilespmem:v52+s2+$0x0], $0xffff;
	v3 =	vmul.f32 v50, v49  }
0x306: {  	v49 =	vadd.f32 v39, v38;
	v22 =	vmul.f32 v54, v47;
	v54 =	vadd.f32 v18, v17;
	v24 =	vld.idx.msk [tilespmem:v56+s2+$0x0], $0xffff  }
0x307: {  	v1 =	vadd.f32 v14, v1;
	v3 =	vadd.f32 v3, v16;
	v56 =	vld.idx.msk [tilespmem:v61+s2+$0x0], $0xffff  }
0x308: {  	v5 =	vadd.f32 v5, v49;
	v16 =	vadd.f32 v55, v54  }
0x309: {  	v59 =	vmul.f32 v51, v58;
	v61 =	vadd.f32 v35, v34;
	v51 =	vadd.f32 v21, v20  }
0x30a: {  	v32 =	vmul.f32 v52, v60;
	v58 =	vadd.f32 v27, v25;
	v60 =	vadd.f32 v31, v29  }
0x30b: {  	v52 =	vadd.f32 v59, v26;
	v59 =	vadd.f32 v28, v46  }
0x30c: {  	v61 =	vadd.f32 v42, v61;
	v24 =	vmul.f32 v24, v44;
	v50 =	vmul.f32 v56, v30  }
0x30d: {  	v63 =	vadd.f32 v51, v9;
	v2 =	vadd.f32 v58, v2  }
0x30e: {  	v53 =	vadd.f32 v24, v32;
	v10 =	vadd.f32 v50, v22  }
0x30f: {  	v3 =	vadd.f32 v52, v3;
	v17 =	vadd.f32 v60, v59  }
0x310: {  	v56 =	vadd.f32 v23, v45;
	v12 =	vadd.f32 v10, v53  }
0x311: {  	v5 =	vadd.f32 v5, v61;
	v4 =	vadd.f32 v63, v4  }
0x312: {  	v1 =	vadd.f32 v56, v1;
	v3 =	vadd.f32 v12, v3  }
0x313: {  	v18 =	vadd.f32 v16, v7;
	v19 =	vadd.f32 v5, v17  }
0x314: {  	v1 =	vadd.f32 v2, v1;
	v3 =	vadd.f32 v3, v4;
	_ =	sdelay $0x1  }
0x315: {  	v20 =	vand.u32 $0x7FFFFF, v62;
	v1 =	vadd.f32 v1, v18;
	v2 =	vadd.f32 v3, v19  }
0x316: {  	v21 =	vor.u32 $0x3F800000, v20  }
0x317: {  	v4 =	vmul.f32 $5.000000000e-01, v21;
	v1 =	vadd.f32 v2, v1  }
0x318: {  	vm15 =	vgt.f32 v21, $1.414213540e+00  }
0x319: {  	v14 =	vsel vm15, v4, v21;
	v1 =	vsub.f32 $0.0e+00, v1  }
0x31a: {  	v22 =	vadd.f32 $1.000000000e+00, v14  }
0x31b: {  	v1 =	vmul.f32 $1.442695020e+00, v1  }
0x31c: {  	(erf) = vrcp.f32 v22  }
0x31d: {  	(erf) = vpow2.f32 v1;
	_ =	sdelay $0x7  }
0x31e: {  	v37 =	vpop (erf)  }
0x31f: {  	v33 =	vpop (erf)  }
0x320: {  	v35 =	vadd.f32 $1.000000000e+00, v33  }
0x321: {  	v40 =	vadd.s32 $0x843, v57  }
0x322: {  	v38 =	vadd.s32 $0x403, v0;
	(erf) = vrcp.f32 v35  }
0x323: {  	v49 =	vadd.s32 $0x406, v0  }
0x324: {  	v34 =	vadd.s32 $0x842, v57  }
0x325: {  	v25 =	vadd.s32 $0x840, v57  }
0x326: {  	v8 =	vld.idx.msk [tilespmem:v40+s2+$0x0], $0xffff;
	v27 =	vadd.s32 $0x801, v57  }
0x327: {  	v55 =	vadd.s32 $0x807, v57;
	v9 =	vld.idx.msk [tilespmem:v38+s7+$0x0], $0xffff  }
0x328: {  	v26 =	vadd.s32 $0x401, v0;
	v20 =	vld.idx.msk [tilespmem:v49+s7+$0x0], $0xffff  }
0x329: {  	v46 =	vadd.s32 $0x405, v0;
	v43 =	vld.idx.msk [tilespmem:v34+s2+$0x0], $0xffff  }
0x32a: {  	v58 =	vadd.s32 $0x408, v0;
	v31 =	vld.idx.msk [tilespmem:v25+s2+$0x0], $0xffff  }
0x32b: {  	v36 =	vld.idx.msk [tilespmem:v27+s2+$0x0], $0xffff;
	v24 =	vor.u32 $0x800, v57;
	v51 =	vpop (erf)  }
0x32c: {  	v39 =	vadd.s32 $0x803, v57;
	v25 =	vld.idx.msk [tilespmem:v55+s2+$0x0], $0xffff;
	v53 =	vsub.f32 $1.000000000e+00, v51  }
0x32d: {  	v52 =	vadd.s32 $0x846, v57;
	v5 =	vld.idx.msk [tilespmem:v26+s7+$0x0], $0xffff  }
0x32e: {  	v23 =	vor.u32 $0x400, v0;
	v17 =	vld.idx.msk [tilespmem:v46+s7+$0x0], $0xffff;
	[tilespmem:$0x1F280] =	vst v43;
	v43 =	vadd.f32 $9.999946100e-41, v53  }
0x32f: {  	v30 =	vadd.s32 $0x402, v0;
	v26 =	vld.idx.msk [tilespmem:v58+s7+$0x0], $0xffff  }
0x330: {  	v44 =	vadd.s32 $0x804, v57;
	v29 =	vld.idx.msk [tilespmem:v24+s2+$0x0], $0xffff;
	v59 =	vand.u32 $0x7FFFFF, v43  }
0x331: {  	v54 =	vadd.s32 $0x407, v0;
	v10 =	vld.idx.msk [tilespmem:v39+s2+$0x0], $0xffff;
	v61 =	vor.u32 $0x3F800000, v59  }
0x332: {  	v63 =	vadd.s32 $0x848, v57;
	v13 =	vld.idx.msk [tilespmem:v52+s2+$0x0], $0xffff;
	v3 =	vmul.f32 $5.000000000e-01, v61  }
0x333: {  	v49 =	vadd.s32 $0x84A, v57;
	v15 =	vld.idx.msk [tilespmem:v23+s7+$0x0], $0xffff;
	vm6 =	vgt.f32 v61, $1.414213540e+00  }
0x334: {  	v42 =	vadd.s32 $0x404, v0;
	v7 =	vld.idx.msk [tilespmem:v30+s7+$0x0], $0xffff;
	v11 =	vsel vm6, v3, v61  }
0x335: {  	v45 =	vadd.s32 $0x844, v57;
	v16 =	vld.idx.msk [tilespmem:v44+s2+$0x0], $0xffff;
	[tilespmem:$0x1F230] =	vst v29;
	v29 =	vadd.f32 $1.000000000e+00, v11  }
0x336: {  	v55 =	vadd.s32 $0x84C, v57;
	v23 =	vld.idx.msk [tilespmem:v54+s7+$0x0], $0xffff  }
0x337: {  	v47 =	vadd.s32 $0x805, v57;
	v30 =	vld.idx.msk [tilespmem:v63+s2+$0x0], $0xffff;
	(erf) = vrcp.f32 v29  }
0x338: {  	v32 =	vadd.s32 $0x802, v57;
	[tilespmem:$0x1F250] =	vst v36;
	v36 =	vld.idx.msk [tilespmem:v49+s2+$0x0], $0xffff  }
0x339: {  	v56 =	vadd.s32 $0x847, v57;
	v12 =	vld.idx.msk [tilespmem:v42+s7+$0x0], $0xffff  }
0x33a: {  	v50 =	vadd.s32 $0x806, v57;
	v18 =	vld.idx.msk [tilespmem:v45+s2+$0x0], $0xffff  }
0x33b: {  	v46 =	vadd.s32 $0x849, v57;
	v42 =	vld.idx.msk [tilespmem:v55+s2+$0x0], $0xffff  }
0x33c: {  	v19 =	vld.idx.msk [tilespmem:v47+s2+$0x0], $0xffff;
	v47 =	vadd.s32 $0x40A, v0;
	v14 =	vadd.f32 $-1.000000000e+00, v14  }
0x33d: {  	v48 =	vadd.s32 $0x845, v57;
	v41 =	vld.idx.msk [tilespmem:v32+s2+$0x0], $0xffff  }
0x33e: {  	v27 =	vld.idx.msk [tilespmem:v56+s2+$0x0], $0xffff;
	v14 =	vmul.f32 v37, v14;
	v51 =	vadd.s32 $0x80B, v57  }
0x33f: {  	v22 =	vld.idx.msk [tilespmem:v50+s2+$0x0], $0xffff;
	v50 =	vadd.s32 $0x40B, v0;
	v58 =	vadd.f32 $-1.000000000e+00, v11  }
0x340: {  	v6 =	vadd.s32 $0x809, v57;
	v33 =	vld.idx.msk [tilespmem:v46+s2+$0x0], $0xffff;
	v46 =	vmul.f32 v14, v14;
	v63 =	vpop (erf)  }
0x341: {  	v28 =	vadd.s32 $0x841, v57;
	v52 =	vadd.s32 $0x84B, v57;
	[tilespmem:$0x1F240] =	vst v31;
	v31 =	vld.idx.msk [tilespmem:v47+s7+$0x0], $0xffff;
	v47 =	vmul.f32 v63, v58  }
0x342: {  	v60 =	vadd.s32 $0x808, v57;
	v54 =	vadd.s32 $0x80C, v57;
	v21 =	vld.idx.msk [tilespmem:v48+s2+$0x0], $0xffff;
	v11 =	vmul.f32 $1.428571490e-01, v46  }
0x343: {  	v55 =	vadd.s32 $0x853, v57;
	v56 =	vadd.s32 $0x40D, v0;
	v37 =	vld.idx.msk [tilespmem:v51+s2+$0x0], $0xffff;
	v51 =	vmul.f32 v47, v47  }
0x344: {  	v24 =	vadd.s32 $0x80E, v57;
	v16 =	vmul.f32 v16, v12;
	v35 =	vld.idx.msk [tilespmem:v50+s7+$0x0], $0xffff;
	v50 =	vadd.f32 $2.000000030e-01, v11  }
0x345: {  	v32 =	vld.idx.msk [tilespmem:v6+s2+$0x0], $0xffff;
	v4 =	vadd.s32 $0x409, v0;
	v48 =	vadd.s32 $0x80A, v57;
	v63 =	vmul.f32 $1.428571490e-01, v51  }
0x346: {  	v38 =	vld.idx.msk [tilespmem:v52+s2+$0x0], $0xffff;
	v2 =	vadd.s32 $0x84D, v57;
	[tilespmem:$0x1F2D0] =	vst v16;
	v16 =	vmul.f32 v18, v12;
	v50 =	vmul.f32 v50, v46  }
0x347: {  	v40 =	vld.idx.msk [tilespmem:v54+s2+$0x0], $0xffff;
	v18 =	vmul.f32 v19, v17;
	v61 =	vshra.s32 v62, $0x17;
	v54 =	vadd.f32 $2.000000030e-01, v63  }
0x348: {  	v55 =	vld.idx.msk [tilespmem:v55+s2+$0x0], $0xffff;
	v19 =	vmul.f32 v21, v17;
	v52 =	vadd.s32 $0xFFFFFF81, v61;
	v50 =	vadd.f32 $3.333333430e-01, v50  }
0x349: {  	v44 =	vld.idx.msk [tilespmem:v24+s2+$0x0], $0xffff;
	v24 =	vadd.s32 $0x850, v57;
	v52 =	vcvt.s32.f32 v52;
	v54 =	vmul.f32 v54, v51  }
0x34a: {  	[tilespmem:$0x1F270] =	vst v41;
	v41 =	vld.idx.msk [tilespmem:v56+s7+$0x0], $0xffff;
	v43 =	vshra.s32 v43, $0x17;
	v11 =	vadd.s32 $0x810, v57;
	v46 =	vmul.f32 v50, v46  }
0x34b: {  	v43 =	vadd.s32 $0xFFFFFF81, v43;
	v29 =	vld.idx.msk [tilespmem:v4+s7+$0x0], $0xffff;
	v4 =	vadd.f32 $1.000000000e+00, v52;
	v54 =	vadd.f32 $3.333333430e-01, v54  }
0x34c: {  	v34 =	vld.idx.msk [tilespmem:v48+s2+$0x0], $0xffff;
	v14 =	vadd.f32 v14, v14;
	v43 =	vcvt.s32.f32 v43;
	v46 =	vadd.f32 $1.000000000e+00, v46  }
0x34d: {  	v21 =	vadd.s32 $0x418, v0;
	v48 =	vld.idx.msk [tilespmem:v2+s2+$0x0], $0xffff;
	v52 =	vsel vm15, v4, v52;
	v51 =	vmul.f32 v54, v51  }
0x34e: {  	v1 =	vld.idx.msk [tilespmem:v28+s2+$0x0], $0xffff;
	v4 =	vadd.s32 $0x812, v57;
	v14 =	vmul.f32 v46, v14;
	v46 =	vadd.f32 $1.000000000e+00, v43  }
0x34f: {  	v47 =	vadd.f32 v47, v47;
	v54 =	vld.idx.msk [tilespmem:v11+s2+$0x0], $0xffff;
	v11 =	vadd.s32 $0x852, v57;
	v51 =	vadd.f32 $1.000000000e+00, v51  }
0x350: {  	v28 =	vld.idx.msk [tilespmem:v60+s2+$0x0], $0xffff;
	v60 =	vadd.s32 $0x84E, v57;
	v52 =	vmul.f32 $6.931471820e-01, v52;
	v43 =	vsel vm6, v46, v43  }
0x351: {  	v24 =	vld.idx.msk [tilespmem:v24+s2+$0x0], $0xffff;
	v53 =	vadd.s32 $0x40C, v0;
	v43 =	vmul.f32 $6.931471820e-01, v43;
	v47 =	vmul.f32 v51, v47  }
0x352: {  	v8 =	vmul.f32 v8, v9;
	v10 =	vmul.f32 v10, v9;
	v12 =	vld.idx.msk [tilespmem:v21+s7+$0x0], $0xffff;
	v59 =	vadd.s32 $0x80D, v57  }
0x353: {  	v3 =	vadd.s32 $0x40E, v0;
	v14 =	vadd.f32 v14, v52;
	v43 =	vadd.f32 v47, v43;
	v47 =	vld.idx.msk [tilespmem:v4+s2+$0x0], $0xffff  }
0x354: {  	[tilespmem:$0x1F5E0] =	vst v8;
	v13 =	vmul.f32 v13, v20;
	v4 =	vld.idx.msk [tilespmem:v11+s2+$0x0], $0xffff;
	v11 =	vadd.s32 $0x814, v57  }
0x355: {  	v8 =	vadd.s32 $0x817, v57;
	v25 =	vmul.f32 v25, v23;
	[tilespmem:$0x1F2C0] =	vst v10;
	v45 =	vld.idx.msk [tilespmem:v60+s2+$0x0], $0xffff;
	v14 =	vadd.f32 v43, v14  }
0x356: {  	v10 =	vadd.s32 $0x857, v57;
	[tilespmem:$0x1F620] =	vst v13;
	v13 =	vadd.s32 $0x818, v57;
	v39 =	vld.idx.msk [tilespmem:v53+s7+$0x0], $0xffff;
	v61 =	vadd.s32 $0x416, v0  }
0x357: {  	v56 =	vadd.s32 $0x80F, v57;
	[tilespmem:$0x1F260] =	vst v1;
	v1 =	vadd.s32 $0x84F, v57;
	v6 =	vld.idx.msk [tilespmem:v59+s2+$0x0], $0xffff;
	v14 =	vadd.f32 $-1.000000000e+00, v14  }
0x358: {  	[tilespmem:$0x1F300] =	vst v25;
	v27 =	vmul.f32 v27, v23;
	v25 =	vadd.s32 $0x819, v57;
	v62 =	vadd.s32 $0x40F, v0;
	v49 =	vld.idx.msk [tilespmem:v3+s7+$0x0], $0xffff  }
0x359: {  	[tilespmem:$0x1F600] =	vst v16;
	v16 =	vadd.s32 $0x858, v57;
	v2 =	vadd.s32 $0x813, v57;
	(erf) = vrcp.f32 v14;
	v14 =	vld.idx.msk [tilespmem:v11+s2+$0x0], $0xffff  }
0x35a: {  	[tilespmem:$0x1F630] =	vst v27;
	v27 =	vmul.f32 v36, v31;
	v28 =	vmul.f32 v28, v26;
	v3 =	vadd.s32 $0x411, v0;
	v11 =	vld [tilespmem:$0x1F230]  }
0x35b: {  	v9 =	vld.idx.msk [tilespmem:v61+s7+$0x0], $0xffff;
	v61 =	vmul.f32 v30, v26;
	v26 =	vmul.f32 v34, v31;
	v31 =	vadd.s32 $0x41A, v0  }
0x35c: {  	v22 =	vmul.f32 v22, v20;
	[tilespmem:$0x1F310] =	vst v28;
	v28 =	vadd.s32 $0x859, v57;
	v60 =	vld.idx.msk [tilespmem:v1+s2+$0x0], $0xffff;
	v1 =	vadd.s32 $0x415, v0  }
0x35d: {  	v53 =	vld.idx.msk [tilespmem:v62+s7+$0x0], $0xffff;
	v30 =	vmul.f32 v38, v35;
	v34 =	vadd.s32 $0x81A, v57;
	v6 =	vmul.f32 v6, v41  }
0x35e: {  	[tilespmem:$0x1F2F0] =	vst v22;
	v62 =	vadd.s32 $0x811, v57;
	v22 =	vmul.f32 v32, v29;
	v23 =	vmul.f32 v33, v29;
	v50 =	vld.idx.msk [tilespmem:v56+s2+$0x0], $0xffff  }
0x35f: {  	[tilespmem:$0x1F2E0] =	vst v18;
	v29 =	vmul.f32 v37, v35;
	v56 =	vld.idx.msk [tilespmem:v3+s7+$0x0], $0xffff;
	v58 =	vadd.s32 $0x410, v0;
	v11 =	vmul.f32 v11, v15  }
0x360: {  	[tilespmem:$0x1F680] =	vst v27;
	v59 =	vadd.s32 $0x412, v0;
	v32 =	vmul.f32 v40, v39;
	v33 =	vmul.f32 v42, v39;
	v20 =	vld.idx.msk [tilespmem:v31+s7+$0x0], $0xffff  }
0x361: {  	v35 =	vmul.f32 v48, v41;
	v37 =	vadd.s32 $0x85A, v57;
	v40 =	vadd.s32 $0x41B, v0;
	[tilespmem:$0x1F290] =	vst v11;
	v11 =	vld [tilespmem:$0x1F240]  }
0x362: {  	[tilespmem:$0x1F330] =	vst v26;
	v48 =	vadd.s32 $0x85B, v57;
	v26 =	vimm.s32 $0x7C2;
	v42 =	vmul.f32 v60, v53;
	v21 =	vld.idx.msk [tilespmem:v34+s2+$0x0], $0xffff  }
0x363: {  	v27 =	vsel vm8, $0x433, v26;
	[tilespmem:$0x1F350] =	vst v32;
	v38 =	vmul.f32 v44, v49;
	v44 =	vadd.s32 $0x81B, v57;
	v46 =	vld.idx.msk [tilespmem:v62+s2+$0x0], $0xffff  }
0x364: {  	v3 =	vadd.s32 $0x855, v57;
	v31 =	vimm.s32 $0x7C3;
	[tilespmem:$0x1F6D0] =	vst v42;
	v42 =	vadd.s32 $0x85C, v57;
	v58 =	vld.idx.msk [tilespmem:v58+s7+$0x0], $0xffff  }
0x365: {  	v18 =	vld.idx.msk [tilespmem:v25+s2+$0x0], $0xffff;
	[tilespmem:$0x1F6A0] =	vst v33;
	v39 =	vmul.f32 v45, v49;
	v32 =	vsel vm8, $0x434, v31;
	v63 =	vadd.s32 $0x851, v57  }
0x366: {  	[tilespmem:$0x1F6B0] =	vst v35;
	v35 =	vimm.s32 $0x7C4;
	v33 =	vsel vm9, $0x475, v32;
	v15 =	vmul.f32 v11, v15;
	v11 =	vld [tilespmem:$0x1F250]  }
0x367: {  	v59 =	vld.idx.msk [tilespmem:v59+s7+$0x0], $0xffff;
	[tilespmem:$0x1F650] =	vst v61;
	v41 =	vmul.f32 v50, v53;
	v62 =	vadd.s32 $0x413, v0;
	v17 =	vmul.f32 v21, v20  }
0x368: {  	[tilespmem:$0x1F360] =	vst v6;
	v52 =	vadd.s32 $0x414, v0;
	v61 =	vld.idx.msk [tilespmem:v44+s2+$0x0], $0xffff;
	vm6 =	vcmask $0x3B38;
	v49 =	vmul.f32 v46, v56  }
0x369: {  	v44 =	vimm.s32 $0x7C6;
	v21 =	vimm.s32 $0x7C0;
	v32 =	vld.idx.msk [tilespmem:v42+s2+$0x0], $0xffff;
	[tilespmem:$0x1F440] =	vst v17;
	v24 =	vmul.f32 v24, v58  }
0x36a: {  	v42 =	vadd.s32 $0x822, v57;
	v17 =	vadd.s32 $0x85F, v57;
	v46 =	vadd.s32 $0x81D, v57;
	[tilespmem:$0x1F3A0] =	vst v49;
	v51 =	vld.idx.msk [tilespmem:v63+s2+$0x0], $0xffff  }
0x36b: {  	v49 =	vadd.s32 $0x85D, v57;
	[tilespmem:$0x1F6E0] =	vst v24;
	v24 =	vimm.s32 $0x7C1;
	v63 =	vld.idx.msk [tilespmem:v2+s2+$0x0], $0xffff;
	v11 =	vmul.f32 v11, v5  }
0x36c: {  	[tilespmem:$0x1F370] =	vst v38;
	v2 =	vadd.s32 $0x815, v57;
	v45 =	vmul.f32 v54, v58;
	v54 =	vld.idx.msk [tilespmem:v37+s2+$0x0], $0xffff;
	v37 =	vimm.s32 $0x7C5  }
0x36d: {  	v25 =	vsel vm8, $0x432, v24;
	v24 =	vadd.s32 $0x824, v57;
	v38 =	vsel vm8, $0x436, v37;
	[tilespmem:$0x1F2A0] =	vst v11;
	v11 =	vld [tilespmem:$0x1F260]  }
0x36e: {  	v1 =	vld.idx.msk [tilespmem:v1+s7+$0x0], $0xffff;
	v37 =	vadd.s32 $0x861, v57;
	[tilespmem:$0x1F390] =	vst v45;
	v6 =	vsel vm9, $0x477, v38;
	v45 =	vsel vm8, $0x437, v44  }
0x36f: {  	v38 =	vadd.s32 $0x422, v0;
	v44 =	vimm.s32 $0x7C9;
	v43 =	vld.idx.msk [tilespmem:v62+s7+$0x0], $0xffff;
	v62 =	vadd.s32 $0x854, v57  }
0x370: {  	v3 =	vld.idx.msk [tilespmem:v3+s2+$0x0], $0xffff;
	v6 =	vsel vm10, $0x4B8, v6;
	v50 =	vmul.f32 v51, v56;
	v51 =	vadd.s32 $0x41C, v0  }
0x371: {  	v2 =	vld.idx.msk [tilespmem:v2+s2+$0x0], $0xffff;
	v56 =	vadd.s32 $0x81C, v57;
	v6 =	vsel vm0, $0x4F9, v6;
	v53 =	vmul.f32 v47, v59  }
0x372: {  	v6 =	vsel vm1, $0x53A, v6;
	v4 =	vmul.f32 v4, v59;
	v5 =	vmul.f32 v11, v5;
	v11 =	vld [tilespmem:$0x1F270]  }
0x373: {  	[tilespmem:$0x1F6F0] =	vst v50;
	v6 =	vsel vm2, $0x57B, v6;
	v47 =	vimm.s32 $0x7C7;
	v50 =	vadd.s32 $0x41E, v0  }
0x374: {  	v6 =	vsel vm3, $0x5BC, v6;
	v58 =	vmul.f32 v63, v43;
	v59 =	vmul.f32 v55, v43  }
0x375: {  	v52 =	vld.idx.msk [tilespmem:v52+s7+$0x0], $0xffff;
	[tilespmem:$0x1F700] =	vst v4;
	v4 =	vsel vm9, $0x474, v27;
	v6 =	vsel vm4, $0x5FD, v6;
	v43 =	vadd.s32 $0x41D, v0  }
0x376: {  	v55 =	vadd.s32 $0x81E, v57;
	v2 =	vmul.f32 v2, v1;
	v1 =	vmul.f32 v3, v1  }
0x377: {  	v3 =	vsel vm9, $0x473, v25;
	v4 =	vsel vm10, $0x4B5, v4;
	v11 =	vmul.f32 v11, v7  }
0x378: {  	v6 =	vsel vm5, $0x63E, v6;
	v3 =	vsel vm10, $0x4B4, v3;
	v4 =	vsel vm0, $0x4F6, v4;
	[tilespmem:$0x1F5B0] =	vst v15;
	v15 =	vld.idx.msk [tilespmem:v62+s2+$0x0], $0xffff  }
0x379: {  	v6 =	vsel vm7, $0x67F, v6;
	v3 =	vsel vm0, $0x4F5, v3;
	v62 =	vadd.s32 $0x816, v57;
	[tilespmem:$0x1F2B0] =	vst v11;
	v11 =	vld [tilespmem:$0x1F280]  }
0x37a: {  	v4 =	vsel vm1, $0x537, v4;
	v6 =	vsel vm11, $0x680, v6;
	v14 =	vmul.f32 v14, v52  }
0x37b: {  	v3 =	vsel vm1, $0x536, v3;
	v4 =	vsel vm2, $0x578, v4;
	v6 =	vsel vm12, $0x6C1, v6  }
0x37c: {  	v34 =	vld.idx.msk [tilespmem:v51+s7+$0x0], $0xffff;
	v3 =	vsel vm2, $0x577, v3;
	v4 =	vsel vm3, $0x5B9, v4;
	[tilespmem:$0x1F5C0] =	vst v5;
	v5 =	vadd.s32 $0x856, v57  }
0x37d: {  	[tilespmem:$0x1F320] =	vst v22;
	v22 =	vld.idx.msk [tilespmem:v40+s7+$0x0], $0xffff;
	v40 =	vsel vm13, $0x702, v6;
	v6 =	vsel vm9, $0x478, v45;
	v45 =	vsel vm8, $0x43A, v44  }
0x37e: {  	v44 =	vadd.s32 $0x826, v57;
	v7 =	vmul.f32 v11, v7;
	v11 =	vld.idx.msk [tilespmem:v62+s2+$0x0], $0xffff;
	v62 =	vadd.s32 $0x419, v0  }
0x37f: {  	[tilespmem:$0x1F380] =	vst v41;
	v3 =	vsel vm3, $0x5B8, v3;
	v4 =	vsel vm4, $0x5FA, v4;
	v41 =	vsel vm14, $0x743, v40  }
0x380: {  	v13 =	vld.idx.msk [tilespmem:v13+s2+$0x0], $0xffff;
	v6 =	vsel vm10, $0x4B9, v6;
	v3 =	vsel vm4, $0x5F9, v3;
	v4 =	vsel vm5, $0x63B, v4  }
0x381: {  	[tilespmem:$0x1F610] =	vst v19;
	v32 =	vmul.f32 v32, v34;
	v3 =	vsel vm5, $0x63A, v3;
	v4 =	vsel vm7, $0x67C, v4;
	v5 =	vld.idx.msk [tilespmem:v5+s2+$0x0], $0xffff  }
0x382: {  	v16 =	vld.idx.msk [tilespmem:v16+s2+$0x0], $0xffff;
	[tilespmem:$0x1F3C0] =	vst v58;
	v58 =	vsel vm6, $0x784, v41;
	v3 =	vsel vm7, $0x67B, v3;
	v4 =	vsel vm11, $0x6BD, v4  }
0x383: {  	[tilespmem:$0x1F340] =	vst v29;
	v6 =	vsel vm0, $0x4FA, v6;
	v3 =	vsel vm11, $0x6BC, v3;
	v4 =	vsel vm12, $0x6FE, v4;
	v36 =	vld.idx.msk [tilespmem:v62+s7+$0x0], $0xffff  }
0x384: {  	v19 =	vld.idx.msk [tilespmem:v28+s2+$0x0], $0xffff;
	v3 =	vsel vm12, $0x6FD, v3;
	v29 =	vsel vm13, $0x73F, v4;
	[tilespmem:$0x1F5D0] =	vst v7;
	v7 =	vadd.s32 $0x417, v0  }
0x385: {  	[tilespmem:$0x1F690] =	vst v30;
	v51 =	vsel vm1, $0x53B, v6;
	v3 =	vsel vm13, $0x73E, v3;
	v30 =	vsel vm14, $0x740, v29;
	v62 =	vld.idx.msk [tilespmem:v48+s2+$0x0], $0xffff  }
0x386: {  	v8 =	vld.idx.msk [tilespmem:v8+s2+$0x0], $0xffff;
	v28 =	vsel vm14, $0x77F, v3;
	v60 =	vmul.f32 v15, v52;
	v5 =	vmul.f32 v5, v9  }
0x387: {  	v10 =	vld.idx.msk [tilespmem:v10+s2+$0x0], $0xffff;
	[tilespmem:$0x1F3B0] =	vst v53;
	v53 =	vsel vm6, $0x781, v30;
	v63 =	vmul.f32 v11, v9;
	v11 =	vmul.f32 v13, v12  }
0x388: {  	v13 =	vmul.f32 v16, v12;
	v48 =	vsel vm8, $0x438, v47;
	v47 =	vld.idx.msk [tilespmem:v55+s2+$0x0], $0xffff;
	v15 =	vmul.f32 v18, v36  }
0x389: {  	v55 =	vadd.s32 $0x823, v57;
	v7 =	vld.idx.msk [tilespmem:v7+s7+$0x0], $0xffff;
	v16 =	vmul.f32 v19, v36;
	v18 =	vmul.f32 v54, v20  }
0x38a: {  	[tilespmem:$0x1F400] =	vst v63;
	v63 =	vadd.s32 $0x81F, v57;
	v19 =	vmul.f32 v61, v22;
	v20 =	vmul.f32 v62, v22  }
0x38b: {  	v22 =	vsel vm8, $0x431, v21;
	v36 =	vsel vm8, $0x435, v35;
	v61 =	vadd.s32 $0x85E, v57;
	v35 =	vld.idx.msk [tilespmem:v49+s2+$0x0], $0xffff  }
0x38c: {  	[tilespmem:$0x1F3F0] =	vst v2;
	v54 =	vsel vm6, $0x780, v28;
	v62 =	vadd.s32 $0x41F, v0;
	v21 =	vadd.s32 $0x421, v0;
	v28 =	vld.idx.msk [tilespmem:v38+s7+$0x0], $0xffff  }
0x38d: {  	v2 =	vsel vm9, $0x472, v22;
	v3 =	vsel vm9, $0x476, v36;
	v22 =	vld.idx.msk [tilespmem:v50+s7+$0x0], $0xffff;
	v50 =	vadd.s32 $0x423, v0;
	[tilespmem:$0x1F780] =	vst v18  }
0x38e: {  	v38 =	vld.idx.msk [tilespmem:v55+s2+$0x0], $0xffff;
	v8 =	vmul.f32 v8, v7;
	v9 =	vmul.f32 v10, v7;
	[tilespmem:$0x1F450] =	vst v19;
	v2 =	vsel vm10, $0x4B3, v2  }
0x38f: {  	v10 =	vld.idx.msk [tilespmem:v56+s2+$0x0], $0xffff;
	[tilespmem:$0x1F790] =	vst v20;
	v3 =	vsel vm10, $0x4B7, v3;
	v56 =	vsel vm2, $0x57C, v51;
	v18 =	vadd.s32 $0x420, v0  }
0x390: {  	v19 =	vadd.s32 $0x820, v57;
	v20 =	vadd.s32 $0x860, v57;
	v2 =	vsel vm0, $0x4F4, v2;
	[tilespmem:$0x1F410] =	vst v8;
	v36 =	vld.idx.msk [tilespmem:v61+s2+$0x0], $0xffff  }
0x391: {  	v3 =	vsel vm0, $0x4F8, v3;
	[tilespmem:$0x1F750] =	vst v9;
	v2 =	vsel vm1, $0x535, v2;
	v8 =	vsel vm9, $0x479, v48;
	v9 =	vld.idx.msk [tilespmem:v62+s7+$0x0], $0xffff  }
0x392: {  	v3 =	vsel vm1, $0x539, v3;
	v48 =	vadd.s32 $0x862, v57;
	v8 =	vsel vm10, $0x4BA, v8;
	v62 =	vld.idx.msk [tilespmem:v37+s2+$0x0], $0xffff  }
0x393: {  	[tilespmem:$0x1F660] =	vst v23;
	v2 =	vsel vm2, $0x576, v2;
	v3 =	vsel vm2, $0x57A, v3;
	v52 =	vsel vm0, $0x4FB, v8;
	v8 =	vld.idx.msk [tilespmem:v43+s7+$0x0], $0xffff  }
0x394: {  	v37 =	vadd.s32 $0x425, v0;
	[tilespmem:$0x1F460] =	vst v38;
	v38 =	vimm.s32 $0x7CB;
	v2 =	vsel vm3, $0x5B7, v2;
	v30 =	vld.idx.msk [tilespmem:v18+s7+$0x0], $0xffff  }
0x395: {  	[tilespmem:$0x1F720] =	vst v60;
	v3 =	vsel vm3, $0x5BB, v3;
	v23 =	vmul.f32 v10, v34;
	v60 =	vsel vm1, $0x53C, v52;
	v52 =	vld.idx.msk [tilespmem:v19+s2+$0x0], $0xffff  }
0x396: {  	v2 =	vsel vm4, $0x5F8, v2;
	v3 =	vsel vm4, $0x5FC, v3;
	v19 =	vld.idx.msk [tilespmem:v21+s7+$0x0], $0xffff;
	v21 =	vadd.s32 $0x424, v0  }
0x397: {  	v51 =	vld.idx.msk [tilespmem:v20+s2+$0x0], $0xffff;
	v18 =	vadd.s32 $0x863, v57;
	v2 =	vsel vm5, $0x639, v2;
	v3 =	vsel vm5, $0x63D, v3  }
0x398: {  	v61 =	vld.idx.msk [tilespmem:v63+s2+$0x0], $0xffff;
	[tilespmem:$0x1F470] =	vst v23;
	v2 =	vsel vm7, $0x67A, v2;
	v3 =	vsel vm7, $0x67E, v3;
	v23 =	vadd.s32 $0x821, v57  }
0x399: {  	[tilespmem:$0x1F740] =	vst v5;
	v2 =	vsel vm11, $0x6BB, v2;
	v3 =	vsel vm11, $0x6BF, v3;
	v5 =	vld.idx.msk [tilespmem:v37+s7+$0x0], $0xffff;
	v37 =	vadd.s32 $0x429, v0  }
0x39a: {  	v63 =	vld.idx.msk [tilespmem:v42+s2+$0x0], $0xffff;
	v2 =	vsel vm12, $0x6FC, v2;
	v3 =	vsel vm12, $0x6C0, v3;
	v35 =	vmul.f32 v35, v8  }
0x39b: {  	v2 =	vsel vm13, $0x73D, v2;
	v3 =	vsel vm13, $0x701, v3;
	v42 =	vld.idx.msk [tilespmem:v21+s7+$0x0], $0xffff;
	v21 =	vimm.s32 $0x7CA  }
0x39c: {  	[tilespmem:$0x1F420] =	vst v11;
	v52 =	vmul.f32 v52, v30;
	v11 =	vmul.f32 v51, v30;
	v2 =	vsel vm14, $0x77E, v2  }
0x39d: {  	[tilespmem:$0x1F6C0] =	vst v39;
	v39 =	vsel vm14, $0x742, v3;
	v3 =	vsel vm2, $0x57D, v60;
	v60 =	vadd.s32 $0x428, v0  }
0x39e: {  	[tilespmem:$0x1F770] =	vst v16;
	v16 =	vsel vm6, $0x7BF, v2;
	v2 =	vsel vm10, $0x4B6, v33;
	v25 =	vsel vm6, $0x783, v39;
	v33 =	vld.idx.msk [tilespmem:v46+s2+$0x0], $0xffff  }
0x39f: {  	v3 =	vsel vm3, $0x5BE, v3;
	v39 =	vimm.s32 $0x7C8;
	v46 =	vsel vm9, $0x47B, v45;
	v27 =	vld.idx.msk [tilespmem:v23+s2+$0x0], $0xffff  }
0x3a0: {  	v23 =	vld.idx.msk [tilespmem:v48+s2+$0x0], $0xffff;
	v48 =	vadd.s32 $0x827, v57;
	v2 =	vsel vm0, $0x4F7, v2;
	v3 =	vsel vm4, $0x5FF, v3  }
0x3a1: {  	[tilespmem:$0x1F7A0] =	vst v32;
	v32 =	vld [tilespmem:$0x1F310];
	v40 =	vsel vm8, $0x439, v39;
	v49 =	vsel vm10, $0x4BC, v46;
	v39 =	vadd.s32 $0x825, v57  }
0x3a2: {  	v30 =	vld [tilespmem:$0x1F300];
	v46 =	vadd.s32 $0x427, v0;
	v2 =	vsel vm1, $0x538, v2;
	v3 =	vsel vm5, $0x600, v3  }
0x3a3: {  	v45 =	vld.idx.msk [tilespmem:v24+s2+$0x0], $0xffff;
	v41 =	vsel vm9, $0x47A, v40;
	v10 =	vsel vm0, $0x4FD, v49;
	v2 =	vsel vm2, $0x579, v2  }
0x3a4: {  	[tilespmem:$0x1F7B0] =	vst v35;
	v24 =	vld.idx.msk [tilespmem:v44+s2+$0x0], $0xffff;
	v3 =	vsel vm7, $0x641, v3;
	v6 =	vsel vm10, $0x4BB, v41;
	v10 =	vsel vm1, $0x53E, v10  }
0x3a5: {  	v35 =	vld [tilespmem:$0x1F340];
	v41 =	vadd.s32 $0x426, v0;
	[tilespmem:$0x1F480] =	vst v42;
	v42 =	vadd.s32 $0x829, v57;
	v2 =	vsel vm3, $0x5BA, v2  }
0x3a6: {  	v40 =	vld.idx.msk [tilespmem:v18+s2+$0x0], $0xffff;
	v3 =	vsel vm11, $0x682, v3;
	v6 =	vsel vm0, $0x4FC, v6;
	v20 =	vsel vm2, $0x57F, v10  }
0x3a7: {  	v60 =	vld.idx.msk [tilespmem:v60+s7+$0x0], $0xffff;
	v2 =	vsel vm4, $0x5FB, v2;
	v3 =	vsel vm12, $0x6C3, v3;
	v6 =	vsel vm1, $0x53D, v6  }
0x3a8: {  	[tilespmem:$0x1F3D0] =	vst v23;
	v7 =	vsel vm3, $0x580, v20;
	v20 =	vadd.s32 $0x828, v57;
	v23 =	vsel vm8, $0x43B, v21;
	v48 =	vld.idx.msk [tilespmem:v48+s2+$0x0], $0xffff  }
0x3a9: {  	[tilespmem:$0x1F4C0] =	vst v24;
	v24 =	vld.idx.msk [tilespmem:v37+s7+$0x0], $0xffff;
	v2 =	vsel vm5, $0x63C, v2;
	v3 =	vsel vm13, $0x704, v3;
	v6 =	vsel vm2, $0x57E, v6  }
0x3aa: {  	v7 =	vsel vm4, $0x5C1, v7;
	v49 =	vld.idx.msk [tilespmem:v39+s2+$0x0], $0xffff;
	v29 =	vsel vm9, $0x47C, v23;
	v39 =	vsel vm8, $0x43C, v38  }
0x3ab: {  	v23 =	vadd.s32 $0x42B, v0;
	v2 =	vsel vm7, $0x67D, v2;
	v31 =	vsel vm14, $0x745, v3;
	[tilespmem:$0x1F520] =	vst v40;
	v40 =	vld.idx.msk [tilespmem:v46+s7+$0x0], $0xffff  }
0x3ac: {  	v6 =	vsel vm3, $0x5BF, v6;
	v10 =	vsel vm10, $0x4BD, v29;
	v43 =	vsel vm6, $0x786, v31;
	v31 =	vld.idx.msk [tilespmem:v50+s7+$0x0], $0xffff  }
0x3ad: {  	v7 =	vsel vm5, $0x602, v7;
	v29 =	vadd.s32 $0x82B, v57;
	v18 =	vld.idx.msk [tilespmem:v41+s7+$0x0], $0xffff;
	v10 =	vsel vm0, $0x4FE, v10  }
0x3ae: {  	v2 =	vsel vm11, $0x6BE, v2;
	v41 =	vsel vm9, $0x47D, v39;
	v3 =	vsel vm1, $0x53F, v10;
	v46 =	vld.idx.msk [tilespmem:v20+s2+$0x0], $0xffff  }
0x3af: {  	v2 =	vsel vm12, $0x6FF, v2;
	v20 =	vsel vm2, $0x540, v3;
	v3 =	vmul.f32 v27, v19;
	v27 =	vld [tilespmem:$0x1FA80]  }
0x3b0: {  	v7 =	vsel vm7, $0x643, v7;
	v2 =	vsel vm13, $0x700, v2;
	[tilespmem:$0x1F4A0] =	vst v49;
	v49 =	vsel vm10, $0x4BE, v41;
	v41 =	vld.idx.msk [tilespmem:v42+s2+$0x0], $0xffff  }
0x3b1: {  	v7 =	vsel vm11, $0x684, v7;
	[tilespmem:$0x1F4E0] =	vst v60;
	v60 =	vadd.s32 $0x42D, v0;
	v2 =	vsel vm14, $0x741, v2;
	v39 =	vld.idx.msk [tilespmem:v23+s7+$0x0], $0xffff  }
0x3b2: {  	[tilespmem:$0x1F710] =	vst v59;
	v23 =	vadd.s32 $0x82E, v57;
	v59 =	vsel vm6, $0x782, v2;
	v2 =	vsel vm3, $0x5BD, v56;
	v56 =	vld.idx.msk [tilespmem:v17+s2+$0x0], $0xffff  }
0x3b3: {  	[tilespmem:$0x1F430] =	vst v15;
	v7 =	vsel vm12, $0x6C5, v7;
	v17 =	vsel vm0, $0x4FF, v49;
	v49 =	vadd.s32 $0x82C, v57;
	v37 =	vld.idx.msk [tilespmem:v29+s2+$0x0], $0xffff  }
0x3b4: {  	v15 =	vimm.s32 $0x7CD;
	v6 =	vsel vm4, $0x5C0, v6;
	v7 =	vsel vm13, $0x706, v7;
	[tilespmem:$0x1F4D0] =	vst v40;
	v40 =	vld.idx.msk [tilespmem:v54+s7+$0x0], $0xffff  }
0x3b5: {  	v50 =	vsel vm14, $0x747, v7;
	v21 =	vsel vm1, $0x500, v17;
	v17 =	vsel vm8, $0x43E, v15;
	v15 =	vld.idx.msk [tilespmem:v58+s7+$0x0], $0xffff  }
0x3b6: {  	[tilespmem:$0x1F760] =	vst v13;
	v6 =	vsel vm5, $0x601, v6;
	v13 =	vsel vm6, $0x788, v50;
	v50 =	vadd.s32 $0x42A, v0;
	v42 =	vld.idx.msk [tilespmem:v60+s7+$0x0], $0xffff  }
0x3b7: {  	v6 =	vsel vm7, $0x642, v6;
	[tilespmem:$0x1F4B0] =	vst v18;
	v18 =	vadd.s32 $0x82A, v57;
	v23 =	vld.idx.msk [tilespmem:v23+s2+$0x0], $0xffff  }
0x3b8: {  	v6 =	vsel vm11, $0x683, v6;
	v29 =	vld.idx.msk [tilespmem:v49+s2+$0x0], $0xffff  }
0x3b9: {  	v7 =	vsel vm2, $0x541, v21;
	v21 =	vadd.s32 $0x42E, v0;
	v60 =	vsel vm9, $0x47F, v17;
	v17 =	vld.idx.msk [tilespmem:v59+s7+$0x0], $0xffff  }
0x3ba: {  	v61 =	vmul.f32 v61, v9;
	v6 =	vsel vm12, $0x6C4, v6;
	v56 =	vmul.f32 v56, v9;
	v9 =	vld [tilespmem:$0x1F2B0]  }
0x3bb: {  	[tilespmem:$0x1F490] =	vst v45;
	v6 =	vsel vm13, $0x705, v6;
	v45 =	vld.idx.msk [tilespmem:v50+s7+$0x0], $0xffff  }
0x3bc: {  	v6 =	vsel vm14, $0x746, v6;
	v50 =	vld.idx.msk [tilespmem:v18+s2+$0x0], $0xffff  }
0x3bd: {  	v55 =	vsel vm6, $0x787, v6;
	v58 =	vld.idx.msk [tilespmem:v13+s7+$0x0], $0xffff  }
0x3be: {  	v6 =	vsel vm3, $0x581, v20;
	v20 =	vadd.s32 $0x82D, v57;
	v18 =	vimm.s32 $0x7CE;
	v38 =	vld.idx.msk [tilespmem:v21+s7+$0x0], $0xffff  }
0x3bf: {  	[tilespmem:$0x1F730] =	vst v1;
	v2 =	vsel vm4, $0x5FE, v2;
	v1 =	vsel vm8, $0x43F, v18;
	v18 =	vld.idx.msk [tilespmem:v16+s7+$0x0], $0xffff  }
0x3c0: {  	[tilespmem:$0x1F3E0] =	vst v14;
	v14 =	vadd.s32 $0x42F, v0;
	v12 =	vadd.s32 $0x830, v57;
	v2 =	vsel vm5, $0x63F, v2;
	v16 =	vld.idx.msk [tilespmem:v25+s7+$0x0], $0xffff  }
0x3c1: {  	v44 =	vadd.s32 $0x42C, v0;
	v2 =	vsel vm7, $0x640, v2;
	v7 =	vsel vm3, $0x582, v7;
	v25 =	vld [tilespmem:$0x1F2F0]  }
0x3c2: {  	v60 =	vsel vm10, $0x480, v60;
	v2 =	vsel vm11, $0x681, v2;
	v6 =	vsel vm4, $0x5C2, v6;
	[tilespmem:$0x1F7D0] =	vst v56;
	v56 =	vld [tilespmem:$0x1F370]  }
0x3c3: {  	[tilespmem:$0x1F4F0] =	vst v24;
	v7 =	vsel vm4, $0x5C3, v7;
	v2 =	vsel vm12, $0x6C2, v2;
	v49 =	vadd.s32 $0x82F, v57;
	v24 =	vld.idx.msk [tilespmem:v20+s2+$0x0], $0xffff  }
0x3c4: {  	v6 =	vsel vm5, $0x603, v6;
	v7 =	vsel vm5, $0x604, v7;
	v2 =	vsel vm13, $0x703, v2;
	v54 =	vld.idx.msk [tilespmem:v55+s7+$0x0], $0xffff  }
0x3c5: {  	v6 =	vsel vm7, $0x644, v6;
	v2 =	vsel vm14, $0x744, v2;
	v20 =	vsel vm0, $0x4C1, v60;
	v55 =	vld [tilespmem:$0x1F360]  }
0x3c6: {  	v7 =	vsel vm7, $0x645, v7;
	v26 =	vsel vm6, $0x785, v2;
	v2 =	vsel vm1, $0x502, v20;
	v20 =	vld.idx.msk [tilespmem:v12+s2+$0x0], $0xffff  }
0x3c7: {  	v6 =	vsel vm11, $0x685, v6;
	v7 =	vsel vm11, $0x686, v7;
	v12 =	vld [tilespmem:$0x1F2D0]  }
0x3c8: {  	v6 =	vsel vm12, $0x6C6, v6;
	v7 =	vsel vm12, $0x6C7, v7;
	v21 =	vld.idx.msk [tilespmem:v49+s2+$0x0], $0xffff  }
0x3c9: {  	v6 =	vsel vm13, $0x707, v6;
	v7 =	vsel vm13, $0x708, v7;
	[tilespmem:$0x1F500] =	vst v45;
	v45 =	vld.idx.msk [tilespmem:v44+s7+$0x0], $0xffff  }
0x3ca: {  	v6 =	vsel vm14, $0x748, v6;
	v7 =	vsel vm14, $0x749, v7;
	[tilespmem:$0x1F510] =	vst v50;
	v50 =	vadd.s32 $0x430, v0;
	v44 =	vld.idx.msk [tilespmem:v14+s7+$0x0], $0xffff  }
0x3cb: {  	v10 =	vsel vm6, $0x789, v6;
	v4 =	vsel vm6, $0x78A, v7;
	v6 =	vimm.s32 $0x7CC;
	v7 =	vld [tilespmem:$0x1F2A0]  }
0x3cc: {  	v0 =	vsel vm8, $0x43D, v6;
	v6 =	vld [tilespmem:$0x1F290]  }
0x3cd: {  	v1 =	vsel vm9, $0x440, v1;
	v2 =	vsel vm2, $0x543, v2;
	v51 =	vadd.f32 v30, v25;
	v30 =	vld [tilespmem:$0x1F3D0]  }
0x3ce: {  	v1 =	vsel vm10, $0x481, v1;
	v2 =	vsel vm3, $0x584, v2;
	v60 =	vld.idx.msk [tilespmem:v26+s7+$0x0], $0xffff  }
0x3cf: {  	v1 =	vsel vm0, $0x4C2, v1;
	v2 =	vsel vm4, $0x5C5, v2;
	v49 =	vld.idx.msk [tilespmem:v50+s7+$0x0], $0xffff  }
0x3d0: {  	v1 =	vsel vm1, $0x503, v1;
	v2 =	vsel vm5, $0x606, v2;
	v50 =	vld.idx.msk [tilespmem:v53+s7+$0x0], $0xffff  }
0x3d1: {  	v1 =	vsel vm2, $0x544, v1;
	v0 =	vsel vm9, $0x47E, v0;
	v2 =	vsel vm7, $0x647, v2;
	v53 =	vld.idx.msk [tilespmem:v43+s7+$0x0], $0xffff  }
0x3d2: {  	v1 =	vsel vm3, $0x585, v1;
	v0 =	vsel vm10, $0x4BF, v0;
	v2 =	vsel vm11, $0x688, v2;
	v59 =	vld.idx.msk [tilespmem:v10+s7+$0x0], $0xffff  }
0x3d3: {  	v1 =	vsel vm4, $0x5C6, v1;
	v0 =	vsel vm0, $0x4C0, v0;
	v2 =	vsel vm12, $0x6C9, v2;
	v14 =	vld.idx.msk [tilespmem:v4+s7+$0x0], $0xffff  }
0x3d4: {  	v1 =	vsel vm5, $0x607, v1;
	v0 =	vsel vm1, $0x501, v0;
	v10 =	vld [tilespmem:$0x1F2C0];
	v2 =	vsel vm13, $0x70A, v2  }
0x3d5: {  	v1 =	vsel vm7, $0x648, v1;
	v4 =	vld [tilespmem:$0x1FA60];
	v26 =	vsel vm14, $0x74B, v2;
	v2 =	vmul.f32 v33, v8  }
0x3d6: {  	v1 =	vsel vm11, $0x689, v1;
	v8 =	vmul.f32 v47, v22;
	v47 =	vmul.f32 v36, v22;
	v22 =	vld [tilespmem:$0x1F2E0]  }
0x3d7: {  	v0 =	vsel vm2, $0x542, v0;
	v1 =	vsel vm12, $0x6CA, v1;
	v33 =	vld [tilespmem:$0x1F320]  }
0x3d8: {  	v0 =	vsel vm3, $0x583, v0;
	v36 =	vmul.f32 v62, v19;
	v62 =	vld [tilespmem:$0x1F380];
	v1 =	vsel vm13, $0x70B, v1  }
0x3d9: {  	v19 =	vld [tilespmem:$0x1F3C0];
	v0 =	vsel vm4, $0x5C4, v0;
	v1 =	vsel vm14, $0x74C, v1  }
0x3da: {  	v0 =	vsel vm5, $0x605, v0;
	[tilespmem:$0x1F7C0] =	vst v47;
	v47 =	vld [tilespmem:$0x1F350];
	v1 =	vsel vm6, $0x78D, v1  }
0x3db: {  	[tilespmem:$0x1F7F0] =	vst v36;
	v36 =	vld [tilespmem:$0x1FAA0];
	v0 =	vsel vm7, $0x646, v0  }
0x3dc: {  	v34 =	vsel vm6, $0x78C, v26;
	v26 =	vadd.f32 v10, v9;
	v9 =	vld [tilespmem:$0x1F3B0];
	v0 =	vsel vm11, $0x687, v0  }
0x3dd: {  	v0 =	vsel vm12, $0x6C8, v0;
	v10 =	vld.idx.msk [tilespmem:v4+s2+$0x0], $0xffff  }
0x3de: {  	v0 =	vsel vm13, $0x709, v0;
	v4 =	vld [tilespmem:$0x1F450]  }
0x3df: {  	[tilespmem:$0x1F7E0] =	vst v11;
	v0 =	vsel vm14, $0x74A, v0;
	v11 =	vld.idx.msk [tilespmem:v1+s7+$0x0], $0xffff  }
0x3e0: {  	v43 =	vsel vm6, $0x78B, v0;
	v0 =	vadd.f32 v7, v6;
	v6 =	vld [tilespmem:$0x1F390]  }
0x3e1: {  	v7 =	vld [tilespmem:$0x1F3A0]  }
0x3e2: {  	[tilespmem:$0x1F530] =	vst v0;
	v0 =	vadd.f32 v33, v32;
	v32 =	vld [tilespmem:$0x1F3E0]  }
0x3e3: {  	v33 =	vld [tilespmem:$0x1F3F0]  }
0x3e4: {  	[tilespmem:$0x1F5A0] =	vst v18;
	v10 =	vmul.f32 v10, v18;
	v18 =	vld [tilespmem:$0x1FBC0]  }
0x3e5: {  	[tilespmem:$0x1F540] =	vst v0;
	v0 =	vadd.f32 v55, v47;
	v47 =	vld [tilespmem:$0x1F420]  }
0x3e6: {  	v55 =	vld [tilespmem:$0x1F430]  }
0x3e7: {  	v13 =	vld.idx.msk [tilespmem:v43+s7+$0x0], $0xffff  }
0x3e8: {  	v43 =	vadd.f32 v22, v12;
	v12 =	vld.idx.msk [tilespmem:v34+s7+$0x0], $0xffff  }
0x3e9: {  	v34 =	vld [tilespmem:$0x1F330]  }
0x3ea: {  	v22 =	vadd.f32 v62, v56;
	v56 =	vld [tilespmem:$0x1F440]  }
0x3eb: {  	[tilespmem:$0x1F550] =	vst v0;
	v0 =	vadd.f32 v7, v6;
	v7 =	vld.idx.msk [tilespmem:v36+s2+$0x0], $0xffff  }
0x3ec: {  	v6 =	vld [tilespmem:$0x1F460]  }
0x3ed: {  	v36 =	vld [tilespmem:$0x1F510]  }
0x3ee: {  	v20 =	vmul.f32 v20, v49;
	[tilespmem:$0x1F560] =	vst v0;
	v0 =	vadd.f32 v19, v9;
	v9 =	vld.idx.msk [tilespmem:v27+s2+$0x0], $0xffff  }
0x3ef: {  	v19 =	vld [tilespmem:$0x1FAC0]  }
0x3f0: {  	v10 =	vadd.f32 v10, v20;
	v20 =	vadd.s32 $0x864, v57;
	v27 =	vld [tilespmem:$0x1F470]  }
0x3f1: {  	v25 =	vadd.f32 v35, v34;
	v34 =	vld [tilespmem:$0x1F400]  }
0x3f2: {  	v35 =	vld [tilespmem:$0x1F410]  }
0x3f3: {  	v63 =	vmul.f32 v63, v28;
	[tilespmem:$0x1F570] =	vst v0;
	v0 =	vmul.f32 v30, v28;
	v28 =	vld [tilespmem:$0x1F490]  }
0x3f4: {  	v30 =	vld [tilespmem:$0x1F4A0]  }
0x3f5: {  	v20 =	vld.idx.msk [tilespmem:v20+s2+$0x0], $0xffff  }
0x3f6: {  	[tilespmem:$0x1F800] =	vst v0;
	v0 =	vadd.f32 v33, v32;
	v32 =	vld [tilespmem:$0x1FAE0]  }
0x3f7: {  	v33 =	vld [tilespmem:$0x1F4C0]  }
0x3f8: {  	[tilespmem:$0x1F580] =	vst v0;
	v0 =	vadd.f32 v55, v47;
	v55 =	vadd.f32 v2, v27;
	v27 =	vld [tilespmem:$0x1F480]  }
0x3f9: {  	v62 =	vadd.f32 v35, v34;
	v34 =	vld [tilespmem:$0x1FB00]  }
0x3fa: {  	v1 =	vmul.f32 v30, v5;
	v30 =	vld [tilespmem:$0x1F4B0]  }
0x3fb: {  	v35 =	vld [tilespmem:$0x1FB20]  }
0x3fc: {  	v47 =	vadd.f32 v61, v8;
	v8 =	vld [tilespmem:$0x1FB40]  }
0x3fd: {  	[tilespmem:$0x1F590] =	vst v0;
	v0 =	vmul.f32 v6, v31;
	v6 =	vld.idx.msk [tilespmem:v19+s2+$0x0], $0xffff  }
0x3fe: {  	v2 =	vmul.f32 v28, v27;
	v28 =	vmov v5;
	v5 =	vld.idx.msk [tilespmem:v32+s2+$0x0], $0xffff  }
0x3ff: {  	v32 =	vld [tilespmem:$0x1F4D0]  }
0x400: {  	v61 =	vmul.f32 v33, v30;
	v33 =	vld [tilespmem:$0x1F4E0]  }
0x401: {  	v56 =	vadd.f32 v4, v56;
	v19 =	vadd.f32 v3, v52;
	v3 =	vadd.s32 $0x868, v57;
	v4 =	vld.idx.msk [tilespmem:v34+s2+$0x0], $0xffff  }
0x402: {  	v34 =	vld [tilespmem:$0x1F4F0]  }
0x403: {  	v52 =	vld.idx.msk [tilespmem:v35+s2+$0x0], $0xffff  }
0x404: {  	v35 =	vld [tilespmem:$0x1F500]  }
0x405: {  	[tilespmem:$0x1F5F0] =	vst v17;
	v6 =	vmul.f32 v6, v17;
	v17 =	vld [tilespmem:$0x1FBE0]  }
0x406: {  	v3 =	vld.idx.msk [tilespmem:v3+s2+$0x0], $0xffff;
	v48 =	vmul.f32 v48, v32  }
0x407: {  	v37 =	vmul.f32 v37, v39;
	[tilespmem:$0x1F640] =	vst v16;
	v5 =	vmul.f32 v5, v16;
	v16 =	vld [tilespmem:$0x1F520]  }
0x408: {  	v63 =	vadd.f32 v0, v63;
	v46 =	vmul.f32 v46, v33;
	v48 =	vadd.f32 v48, v61;
	v61 =	vld [tilespmem:$0x1FB80]  }
0x409: {  	v41 =	vmul.f32 v41, v34;
	v0 =	vmul.f32 v36, v35;
	v36 =	vmov v39;
	v39 =	vld.idx.msk [tilespmem:v8+s2+$0x0], $0xffff  }
0x40a: {  	v8 =	vadd.f32 v1, v2;
	v2 =	vmul.f32 v29, v45;
	v29 =	vld [tilespmem:$0x1FB60]  }
0x40b: {  	v24 =	vmul.f32 v24, v42;
	v41 =	vadd.f32 v41, v46;
	v46 =	vld [tilespmem:$0x1FBA0]  }
0x40c: {  	v37 =	vadd.f32 v37, v0;
	v0 =	vld.idx.msk [tilespmem:v18+s2+$0x0], $0xffff  }
0x40d: {  	v24 =	vadd.f32 v24, v2;
	v2 =	vld.idx.msk [tilespmem:v17+s2+$0x0], $0xffff  }
0x40e: {  	[tilespmem:$0x1F670] =	vst v15;
	v52 =	vmul.f32 v52, v60;
	v18 =	vmul.f32 v4, v15;
	v15 =	vld [tilespmem:$0x1FC00]  }
0x40f: {  	v5 =	vadd.f32 v5, v6;
	v17 =	vld [tilespmem:$0x1FC20]  }
0x410: {  	v1 =	vmul.f32 v16, v31;
	v31 =	vld [tilespmem:$0x1F560];
	v6 =	vadd.f32 v52, v18;
	v52 =	vadd.s32 $0x86C, v57  }
0x411: {  	v8 =	vadd.f32 v48, v8;
	v48 =	vld [tilespmem:$0x1F5B0]  }
0x412: {  	v37 =	vadd.f32 v37, v41;
	v41 =	vld [tilespmem:$0x1FAB0]  }
0x413: {  	v61 =	vld.idx.msk [tilespmem:v61+s2+$0x0], $0xffff  }
0x414: {  	v29 =	vld.idx.msk [tilespmem:v29+s2+$0x0], $0xffff  }
0x415: {  	v20 =	vmul.f32 v20, v27;
	v27 =	vld.idx.msk [tilespmem:v52+s2+$0x0], $0xffff  }
0x416: {  	v52 =	vld [tilespmem:$0x1FB30]  }
0x417: {  	v7 =	vmul.f32 v7, v50;
	v9 =	vmul.f32 v9, v40;
	v46 =	vld.idx.msk [tilespmem:v46+s2+$0x0], $0xffff  }
0x418: {  	v23 =	vmul.f32 v23, v38;
	v21 =	vmul.f32 v21, v44;
	v4 =	vld.idx.msk [tilespmem:v15+s2+$0x0], $0xffff;
	v15 =	vadd.s32 $0x867, v57  }
0x419: {  	v7 =	vadd.f32 v7, v9;
	v18 =	vmul.f32 v39, v53;
	v9 =	vld.idx.msk [tilespmem:v17+s2+$0x0], $0xffff  }
0x41a: {  	v21 =	vadd.f32 v21, v23;
	v16 =	vmul.f32 v61, v58;
	v61 =	vld [tilespmem:$0x1F570];
	v29 =	vmul.f32 v29, v54  }
0x41b: {  	v39 =	vadd.s32 $0x865, v57;
	v5 =	vadd.f32 v6, v5;
	v6 =	vmul.f32 v27, v45;
	v45 =	vld [tilespmem:$0x1FAF0]  }
0x41c: {  	v17 =	vadd.s32 $0x866, v57;
	v46 =	vmul.f32 v46, v59;
	v23 =	vadd.f32 v29, v18;
	v18 =	vld [tilespmem:$0x1F550]  }
0x41d: {  	[tilespmem:$0x1F810] =	vst v1;
	v0 =	vmul.f32 v0, v14;
	v2 =	vmul.f32 v2, v13;
	v1 =	vld.idx.msk [tilespmem:v15+s2+$0x0], $0xffff  }
0x41e: {  	v4 =	vmul.f32 v4, v12;
	v9 =	vmul.f32 v9, v11;
	v29 =	vadd.f32 v46, v16;
	v16 =	vld [tilespmem:$0x1F530]  }
0x41f: {  	v15 =	vld [tilespmem:$0x1F580];
	v46 =	vadd.s32 $0x869, v57  }
0x420: {  	v0 =	vadd.f32 v2, v0;
	v2 =	vadd.f32 v9, v4;
	v4 =	vld.idx.msk [tilespmem:v39+s2+$0x0], $0xffff;
	v9 =	vadd.s32 $0x86A, v57  }
0x421: {  	v39 =	vadd.f32 v51, v43;
	v43 =	vld.idx.msk [tilespmem:v17+s2+$0x0], $0xffff;
	v51 =	vadd.s32 $0x86B, v57  }
0x422: {  	v17 =	vld [tilespmem:$0x1F540]  }
0x423: {  	v22 =	vadd.f32 v22, v18;
	v26 =	vadd.f32 v26, v16;
	v16 =	vld [tilespmem:$0x1F590]  }
0x424: {  	v18 =	vadd.f32 v61, v31;
	v31 =	vadd.f32 v47, v55;
	v47 =	vld.idx.msk [tilespmem:v46+s2+$0x0], $0xffff  }
0x425: {  	[tilespmem:$0x1F820] =	vst v14;
	v7 =	vadd.f32 v7, v10;
	v0 =	vadd.f32 v2, v0;
	v9 =	vld.idx.msk [tilespmem:v9+s2+$0x0], $0xffff  }
0x426: {  	v14 =	vadd.f32 v62, v15;
	v62 =	vld.idx.msk [tilespmem:v51+s2+$0x0], $0xffff;
	v4 =	vmul.f32 v4, v28;
	v28 =	vadd.f32 v29, v23  }
0x427: {  	v25 =	vadd.f32 v25, v17;
	v17 =	vadd.s32 $0x86D, v57;
	v46 =	vld [tilespmem:$0x1FB10]  }
0x428: {  	v5 =	vadd.f32 v5, v7;
	v55 =	vadd.s32 $0x86E, v57;
	v51 =	vld [tilespmem:$0x1F5E0];
	v0 =	vadd.f32 v0, v28  }
0x429: {  	v28 =	vld [tilespmem:$0x1F640]  }
0x42a: {  	v0 =	vadd.f32 v0, v5;
	v5 =	vld.idx.msk [tilespmem:v41+s2+$0x0], $0xffff  }
0x42b: {  	v41 =	vld [tilespmem:$0x1F6F0]  }
0x42c: {  	v29 =	vld.idx.msk [tilespmem:v17+s2+$0x0], $0xffff  }
0x42d: {  	v15 =	vadd.f32 v56, v16;
	v16 =	vld.idx.msk [tilespmem:v55+s2+$0x0], $0xffff  }
0x42e: {  	[tilespmem:$0x1F830] =	vst v13;
	v13 =	vmul.f32 v47, v34;
	v34 =	vld [tilespmem:$0x1FA70]  }
0x42f: {  	v17 =	vmul.f32 v43, v30;
	v30 =	vadd.f32 v39, v26;
	v39 =	vld [tilespmem:$0x1FA90]  }
0x430: {  	v43 =	vld [tilespmem:$0x1FAD0]  }
0x431: {  	v61 =	vadd.s32 $0x86F, v57;
	v47 =	vld [tilespmem:$0x1F5A0]  }
0x432: {  	v55 =	vld [tilespmem:$0x1F5F0]  }
0x433: {  	v56 =	vadd.f32 v63, v19;
	v19 =	vmul.f32 v62, v36;
	v62 =	vld [tilespmem:$0x1F620]  }
0x434: {  	v9 =	vmul.f32 v9, v35;
	v35 =	vld [tilespmem:$0x1F6A0]  }
0x435: {  	v21 =	vadd.f32 v21, v24;
	v22 =	vadd.f32 v22, v25;
	v36 =	vld [tilespmem:$0x1F6B0]  }
0x436: {  	[tilespmem:$0x1F840] =	vst v12;
	v12 =	vadd.f32 v31, v15;
	v31 =	vld.idx.msk [tilespmem:v61+s2+$0x0], $0xffff  }
0x437: {  	v1 =	vmul.f32 v1, v32;
	v32 =	vadd.f32 v21, v37;
	v37 =	vadd.f32 v22, v30;
	v22 =	vld.idx.msk [tilespmem:v52+s2+$0x0], $0xffff  }
0x438: {  	v8 =	vadd.f32 v8, v56;
	v56 =	vld [tilespmem:$0x1F600]  }
0x439: {  	v61 =	vld [tilespmem:$0x1F610]  }
0x43a: {  	v30 =	vld [tilespmem:$0x1F660]  }
0x43b: {  	v63 =	vadd.s32 $0x870, v57;
	v52 =	vld [tilespmem:$0x1FBD0]  }
0x43c: {  	v14 =	vadd.f32 v14, v18;
	v18 =	vld.idx.msk [tilespmem:v46+s2+$0x0], $0xffff  }
0x43d: {  	v46 =	vld [tilespmem:$0x1F730]  }
0x43e: {  	v5 =	vmul.f32 v5, v50;
	v50 =	vld [tilespmem:$0x1F5D0]  }
0x43f: {  	v8 =	vadd.f32 v32, v8;
	v32 =	vld [tilespmem:$0x1F670]  }
0x440: {  	v3 =	vmul.f32 v3, v33;
	v33 =	vld.idx.msk [tilespmem:v63+s2+$0x0], $0xffff  }
0x441: {  	v63 =	vld [tilespmem:$0x1F630]  }
0x442: {  	v2 =	vmul.f32 v29, v42;
	v29 =	vld [tilespmem:$0x1F650]  }
0x443: {  	v16 =	vmul.f32 v16, v38;
	v38 =	vld [tilespmem:$0x1F6C0]  }
0x444: {  	v12 =	vadd.f32 v12, v14;
	v42 =	vld [tilespmem:$0x1FB90]  }
0x445: {  	v0 =	vadd.f32 v0, v8;
	v8 =	vld.idx.msk [tilespmem:v45+s2+$0x0], $0xffff  }
0x446: {  	v10 =	vadd.f32 v12, v37;
	v37 =	vld [tilespmem:$0x1FB70]  }
0x447: {  	v45 =	vld [tilespmem:$0x1F720]  }
0x448: {  	v12 =	vmul.f32 v31, v44;
	v31 =	vld [tilespmem:$0x1FB50]  }
0x449: {  	v44 =	vld [tilespmem:$0x1F710]  }
0x44a: {  	v23 =	vadd.f32 v61, v56;
	v56 =	vld [tilespmem:$0x1F7A0]  }
0x44b: {  	v22 =	vmul.f32 v22, v60;
	v60 =	vld [tilespmem:$0x1F7B0]  }
0x44c: {  	v61 =	vld [tilespmem:$0x1FBF0]  }
0x44d: {  	v7 =	vld.idx.msk [tilespmem:v34+s2+$0x0], $0xffff  }
0x44e: {  	v14 =	vld.idx.msk [tilespmem:v39+s2+$0x0], $0xffff  }
0x44f: {  	[tilespmem:$0x1F850] =	vst v11;
	v11 =	vld.idx.msk [tilespmem:v43+s2+$0x0], $0xffff  }
0x450: {  	v34 =	vld [tilespmem:$0x1F690]  }
0x451: {  	v39 =	vld [tilespmem:$0x1F6D0]  }
0x452: {  	v43 =	vld [tilespmem:$0x1F700]  }
0x453: {  	v21 =	vadd.f32 v51, v50;
	v50 =	vld [tilespmem:$0x1F760]  }
0x454: {  	v51 =	vld [tilespmem:$0x1F770]  }
0x455: {  	v15 =	vmul.f32 v33, v49;
	v49 =	vld [tilespmem:$0x1F5C0]  }
0x456: {  	v33 =	vld [tilespmem:$0x1F680]  }
0x457: {  	v24 =	vadd.f32 v63, v62;
	v62 =	vld [tilespmem:$0x1F7C0]  }
0x458: {  	v63 =	vld [tilespmem:$0x1F7D0]  }
0x459: {  	v25 =	vadd.f32 v30, v29;
	v29 =	vadd.f32 v36, v35;
	v36 =	vld [tilespmem:$0x1F7E0]  }
0x45a: {  	v14 =	vmul.f32 v14, v40;
	v40 =	vld [tilespmem:$0x1F6E0]  }
0x45b: {  	v7 =	vmul.f32 v7, v47;
	v47 =	vld [tilespmem:$0x1FBB0]  }
0x45c: {  	v18 =	vmul.f32 v18, v32;
	v32 =	vadd.f32 v44, v43;
	v44 =	vld.idx.msk [tilespmem:v52+s2+$0x0], $0xffff  }
0x45d: {  	v11 =	vmul.f32 v11, v55;
	v55 =	vld [tilespmem:$0x1F790]  }
0x45e: {  	v52 =	vld [tilespmem:$0x1F810]  }
0x45f: {  	v26 =	vld.idx.msk [tilespmem:v31+s2+$0x0], $0xffff  }
0x460: {  	v30 =	vld.idx.msk [tilespmem:v37+s2+$0x0], $0xffff  }
0x461: {  	v0 =	vadd.f32 v0, v10;
	v37 =	vld.idx.msk [tilespmem:v42+s2+$0x0], $0xffff  }
0x462: {  	v3 =	vadd.f32 v13, v3;
	v9 =	vadd.f32 v19, v9;
	v42 =	vld [tilespmem:$0x1FC10]  }
0x463: {  	v0 =	vsub.f32 $0.0e+00, v0;
	v43 =	vadd.f32 v51, v50;
	v51 =	vld [tilespmem:$0x1F800]  }
0x464: {  	v4 =	vadd.f32 v4, v20;
	v1 =	vadd.f32 v1, v17;
	v26 =	vmul.f32 v26, v53;
	v53 =	vld [tilespmem:$0x1F780]  }
0x465: {  	v3 =	vadd.f32 v9, v3;
	v0 =	vmul.f32 $1.442695020e+00, v0;
	v10 =	vadd.f32 v49, v48;
	v48 =	vld [tilespmem:$0x1F740]  }
0x466: {  	v2 =	vadd.f32 v2, v6;
	v12 =	vadd.f32 v12, v16;
	v49 =	vld [tilespmem:$0x1F750]  }
0x467: {  	(erf) = vpow2.f32 v0;
	v31 =	vadd.f32 v39, v38;
	v39 =	vadd.f32 v46, v45;
	v46 =	vld.idx.msk [tilespmem:v61+s2+$0x0], $0xffff  }
0x468: {  	v2 =	vadd.f32 v12, v2;
	v45 =	vadd.f32 v60, v56;
	v56 =	vld [tilespmem:$0x1F830]  }
0x469: {  	v35 =	vadd.f32 v41, v40;
	v40 =	vadd.f32 v55, v53;
	v53 =	vld [tilespmem:$0x1FC30]  }
0x46a: {  	v1 =	vadd.f32 v1, v4;
	v8 =	vmul.f32 v8, v28;
	v2 =	vadd.f32 v2, v3;
	v55 =	vld [tilespmem:$0x1F820]  }
0x46b: {  	v27 =	vadd.f32 v34, v33;
	v38 =	vld [tilespmem:$0x1F7F0];
	v7 =	vadd.f32 v7, v15  }
0x46c: {  	v5 =	vadd.f32 v5, v14;
	v8 =	vadd.f32 v8, v11;
	v41 =	vld.idx.msk [tilespmem:v47+s2+$0x0], $0xffff  }
0x46d: {  	v60 =	vadd.f32 v22, v18;
	v10 =	vadd.f32 v21, v10  }
0x46e: {  	v31 =	vadd.f32 v31, v29;
	v37 =	vmul.f32 v37, v58;
	v28 =	vadd.f32 v52, v51  }
0x46f: {  	v58 =	vld [tilespmem:$0x1F840];
	v6 =	vmul.f32 v46, v56;
	v47 =	vadd.f32 v63, v62;
	v62 =	vpop (erf);
	v13 =	vmul.f32 v44, v55  }
0x470: {  	v30 =	vmul.f32 v30, v54;
	v0 =	vadd.f32 v49, v48;
	v48 =	vadd.f32 v38, v36;
	v49 =	vld.idx.msk [tilespmem:v42+s2+$0x0], $0xffff;
	v22 =	vpop (erf)  }
0x471: {  	v54 =	vmul.f32 v41, v59;
	v59 =	vld [tilespmem:$0x1F850];
	v6 =	vadd.f32 v6, v13;
	v13 =	vadd.f32 $1.000000000e+00, v22  }
0x472: {  	v33 =	vadd.f32 v32, v35;
	v38 =	vadd.f32 v60, v8;
	v20 =	vld.idx.msk [tilespmem:v53+s2+$0x0], $0xffff  }
0x473: {  	v61 =	vadd.f32 v30, v26;
	v26 =	vadd.f32 v24, v23;
	(erf) = vrcp.f32 v13  }
0x474: {  	v0 =	vadd.f32 v0, v39;
	v36 =	vadd.f32 v28, v48  }
0x475: {  	v30 =	vadd.f32 v27, v25;
	v35 =	vadd.f32 v47, v45  }
0x476: {  	v0 =	vadd.f32 v0, v33;
	v1 =	vadd.f32 v1, v36  }
0x477: {  	v41 =	vadd.f32 v31, v30;
	v15 =	vmul.f32 v49, v58;
	v11 =	vmul.f32 v20, v59  }
0x478: {  	v1 =	vadd.f32 v2, v1;
	v34 =	vadd.f32 v40, v43  }
0x479: {  	v63 =	vadd.f32 v54, v37;
	v11 =	vadd.f32 v11, v15  }
0x47a: {  	v40 =	vadd.f32 v26, v10;
	v37 =	vadd.f32 v5, v7  }
0x47b: {  	v39 =	vadd.f32 v63, v61;
	v6 =	vadd.f32 v11, v6  }
0x47c: {  	v42 =	vadd.f32 v35, v34;
	v4 =	vadd.f32 v38, v37;
	v43 =	vpop (erf)  }
0x47d: {  	v3 =	vsub.f32 $1.000000000e+00, v43;
	v44 =	vadd.f32 v6, v39  }
0x47e: {  	v45 =	vadd.f32 v41, v40;
	v0 =	vadd.f32 v42, v0  }
0x47f: {  	v3 =	vadd.f32 $9.999946100e-41, v3;
	v46 =	vadd.f32 v44, v4;
	_ =	sdelay $0x1  }
0x480: {  	v0 =	vadd.f32 v0, v45;
	v47 =	vand.u32 $0x7FFFFF, v3;
	v1 =	vadd.f32 v46, v1  }
0x481: {  	v48 =	vor.u32 $0x3F800000, v47  }
0x482: {  	v4 =	vmul.f32 $5.000000000e-01, v48;
	v0 =	vadd.f32 v1, v0  }
0x483: {  	vm6 =	vgt.f32 v48, $1.414213540e+00  }
0x484: {  	v49 =	vsel vm6, v4, v48;
	v0 =	vsub.f32 $0.0e+00, v0  }
0x485: {  	v2 =	vadd.f32 $1.000000000e+00, v49  }
0x486: {  	v0 =	vmul.f32 $1.442695020e+00, v0  }
0x487: {  	(erf) = vrcp.f32 v2  }
0x488: {  	(erf) = vpow2.f32 v0;
	_ =	sdelay $0x7  }
0x489: {  	v50 =	vpop (erf)  }
0x48a: {  	v51 =	vpop (erf)  }
0x48b: {  	v2 =	vadd.f32 $1.000000000e+00, v51;
	_ =	sdelay $0x1  }
0x48c: {  	(erf) = vrcp.f32 v2;
	_ =	sdelay $0x8  }
0x48d: {  	v2 =	vpop (erf)  }
0x48e: {  	v2 =	vsub.f32 $1.000000000e+00, v2;
	_ =	sdelay $0x1  }
0x48f: {  	v2 =	vadd.f32 $9.999946100e-41, v2;
	_ =	sdelay $0x1  }
0x490: {  	v52 =	vand.u32 $0x7FFFFF, v2  }
0x491: {  	v4 =	vor.u32 $0x3F800000, v52  }
0x492: {  	v53 =	vmul.f32 $5.000000000e-01, v4  }
0x493: {  	vm15 =	vgt.f32 v4, $1.414213540e+00  }
0x494: {  	v4 =	vsel vm15, v53, v4  }
0x495: {  	v5 =	vadd.f32 $1.000000000e+00, v4;
	_ =	sdelay $0x1  }
0x496: {  	(erf) = vrcp.f32 v5;
	_ =	sdelay $0x6  }
0x497: {  	v1 =	vadd.f32 $-1.000000000e+00, v49  }
0x498: {  	v4 =	vadd.f32 $-1.000000000e+00, v4  }
0x499: {  	v0 =	vmul.f32 v50, v1;
	v54 =	vpop (erf)  }
0x49a: {  	v1 =	vmul.f32 v54, v4  }
0x49b: {  	v55 =	vmul.f32 v0, v0  }
0x49c: {  	v56 =	vmul.f32 v1, v1  }
0x49d: {  	v58 =	vmul.f32 $1.428571490e-01, v55  }
0x49e: {  	v59 =	vmul.f32 $1.428571490e-01, v56  }
0x49f: {  	v6 =	vadd.f32 $2.000000030e-01, v58  }
0x4a0: {  	v7 =	vadd.f32 $2.000000030e-01, v59  }
0x4a1: {  	v3 =	vshra.s32 v3, $0x17;
	v6 =	vmul.f32 v6, v55  }
0x4a2: {  	v3 =	vadd.s32 $0xFFFFFF81, v3;
	v2 =	vshra.s32 v2, $0x17;
	v7 =	vmul.f32 v7, v56  }
0x4a3: {  	v3 =	vcvt.s32.f32 v3;
	v6 =	vadd.f32 $3.333333430e-01, v6;
	v2 =	vadd.s32 $0xFFFFFF81, v2  }
0x4a4: {  	v2 =	vcvt.s32.f32 v2;
	v7 =	vadd.f32 $3.333333430e-01, v7  }
0x4a5: {  	v60 =	vadd.f32 $1.000000000e+00, v3;
	v4 =	vmul.f32 v6, v55  }
0x4a6: {  	v61 =	vadd.f32 $1.000000000e+00, v2;
	v5 =	vmul.f32 v7, v56  }
0x4a7: {  	v3 =	vsel vm6, v60, v3;
	v0 =	vadd.f32 v0, v0;
	v4 =	vadd.f32 $1.000000000e+00, v4  }
0x4a8: {  	v2 =	vsel vm15, v61, v2;
	v1 =	vadd.f32 v1, v1;
	v5 =	vadd.f32 $1.000000000e+00, v5  }
0x4a9: {  	v3 =	vmul.f32 $6.931471820e-01, v3;
	v2 =	vmul.f32 $6.931471820e-01, v2  }
0x4aa: {  	v0 =	vmul.f32 v4, v0;
	v1 =	vmul.f32 v5, v1;
	_ =	sdelay $0x1  }
0x4ab: {  	v0 =	vadd.f32 v0, v3;
	v1 =	vadd.f32 v1, v2;
	_ =	sdelay $0x1  }
0x4ac: {  	v0 =	vadd.f32 v1, v0;
	_ =	sdelay $0x1  }
0x4ad: {  	v0 =	vadd.f32 $-1.000000000e+00, v0;
	_ =	sdelay $0x1  }
0x4ae: {  	(erf) = vrcp.f32 v0;
	_ =	sdelay $0x8  }
0x4af: {  	v62 =	vadd.f32 $1.000000000e+00, v62;
	v63 =	vpop (erf)  }
0x4b0: {  	v1 =	vadd.f32 $1.000000000e+00, v63  }
0x4b1: {  	p0 =	sne.s32 s6, $0x1;
	[tilespmem:$0x1800] =	vst v62  }
.Ltmp0:
0x4b2: {  	[tilespmem:$0x1810] =	vst v1;
	(pc) =	sbr.rel @p0 .LBB2_1-.Ltmp0, $4  }
0x4b3: {  	[hbm4b:s5+s2] =	stream.linear.scatter [tilespmem:s9], [sflag:$0x2], $0x20, $0x38;
	[tilespmem:$0x1820] =	vst v63  }
0x4b4: {  	_ =	swait.ge [sflag:s10], $0x20  }
0x4b5: {  	[sflag:s10] =	ssyncset.done $0x0  }
0x4b6: {  	s6 =	sadd.s32 $0xFFFFFFFF, s6;
	[sflag:s10] =	ssyncadd.s32 $0xFFFFFFE0  }
0x4b7: {  	_ =	sfence.sel $0x180000  }
0x4b8: {  	[bflag:$0x0] =	sbarrier.arrive $0xFFFF  }
0x4b9: {  	p0 =	sne.s32 s0, $0x0;
	_ =	strace $0x90000047  }
0x4ba: {  	s0 =	sadd.s32 @!p0 $0x100000, s1;
	[bflag:$0x2] =	sbarrier.arrive $0xFFFF  }
0x4bb: {  	[sflag:s0] =	ssyncadd.tile.s32 @!p0 $0x1;
	_ =	shalt  }
.Lfunc_end2:
_tile_overlayer_lowered:
.L_overlay_start_2:
0x4bc: {  	(tag) =	ssettag $0x2  }
0x4bd: {  	s0 =	rddreg [dreg:$0x0];
	s2 =	stileid.u32  }
0x4be: {  	s1 =	rddreg [dreg:$0x1];
	p0 =	sne.s32 s2, $0x0  }
0x4bf: {  	s3 =	rddreg [dreg:$0x2];
	[bflag:$0x3] =	sbarrier.arrive $0xFFFF;
	s2 =	simm.s32 @!p0 $0x1C02  }
0x4c0: {  	[timem:s3], [sflag:s2] =	dma.local @!p0 [hbm:s0], s1  }
0x4c1: {  	s0 =	simm.s32 @!p0 $0x2  }
0x4c2: {  	_ =	swait.ge @!p0 [sflag:s0], s1  }
0x4c3: {  	s1 =	ssub.s32 @!p0 $0x0, s1;
	[sflag:s0] =	ssyncset.done @!p0 $0x0  }
0x4c4: {  	[sflag:s0] =	ssyncadd.s32 @!p0 s1  }
0x4c5: {  	[bflag:$0x3] =	sbarrier.arrive $0xFFFF  }
0x4c6: {  	_ =	shalt  }

</sc_bundles>
